<compile_context>
chip_gen: v7x
topology: tpu7x:2x2x1
jax: 0.10.2.dev20260603
libtpu: 0.0.44.dev20260713+nightly
codegen_flags: <defaults>
</compile_context>

<pallas_src>
import functools

import jax
import jax.numpy as jnp
from jax import lax
from jax.experimental import pallas as pl
from jax.experimental.pallas import tpu as pltpu
from jax.experimental.pallas import tpu_sc as plsc

NC = 2
NS = 16
L = 16
K = 8


def _degree_body(np_, ept, ei_ref, hist_ref, idx_v, hist_v):
    c = lax.axis_index("c")
    s = lax.axis_index("s")
    row = 1 - c
    pltpu.sync_copy(ei_ref.at[row, pl.ds(s * ept, ept)], idx_v)
    zeros = jnp.zeros((L,), jnp.float32)
    ones = jnp.ones((L,), jnp.float32)

    def zero_body(i, _):
        hist_v[pl.ds(i * L, L)] = zeros
        return 0

    lax.fori_loop(0, np_ // L, zero_body, 0)

    def count_body(i, _):
        for u in range(4):
            iv = idx_v[pl.ds((i * 4 + u) * L, L)]
            plsc.addupdate_scatter(hist_v, [iv], ones)
        return 0

    lax.fori_loop(0, ept // (L * 4), count_body, 0)
    pltpu.sync_copy(hist_v, hist_ref.at[c, s])


def _gs_body(cpt, sg, rpt, ei2_ref, z_ref, x_ref, zrow_ref, ts_ref,
             idx_g, idx_s, *rest):
    bufs = rest[:K]
    acc = rest[K]
    gsem = rest[K + 1:2 * K + 1]
    ssem = rest[2 * K + 1:3 * K + 1]
    isem_g, isem_s = rest[3 * K + 1], rest[3 * K + 2]
    c = lax.axis_index("c")
    s = lax.axis_index("s")
    pltpu.sync_copy(zrow_ref.at[pl.ds(s * rpt, rpt)], acc.at[pl.ds(s * rpt, rpt)])
    plsc.subcore_barrier()

    nstages = cpt // sg

    def run(table_ref):
        def wait_g(b):
            pltpu.make_async_copy(table_ref.at[idx_g.at[0, 0]], bufs[b], gsem[b]).wait()

        def wait_s(b):
            pltpu.make_async_copy(bufs[b], acc.at[idx_s.at[0, 0]], ssem[b]).wait()

        def load_idx(slot, st):
            base = s * cpt + st * sg
            pltpu.async_copy(ei2_ref.at[c, pl.ds(base, sg)], idx_g.at[slot], isem_g)
            pltpu.async_copy(ei2_ref.at[1 - c, pl.ds(base, sg)], idx_s.at[slot], isem_s)

        def wait_idx():
            pltpu.make_async_copy(ei2_ref.at[c, pl.ds(0, sg)], idx_g.at[0], isem_g).wait()
            pltpu.make_async_copy(ei2_ref.at[1 - c, pl.ds(0, sg)], idx_s.at[0], isem_s).wait()

        ngroups = cpt // K
        load_idx(0, 0)
        wait_idx()

        @pl.when(nstages > 1)
        def _():
            load_idx(1, 1)

        for b in range(K):
            pltpu.async_copy(table_ref.at[idx_g.at[0, b]], bufs[b], gsem[b])

        def group(g, _):
            st = (g * K) // sg
            slot = lax.rem(st, 2)
            q0 = lax.rem(g * K, sg)
            g1 = g + 1
            st1 = (g1 * K) // sg
            slot1 = lax.rem(st1, 2)
            q1 = lax.rem(g1 * K, sg)
            for b in range(K):
                wait_g(b)
                pltpu.async_copy(bufs[b], acc.at[idx_s.at[slot, q0 + b]],
                                 ssem[b], add=True)

            @pl.when(jnp.logical_and(g1 < ngroups, q1 == 0))
            def _():
                wait_idx()

                @pl.when(st1 + 1 < nstages)
                def _():
                    load_idx(1 - slot1, st1 + 1)

            @pl.when(g1 < ngroups)
            def _():
                for b in range(K):
                    wait_s(b)
                    pltpu.async_copy(table_ref.at[idx_g.at[slot1, q1 + b]],
                                     bufs[b], gsem[b])

            @pl.when(g1 == ngroups)
            def _():
                for b in range(K):
                    wait_s(b)

            return 0

        lax.fori_loop(0, ngroups, group, 0)

    @pl.when(c == 0)
    def _():
        run(z_ref)

    @pl.when(c == 1)
    def _():
        run(x_ref)

    plsc.subcore_barrier()
    pltpu.sync_copy(acc.at[pl.ds(s * rpt, rpt)], ts_ref.at[c, pl.ds(s * rpt, rpt)])


def _z_body(x_ref, w_ref, h0_ref, z_ref):
    indeg = jnp.sum(h0_ref[...], axis=0)
    dis = lax.rsqrt(indeg + 1.0)
    xw = jnp.dot(x_ref[...], w_ref[...], preferred_element_type=jnp.float32)
    z_ref[...] = xw * dis[:, None]


def _final_body(x_ref, s_ref, t_ref, z_ref, h0_ref, h1_ref, wd_ref,
                bg_ref, bd_ref, o_ref):
    indeg = jnp.sum(h0_ref[...], axis=0)
    cnt = jnp.sum(h1_ref[...], axis=0)
    dis = lax.rsqrt(indeg + 1.0)
    h = jnp.maximum(dis[:, None] * (t_ref[...] + z_ref[...]) + bg_ref[...], 0.0)
    proj = jnp.dot(x_ref[...] * s_ref[...], wd_ref[...],
                   preferred_element_type=jnp.float32)
    o_ref[...] = h + proj + cnt[:, None] * bd_ref[...]


def kernel(x, edge_index, W_gcn, b_gcn, W_diff, b_diff):
    N, D = x.shape
    E = edge_index.shape[1]

    chunk = 32
    sg = 32
    n_chunks = -(-E // (NS * sg * chunk)) * (NS * sg)
    EP = n_chunks * chunk
    cpt = n_chunks // NS
    ept = EP // NS
    NP = -(-(N + 1) // 128) * 128
    rpt = NP // NS

    ei = jnp.concatenate(
        [edge_index.astype(jnp.int32),
         jnp.full((2, EP - E), N, jnp.int32)], axis=1)
    ei2 = ei.reshape(2, n_chunks, chunk)
    x_p = jnp.concatenate([x, jnp.zeros((NP - N, D), x.dtype)], axis=0)
    zrow = jnp.zeros((NP, D), jnp.float32)

    mesh = plsc.VectorSubcoreMesh(core_axis_name="c", subcore_axis_name="s")
    sc_params = pltpu.CompilerParams(needs_layout_passes=False)

    hist = pl.kernel(
        functools.partial(_degree_body, NP, ept),
        out_type=jax.ShapeDtypeStruct((NC, NS, NP), jnp.float32),
        mesh=mesh,
        compiler_params=sc_params,
        scratch_types=[
            pltpu.VMEM((ept,), jnp.int32),
            pltpu.VMEM((NP,), jnp.float32),
        ],
    )(ei)
    h0 = hist[0]
    h1 = hist[1]

    z = pl.pallas_call(
        _z_body,
        out_shape=jax.ShapeDtypeStruct((NP, D), jnp.float32),
    )(x_p, W_gcn, h0)

    ts = pl.kernel(
        functools.partial(_gs_body, cpt, sg, rpt),
        out_type=jax.ShapeDtypeStruct((NC, NP, D), jnp.float32),
        mesh=mesh,
        compiler_params=sc_params,
        scratch_types=(
            [pltpu.VMEM((2, sg, chunk), jnp.int32)] * 2
            + [pltpu.VMEM((chunk, D), jnp.float32)] * K
            + [pltpu.VMEM_SHARED((NP, D), jnp.float32)]
            + [pltpu.SemaphoreType.DMA] * (2 * K + 2)
        ),
    )(ei2, z, x_p, zrow)

    out = pl.pallas_call(
        _final_body,
        out_shape=jax.ShapeDtypeStruct((NP, D), jnp.float32),
    )(x_p, ts[1], ts[0], z, h0, h1, W_diff,
      b_gcn.reshape(1, D), b_diff.reshape(1, D))

    return out[:N]

# --- scband reference (transcript-rebuilt; emitter-appended) ---
"""Pipeline reference for scband-complementary-gcn-34342558499352 (READ-ONLY COPY).

The authoritative reference and input builder live on the scoring server;
editing this copy changes nothing except your own understanding.
"""

import jax, jax.numpy as jnp
import numpy as np

N = 10000
E = 320000
D_IN = 128
D_OUT = 128


def setup_inputs(seed: int = 0) -> dict:
    key = jax.random.key(seed)
    k1, k2, k3, k4, k5, k6 = jax.random.split(key, 6)
    x = jax.random.normal(k1, (N, D_IN), dtype=jnp.float32)
    edge_index = jax.random.randint(k2, (2, E), 0, N, dtype=jnp.int32)
    # GCNConv parameters (weight stored as [in, out] for x @ W)
    W_gcn = jax.random.normal(k3, (D_IN, D_OUT), dtype=jnp.float32) * (1.0 / np.sqrt(D_IN))
    b_gcn = jnp.zeros((D_OUT,), dtype=jnp.float32)
    # diff_proj Linear parameters
    W_diff = jax.random.normal(k4, (D_IN, D_OUT), dtype=jnp.float32) * (1.0 / np.sqrt(D_IN))
    b_diff = jax.random.uniform(k5, (D_OUT,), dtype=jnp.float32, minval=-1.0 / np.sqrt(D_IN), maxval=1.0 / np.sqrt(D_IN))
    return {"x": x, "edge_index": edge_index, "W_gcn": W_gcn, "b_gcn": b_gcn, "W_diff": W_diff, "b_diff": b_diff}


def _gcn_conv(x, edge_index, W, b):
    # Faithful to PyG GCNConv defaults: add self-loops, symmetric normalization,
    # linear transform, scatter-add aggregation at target nodes, then bias.
    src = edge_index[0]
    dst = edge_index[1]
    loop = jnp.arange(N, dtype=src.dtype)
    src2 = jnp.concatenate([src, loop])
    dst2 = jnp.concatenate([dst, loop])
    deg = jnp.zeros((N,), dtype=x.dtype).at[dst2].add(1.0)
    deg_inv_sqrt = jnp.where(deg > 0, jax.lax.rsqrt(jnp.maximum(deg, 1e-12)), 0.0)
    norm = deg_inv_sqrt[src2] * deg_inv_sqrt[dst2]
    xw = x @ W
    msgs = xw[src2] * norm[:, None]
    out = jnp.zeros((N, W.shape[1]), dtype=x.dtype).at[dst2].add(msgs)
    return out + b


def reference(x, edge_index, W_gcn, b_gcn, W_diff, b_diff):
    h = _gcn_conv(x, edge_index, W_gcn, b_gcn)
    h = jax.nn.relu(h)
    row = edge_index[0]
    col = edge_index[1]
    comp = x[col] * x[row]
    proj = comp @ W_diff + b_diff
    comp_msg = jnp.zeros((N, D_OUT), dtype=x.dtype).at[row].add(proj)
    return h + comp_msg

if __name__ == "__main__":
    import jax
    _d = setup_inputs()
    print(jax.jit(kernel)(*tuple(_d.values())))

</pallas_src>

<mosaic_0001>
#map = affine_map<(d0, d1) -> (0, 0, 0)>
#map1 = affine_map<(d0, d1) -> (0, 0)>
module attributes {stable_mosaic.version = 14 : i64} {
  func.func @_gs_body(%arg0: i32, %arg1: i32, %arg2: memref<2x10240x32xi32, #tpu.memory_space<hbm>>, %arg3: memref<10112x128xf32, #tpu.memory_space<hbm>>, %arg4: memref<10112x128xf32, #tpu.memory_space<hbm>>, %arg5: memref<10112x128xf32, #tpu.memory_space<hbm>>, %arg6: memref<2x10112x128xf32, #tpu.memory_space<hbm>>, %arg7: memref<2x32x32xi32, #tpu.memory_space<vmem>>, %arg8: memref<2x32x32xi32, #tpu.memory_space<vmem>>, %arg9: memref<32x128xf32, #tpu.memory_space<vmem>>, %arg10: memref<32x128xf32, #tpu.memory_space<vmem>>, %arg11: memref<32x128xf32, #tpu.memory_space<vmem>>, %arg12: memref<32x128xf32, #tpu.memory_space<vmem>>, %arg13: memref<32x128xf32, #tpu.memory_space<vmem>>, %arg14: memref<32x128xf32, #tpu.memory_space<vmem>>, %arg15: memref<32x128xf32, #tpu.memory_space<vmem>>, %arg16: memref<32x128xf32, #tpu.memory_space<vmem>>, %arg17: memref<10112x128xf32, #tpu.memory_space<vmem_shared>>, %arg18: memref<!tpu.dma_semaphore, #tpu.memory_space<semaphore_mem>>, %arg19: memref<!tpu.dma_semaphore, #tpu.memory_space<semaphore_mem>>, %arg20: memref<!tpu.dma_semaphore, #tpu.memory_space<semaphore_mem>>, %arg21: memref<!tpu.dma_semaphore, #tpu.memory_space<semaphore_mem>>, %arg22: memref<!tpu.dma_semaphore, #tpu.memory_space<semaphore_mem>>, %arg23: memref<!tpu.dma_semaphore, #tpu.memory_space<semaphore_mem>>, %arg24: memref<!tpu.dma_semaphore, #tpu.memory_space<semaphore_mem>>, %arg25: memref<!tpu.dma_semaphore, #tpu.memory_space<semaphore_mem>>, %arg26: memref<!tpu.dma_semaphore, #tpu.memory_space<semaphore_mem>>, %arg27: memref<!tpu.dma_semaphore, #tpu.memory_space<semaphore_mem>>, %arg28: memref<!tpu.dma_semaphore, #tpu.memory_space<semaphore_mem>>, %arg29: memref<!tpu.dma_semaphore, #tpu.memory_space<semaphore_mem>>, %arg30: memref<!tpu.dma_semaphore, #tpu.memory_space<semaphore_mem>>, %arg31: memref<!tpu.dma_semaphore, #tpu.memory_space<semaphore_mem>>, %arg32: memref<!tpu.dma_semaphore, #tpu.memory_space<semaphore_mem>>, %arg33: memref<!tpu.dma_semaphore, #tpu.memory_space<semaphore_mem>>, %arg34: memref<!tpu.dma_semaphore, #tpu.memory_space<semaphore_mem>>, %arg35: memref<!tpu.dma_semaphore, #tpu.memory_space<semaphore_mem>>) attributes {dimension_semantics = [#tpu.dimension_semantics<core_parallel>, #tpu.dimension_semantics<subcore_parallel>], iteration_bounds = array<i64: 2, 16>, scalar_prefetch = 0 : i64, scratch_operands = 29 : i64, tpu.core_type = #tpu.core_type<sc_vector_subcore>, window_params = [{transform_indices = #map}, {transform_indices = #map1}, {transform_indices = #map1}, {transform_indices = #map1}, {transform_indices = #map}]} {
    %mul3A = arith.constant 632 : i32
    %mul3A_0 = arith.muli %arg1, %mul3A : i32
    %mul3A_1 = arith.constant 632 : i32
    %mul3A_2 = arith.muli %arg1, %mul3A_1 : i32
    "tpu.region"() ({
      %run_scoped3A = tpu.sem_alloc : memref<!tpu.dma_semaphore, #tpu.memory_space<semaphore_mem>>
      %dma_start3A = arith.constant 0 : i32
      %dma_start3A_15 = tpu.memref_slice %arg17[%mul3A_2, %dma_start3A] : memref<10112x128xf32, #tpu.memory_space<vmem_shared>> -> memref<632x128xf32, #tpu.memory_space<vmem_shared>>
      %dma_start3A_16 = arith.constant 0 : i32
      %dma_start3A_17 = tpu.memref_slice %arg5[%mul3A_0, %dma_start3A_16] : memref<10112x128xf32, #tpu.memory_space<hbm>> -> memref<632x128xf32, #tpu.memory_space<hbm>>
      tpu.enqueue_dma source(%dma_start3A_17 : memref<632x128xf32, #tpu.memory_space<hbm>>) target(%dma_start3A_15 : memref<632x128xf32, #tpu.memory_space<vmem_shared>>) target_semaphore(%run_scoped3A : memref<!tpu.dma_semaphore, #tpu.memory_space<semaphore_mem>>)
      %dma_wait3A = arith.constant 0 : i32
      %dma_wait3A_18 = tpu.memref_slice %arg17[%mul3A_2, %dma_wait3A] : memref<10112x128xf32, #tpu.memory_space<vmem_shared>> -> memref<632x128xf32, #tpu.memory_space<vmem_shared>>
      %dma_wait3A_19 = arith.constant 0 : i32
      %dma_wait3A_20 = tpu.memref_slice %arg5[%mul3A_0, %dma_wait3A_19] : memref<10112x128xf32, #tpu.memory_space<hbm>> -> memref<632x128xf32, #tpu.memory_space<hbm>>
      tpu.wait_dma2 semaphore(%run_scoped3A : memref<!tpu.dma_semaphore, #tpu.memory_space<semaphore_mem>>) src(%dma_wait3A_20 : memref<632x128xf32, #tpu.memory_space<hbm>>) dst(%dma_wait3A_18 : memref<632x128xf32, #tpu.memory_space<vmem_shared>>)
      tpu.yield
    }) : () -> ()
    %barrier3A = arith.constant 0 : index
    tpu.barrier barrier_id(%barrier3A)
    %eq3A = arith.constant 0 : i32
    %eq3A_3 = arith.cmpi eq, %arg0, %eq3A : i32
    %convert_element_type3A = arith.extui %eq3A_3 : i1 to i32
    %cond3A = arith.constant 0 : i32
    %cond3A_4 = arith.cmpi ne, %convert_element_type3A, %cond3A : i32
    scf.if %cond3A_4 {
      %mul3A_15 = arith.constant 640 : i32
      %mul3A_16 = arith.muli %arg1, %mul3A_15 : i32
      %add3A = arith.constant 0 : i32
      %add3A_17 = arith.addi %mul3A_16, %add3A : i32
      %dma_start3A = arith.constant 0 : i32
      %dma_start3A_18 = arith.constant 0 : i32
      %dma_start3A_19 = arith.constant 0 : i32
      %dma_start3A_20 = tpu.memref_slice %arg7[%dma_start3A, %dma_start3A_18, %dma_start3A_19] : memref<2x32x32xi32, #tpu.memory_space<vmem>> -> memref<1x32x32xi32, #tpu.memory_space<vmem>>
      %dma_start3A_21 = tpu.memref_squeeze %dma_start3A_20 : memref<1x32x32xi32, #tpu.memory_space<vmem>> -> memref<32x32xi32, #tpu.memory_space<vmem>>
      %dma_start3A_22 = arith.constant 0 : i32
      %dma_start3A_23 = tpu.memref_slice %arg2[%arg0, %add3A_17, %dma_start3A_22] : memref<2x10240x32xi32, #tpu.memory_space<hbm>> -> memref<1x32x32xi32, #tpu.memory_space<hbm>>
      %dma_start3A_24 = tpu.memref_squeeze %dma_start3A_23 : memref<1x32x32xi32, #tpu.memory_space<hbm>> -> memref<32x32xi32, #tpu.memory_space<hbm>>
      %dma_start3A_25 = arith.constant 0 : i32
      %dma_start3A_26 = arith.constant 0 : i32
      %dma_start3A_27 = tpu.memref_slice %arg7[%dma_start3A, %dma_start3A_25, %dma_start3A_26] : memref<2x32x32xi32, #tpu.memory_space<vmem>> -> memref<1x32x32xi32, #tpu.memory_space<vmem>>
      %dma_start3A_28 = tpu.memref_squeeze %dma_start3A_27 : memref<1x32x32xi32, #tpu.memory_space<vmem>> -> memref<32x32xi32, #tpu.memory_space<vmem>>
      %dma_start3A_29 = arith.constant 0 : i32
      %dma_start3A_30 = tpu.memref_slice %arg2[%arg0, %add3A_17, %dma_start3A_29] : memref<2x10240x32xi32, #tpu.memory_space<hbm>> -> memref<1x32x32xi32, #tpu.memory_space<hbm>>
      %dma_start3A_31 = tpu.memref_squeeze %dma_start3A_30 : memref<1x32x32xi32, #tpu.memory_space<hbm>> -> memref<32x32xi32, #tpu.memory_space<hbm>>
      tpu.enqueue_dma source(%dma_start3A_31 : memref<32x32xi32, #tpu.memory_space<hbm>>) target(%dma_start3A_28 : memref<32x32xi32, #tpu.memory_space<vmem>>) target_semaphore(%arg34 : memref<!tpu.dma_semaphore, #tpu.memory_space<semaphore_mem>>)
      %sub3A = arith.constant 1 : i32
      %sub3A_32 = arith.subi %sub3A, %arg0 : i32
      %dma_start3A_33 = arith.constant 0 : i32
      %dma_start3A_34 = arith.constant 0 : i32
      %dma_start3A_35 = arith.constant 0 : i32
      %dma_start3A_36 = tpu.memref_slice %arg8[%dma_start3A_33, %dma_start3A_34, %dma_start3A_35] : memref<2x32x32xi32, #tpu.memory_space<vmem>> -> memref<1x32x32xi32, #tpu.memory_space<vmem>>
      %dma_start3A_37 = tpu.memref_squeeze %dma_start3A_36 : memref<1x32x32xi32, #tpu.memory_space<vmem>> -> memref<32x32xi32, #tpu.memory_space<vmem>>
      %dma_start3A_38 = arith.constant 0 : i32
      %dma_start3A_39 = tpu.memref_slice %arg2[%sub3A_32, %add3A_17, %dma_start3A_38] : memref<2x10240x32xi32, #tpu.memory_space<hbm>> -> memref<1x32x32xi32, #tpu.memory_space<hbm>>
      %dma_start3A_40 = tpu.memref_squeeze %dma_start3A_39 : memref<1x32x32xi32, #tpu.memory_space<hbm>> -> memref<32x32xi32, #tpu.memory_space<hbm>>
      %dma_start3A_41 = arith.constant 0 : i32
      %dma_start3A_42 = arith.constant 0 : i32
      %dma_start3A_43 = tpu.memref_slice %arg8[%dma_start3A_33, %dma_start3A_41, %dma_start3A_42] : memref<2x32x32xi32, #tpu.memory_space<vmem>> -> memref<1x32x32xi32, #tpu.memory_space<vmem>>
      %dma_start3A_44 = tpu.memref_squeeze %dma_start3A_43 : memref<1x32x32xi32, #tpu.memory_space<vmem>> -> memref<32x32xi32, #tpu.memory_space<vmem>>
      %dma_start3A_45 = arith.constant 0 : i32
      %dma_start3A_46 = tpu.memref_slice %arg2[%sub3A_32, %add3A_17, %dma_start3A_45] : memref<2x10240x32xi32, #tpu.memory_space<hbm>> -> memref<1x32x32xi32, #tpu.memory_space<hbm>>
      %dma_start3A_47 = tpu.memref_squeeze %dma_start3A_46 : memref<1x32x32xi32, #tpu.memory_space<hbm>> -> memref<32x32xi32, #tpu.memory_space<hbm>>
      tpu.enqueue_dma source(%dma_start3A_47 : memref<32x32xi32, #tpu.memory_space<hbm>>) target(%dma_start3A_44 : memref<32x32xi32, #tpu.memory_space<vmem>>) target_semaphore(%arg35 : memref<!tpu.dma_semaphore, #tpu.memory_space<semaphore_mem>>)
      %dma_wait3A = arith.constant 0 : i32
      %dma_wait3A_48 = arith.constant 0 : i32
      %dma_wait3A_49 = arith.constant 0 : i32
      %dma_wait3A_50 = tpu.memref_slice %arg7[%dma_wait3A, %dma_wait3A_48, %dma_wait3A_49] : memref<2x32x32xi32, #tpu.memory_space<vmem>> -> memref<1x32x32xi32, #tpu.memory_space<vmem>>
      %dma_wait3A_51 = tpu.memref_squeeze %dma_wait3A_50 : memref<1x32x32xi32, #tpu.memory_space<vmem>> -> memref<32x32xi32, #tpu.memory_space<vmem>>
      %dma_wait3A_52 = arith.constant 0 : i32
      %dma_wait3A_53 = arith.constant 0 : i32
      %dma_wait3A_54 = tpu.memref_slice %arg2[%arg0, %dma_wait3A_52, %dma_wait3A_53] : memref<2x10240x32xi32, #tpu.memory_space<hbm>> -> memref<1x32x32xi32, #tpu.memory_space<hbm>>
      %dma_wait3A_55 = tpu.memref_squeeze %dma_wait3A_54 : memref<1x32x32xi32, #tpu.memory_space<hbm>> -> memref<32x32xi32, #tpu.memory_space<hbm>>
      %dma_wait3A_56 = arith.constant 0 : i32
      %dma_wait3A_57 = arith.constant 0 : i32
      %dma_wait3A_58 = tpu.memref_slice %arg7[%dma_wait3A, %dma_wait3A_56, %dma_wait3A_57] : memref<2x32x32xi32, #tpu.memory_space<vmem>> -> memref<1x32x32xi32, #tpu.memory_space<vmem>>
      %dma_wait3A_59 = tpu.memref_squeeze %dma_wait3A_58 : memref<1x32x32xi32, #tpu.memory_space<vmem>> -> memref<32x32xi32, #tpu.memory_space<vmem>>
      %dma_wait3A_60 = arith.constant 0 : i32
      %dma_wait3A_61 = arith.constant 0 : i32
      %dma_wait3A_62 = tpu.memref_slice %arg2[%arg0, %dma_wait3A_60, %dma_wait3A_61] : memref<2x10240x32xi32, #tpu.memory_space<hbm>> -> memref<1x32x32xi32, #tpu.memory_space<hbm>>
      %dma_wait3A_63 = tpu.memref_squeeze %dma_wait3A_62 : memref<1x32x32xi32, #tpu.memory_space<hbm>> -> memref<32x32xi32, #tpu.memory_space<hbm>>
      tpu.wait_dma2 semaphore(%arg34 : memref<!tpu.dma_semaphore, #tpu.memory_space<semaphore_mem>>) src(%dma_wait3A_63 : memref<32x32xi32, #tpu.memory_space<hbm>>) dst(%dma_wait3A_59 : memref<32x32xi32, #tpu.memory_space<vmem>>)
      %sub3A_64 = arith.constant 1 : i32
      %sub3A_65 = arith.subi %sub3A_64, %arg0 : i32
      %dma_wait3A_66 = arith.constant 0 : i32
      %dma_wait3A_67 = arith.constant 0 : i32
      %dma_wait3A_68 = arith.constant 0 : i32
      %dma_wait3A_69 = tpu.memref_slice %arg8[%dma_wait3A_66, %dma_wait3A_67, %dma_wait3A_68] : memref<2x32x32xi32, #tpu.memory_space<vmem>> -> memref<1x32x32xi32, #tpu.memory_space<vmem>>
      %dma_wait3A_70 = tpu.memref_squeeze %dma_wait3A_69 : memref<1x32x32xi32, #tpu.memory_space<vmem>> -> memref<32x32xi32, #tpu.memory_space<vmem>>
      %dma_wait3A_71 = arith.constant 0 : i32
      %dma_wait3A_72 = arith.constant 0 : i32
      %dma_wait3A_73 = tpu.memref_slice %arg2[%sub3A_65, %dma_wait3A_71, %dma_wait3A_72] : memref<2x10240x32xi32, #tpu.memory_space<hbm>> -> memref<1x32x32xi32, #tpu.memory_space<hbm>>
      %dma_wait3A_74 = tpu.memref_squeeze %dma_wait3A_73 : memref<1x32x32xi32, #tpu.memory_space<hbm>> -> memref<32x32xi32, #tpu.memory_space<hbm>>
      %dma_wait3A_75 = arith.constant 0 : i32
      %dma_wait3A_76 = arith.constant 0 : i32
      %dma_wait3A_77 = tpu.memref_slice %arg8[%dma_wait3A_66, %dma_wait3A_75, %dma_wait3A_76] : memref<2x32x32xi32, #tpu.memory_space<vmem>> -> memref<1x32x32xi32, #tpu.memory_space<vmem>>
      %dma_wait3A_78 = tpu.memref_squeeze %dma_wait3A_77 : memref<1x32x32xi32, #tpu.memory_space<vmem>> -> memref<32x32xi32, #tpu.memory_space<vmem>>
      %dma_wait3A_79 = arith.constant 0 : i32
      %dma_wait3A_80 = arith.constant 0 : i32
      %dma_wait3A_81 = tpu.memref_slice %arg2[%sub3A_65, %dma_wait3A_79, %dma_wait3A_80] : memref<2x10240x32xi32, #tpu.memory_space<hbm>> -> memref<1x32x32xi32, #tpu.memory_space<hbm>>
      %dma_wait3A_82 = tpu.memref_squeeze %dma_wait3A_81 : memref<1x32x32xi32, #tpu.memory_space<hbm>> -> memref<32x32xi32, #tpu.memory_space<hbm>>
      tpu.wait_dma2 semaphore(%arg35 : memref<!tpu.dma_semaphore, #tpu.memory_space<semaphore_mem>>) src(%dma_wait3A_82 : memref<32x32xi32, #tpu.memory_space<hbm>>) dst(%dma_wait3A_78 : memref<32x32xi32, #tpu.memory_space<vmem>>)
      %mul3A_83 = arith.constant 640 : i32
      %mul3A_84 = arith.muli %arg1, %mul3A_83 : i32
      %add3A_85 = arith.constant 32 : i32
      %add3A_86 = arith.addi %mul3A_84, %add3A_85 : i32
      %dma_start3A_87 = arith.constant 1 : i32
      %dma_start3A_88 = arith.constant 0 : i32
      %dma_start3A_89 = arith.constant 0 : i32
      %dma_start3A_90 = tpu.memref_slice %arg7[%dma_start3A_87, %dma_start3A_88, %dma_start3A_89] : memref<2x32x32xi32, #tpu.memory_space<vmem>> -> memref<1x32x32xi32, #tpu.memory_space<vmem>>
      %dma_start3A_91 = tpu.memref_squeeze %dma_start3A_90 : memref<1x32x32xi32, #tpu.memory_space<vmem>> -> memref<32x32xi32, #tpu.memory_space<vmem>>
      %dma_start3A_92 = arith.constant 0 : i32
      %dma_start3A_93 = tpu.memref_slice %arg2[%arg0, %add3A_86, %dma_start3A_92] : memref<2x10240x32xi32, #tpu.memory_space<hbm>> -> memref<1x32x32xi32, #tpu.memory_space<hbm>>
      %dma_start3A_94 = tpu.memref_squeeze %dma_start3A_93 : memref<1x32x32xi32, #tpu.memory_space<hbm>> -> memref<32x32xi32, #tpu.memory_space<hbm>>
      %dma_start3A_95 = arith.constant 0 : i32
      %dma_start3A_96 = arith.constant 0 : i32
      %dma_start3A_97 = tpu.memref_slice %arg7[%dma_start3A_87, %dma_start3A_95, %dma_start3A_96] : memref<2x32x32xi32, #tpu.memory_space<vmem>> -> memref<1x32x32xi32, #tpu.memory_space<vmem>>
      %dma_start3A_98 = tpu.memref_squeeze %dma_start3A_97 : memref<1x32x32xi32, #tpu.memory_space<vmem>> -> memref<32x32xi32, #tpu.memory_space<vmem>>
      %dma_start3A_99 = arith.constant 0 : i32
      %dma_start3A_100 = tpu.memref_slice %arg2[%arg0, %add3A_86, %dma_start3A_99] : memref<2x10240x32xi32, #tpu.memory_space<hbm>> -> memref<1x32x32xi32, #tpu.memory_space<hbm>>
      %dma_start3A_101 = tpu.memref_squeeze %dma_start3A_100 : memref<1x32x32xi32, #tpu.memory_space<hbm>> -> memref<32x32xi32, #tpu.memory_space<hbm>>
      tpu.enqueue_dma source(%dma_start3A_101 : memref<32x32xi32, #tpu.memory_space<hbm>>) target(%dma_start3A_98 : memref<32x32xi32, #tpu.memory_space<vmem>>) target_semaphore(%arg34 : memref<!tpu.dma_semaphore, #tpu.memory_space<semaphore_mem>>)
      %sub3A_102 = arith.constant 1 : i32
      %sub3A_103 = arith.subi %sub3A_102, %arg0 : i32
      %dma_start3A_104 = arith.constant 1 : i32
      %dma_start3A_105 = arith.constant 0 : i32
      %dma_start3A_106 = arith.constant 0 : i32
      %dma_start3A_107 = tpu.memref_slice %arg8[%dma_start3A_104, %dma_start3A_105, %dma_start3A_106] : memref<2x32x32xi32, #tpu.memory_space<vmem>> -> memref<1x32x32xi32, #tpu.memory_space<vmem>>
      %dma_start3A_108 = tpu.memref_squeeze %dma_start3A_107 : memref<1x32x32xi32, #tpu.memory_space<vmem>> -> memref<32x32xi32, #tpu.memory_space<vmem>>
      %dma_start3A_109 = arith.constant 0 : i32
      %dma_start3A_110 = tpu.memref_slice %arg2[%sub3A_103, %add3A_86, %dma_start3A_109] : memref<2x10240x32xi32, #tpu.memory_space<hbm>> -> memref<1x32x32xi32, #tpu.memory_space<hbm>>
      %dma_start3A_111 = tpu.memref_squeeze %dma_start3A_110 : memref<1x32x32xi32, #tpu.memory_space<hbm>> -> memref<32x32xi32, #tpu.memory_space<hbm>>
      %dma_start3A_112 = arith.constant 0 : i32
      %dma_start3A_113 = arith.constant 0 : i32
      %dma_start3A_114 = tpu.memref_slice %arg8[%dma_start3A_104, %dma_start3A_112, %dma_start3A_113] : memref<2x32x32xi32, #tpu.memory_space<vmem>> -> memref<1x32x32xi32, #tpu.memory_space<vmem>>
      %dma_start3A_115 = tpu.memref_squeeze %dma_start3A_114 : memref<1x32x32xi32, #tpu.memory_space<vmem>> -> memref<32x32xi32, #tpu.memory_space<vmem>>
      %dma_start3A_116 = arith.constant 0 : i32
      %dma_start3A_117 = tpu.memref_slice %arg2[%sub3A_103, %add3A_86, %dma_start3A_116] : memref<2x10240x32xi32, #tpu.memory_space<hbm>> -> memref<1x32x32xi32, #tpu.memory_space<hbm>>
      %dma_start3A_118 = tpu.memref_squeeze %dma_start3A_117 : memref<1x32x32xi32, #tpu.memory_space<hbm>> -> memref<32x32xi32, #tpu.memory_space<hbm>>
      tpu.enqueue_dma source(%dma_start3A_118 : memref<32x32xi32, #tpu.memory_space<hbm>>) target(%dma_start3A_115 : memref<32x32xi32, #tpu.memory_space<vmem>>) target_semaphore(%arg35 : memref<!tpu.dma_semaphore, #tpu.memory_space<semaphore_mem>>)
      %dma_start3A_119 = arith.constant 0 : i32
      %dma_start3A_120 = arith.constant 0 : i32
      %dma_start3A_121 = arith.constant 0 : i32
      %dma_start3A_122 = tpu.memref_slice %arg7[%dma_start3A_119, %dma_start3A_120, %dma_start3A_121] : memref<2x32x32xi32, #tpu.memory_space<vmem>> -> memref<1x1x32xi32, #tpu.memory_space<vmem>>
      %dma_start3A_123 = tpu.memref_squeeze %dma_start3A_122 : memref<1x1x32xi32, #tpu.memory_space<vmem>> -> memref<32xi32, #tpu.memory_space<vmem>>
      %dma_start3A_124 = arith.constant 0 : i32
      %dma_start3A_125 = arith.constant 0 : i32
      %dma_start3A_126 = tpu.memref_slice %arg3[%dma_start3A_124, %dma_start3A_125] : memref<10112x128xf32, #tpu.memory_space<hbm>> -> memref<10112x128xf32, #tpu.memory_space<hbm>>
      tpu.enqueue_indirect_dma source(%dma_start3A_126 : memref<10112x128xf32, #tpu.memory_space<hbm>>) target(%arg9 : memref<32x128xf32, #tpu.memory_space<vmem>>) offsets(%dma_start3A_123 : memref<32xi32, #tpu.memory_space<vmem>>) semaphore(%arg18 : memref<!tpu.dma_semaphore, #tpu.memory_space<semaphore_mem>>)
      %dma_start3A_127 = arith.constant 0 : i32
      %dma_start3A_128 = arith.constant 1 : i32
      %dma_start3A_129 = arith.constant 0 : i32
      %dma_start3A_130 = tpu.memref_slice %arg7[%dma_start3A_127, %dma_start3A_128, %dma_start3A_129] : memref<2x32x32xi32, #tpu.memory_space<vmem>> -> memref<1x1x32xi32, #tpu.memory_space<vmem>>
      %dma_start3A_131 = tpu.memref_squeeze %dma_start3A_130 : memref<1x1x32xi32, #tpu.memory_space<vmem>> -> memref<32xi32, #tpu.memory_space<vmem>>
      %dma_start3A_132 = arith.constant 0 : i32
      %dma_start3A_133 = arith.constant 0 : i32
      %dma_start3A_134 = tpu.memref_slice %arg3[%dma_start3A_132, %dma_start3A_133] : memref<10112x128xf32, #tpu.memory_space<hbm>> -> memref<10112x128xf32, #tpu.memory_space<hbm>>
      tpu.enqueue_indirect_dma source(%dma_start3A_134 : memref<10112x128xf32, #tpu.memory_space<hbm>>) target(%arg10 : memref<32x128xf32, #tpu.memory_space<vmem>>) offsets(%dma_start3A_131 : memref<32xi32, #tpu.memory_space<vmem>>) semaphore(%arg19 : memref<!tpu.dma_semaphore, #tpu.memory_space<semaphore_mem>>)
      %dma_start3A_135 = arith.constant 0 : i32
      %dma_start3A_136 = arith.constant 2 : i32
      %dma_start3A_137 = arith.constant 0 : i32
      %dma_start3A_138 = tpu.memref_slice %arg7[%dma_start3A_135, %dma_start3A_136, %dma_start3A_137] : memref<2x32x32xi32, #tpu.memory_space<vmem>> -> memref<1x1x32xi32, #tpu.memory_space<vmem>>
      %dma_start3A_139 = tpu.memref_squeeze %dma_start3A_138 : memref<1x1x32xi32, #tpu.memory_space<vmem>> -> memref<32xi32, #tpu.memory_space<vmem>>
      %dma_start3A_140 = arith.constant 0 : i32
      %dma_start3A_141 = arith.constant 0 : i32
      %dma_start3A_142 = tpu.memref_slice %arg3[%dma_start3A_140, %dma_start3A_141] : memref<10112x128xf32, #tpu.memory_space<hbm>> -> memref<10112x128xf32, #tpu.memory_space<hbm>>
      tpu.enqueue_indirect_dma source(%dma_start3A_142 : memref<10112x128xf32, #tpu.memory_space<hbm>>) target(%arg11 : memref<32x128xf32, #tpu.memory_space<vmem>>) offsets(%dma_start3A_139 : memref<32xi32, #tpu.memory_space<vmem>>) semaphore(%arg20 : memref<!tpu.dma_semaphore, #tpu.memory_space<semaphore_mem>>)
      %dma_start3A_143 = arith.constant 0 : i32
      %dma_start3A_144 = arith.constant 3 : i32
      %dma_start3A_145 = arith.constant 0 : i32
      %dma_start3A_146 = tpu.memref_slice %arg7[%dma_start3A_143, %dma_start3A_144, %dma_start3A_145] : memref<2x32x32xi32, #tpu.memory_space<vmem>> -> memref<1x1x32xi32, #tpu.memory_space<vmem>>
      %dma_start3A_147 = tpu.memref_squeeze %dma_start3A_146 : memref<1x1x32xi32, #tpu.memory_space<vmem>> -> memref<32xi32, #tpu.memory_space<vmem>>
      %dma_start3A_148 = arith.constant 0 : i32
      %dma_start3A_149 = arith.constant 0 : i32
      %dma_start3A_150 = tpu.memref_slice %arg3[%dma_start3A_148, %dma_start3A_149] : memref<10112x128xf32, #tpu.memory_space<hbm>> -> memref<10112x128xf32, #tpu.memory_space<hbm>>
      tpu.enqueue_indirect_dma source(%dma_start3A_150 : memref<10112x128xf32, #tpu.memory_space<hbm>>) target(%arg12 : memref<32x128xf32, #tpu.memory_space<vmem>>) offsets(%dma_start3A_147 : memref<32xi32, #tpu.memory_space<vmem>>) semaphore(%arg21 : memref<!tpu.dma_semaphore, #tpu.memory_space<semaphore_mem>>)
      %dma_start3A_151 = arith.constant 0 : i32
      %dma_start3A_152 = arith.constant 4 : i32
      %dma_start3A_153 = arith.constant 0 : i32
      %dma_start3A_154 = tpu.memref_slice %arg7[%dma_start3A_151, %dma_start3A_152, %dma_start3A_153] : memref<2x32x32xi32, #tpu.memory_space<vmem>> -> memref<1x1x32xi32, #tpu.memory_space<vmem>>
      %dma_start3A_155 = tpu.memref_squeeze %dma_start3A_154 : memref<1x1x32xi32, #tpu.memory_space<vmem>> -> memref<32xi32, #tpu.memory_space<vmem>>
      %dma_start3A_156 = arith.constant 0 : i32
      %dma_start3A_157 = arith.constant 0 : i32
      %dma_start3A_158 = tpu.memref_slice %arg3[%dma_start3A_156, %dma_start3A_157] : memref<10112x128xf32, #tpu.memory_space<hbm>> -> memref<10112x128xf32, #tpu.memory_space<hbm>>
      tpu.enqueue_indirect_dma source(%dma_start3A_158 : memref<10112x128xf32, #tpu.memory_space<hbm>>) target(%arg13 : memref<32x128xf32, #tpu.memory_space<vmem>>) offsets(%dma_start3A_155 : memref<32xi32, #tpu.memory_space<vmem>>) semaphore(%arg22 : memref<!tpu.dma_semaphore, #tpu.memory_space<semaphore_mem>>)
      %dma_start3A_159 = arith.constant 0 : i32
      %dma_start3A_160 = arith.constant 5 : i32
      %dma_start3A_161 = arith.constant 0 : i32
      %dma_start3A_162 = tpu.memref_slice %arg7[%dma_start3A_159, %dma_start3A_160, %dma_start3A_161] : memref<2x32x32xi32, #tpu.memory_space<vmem>> -> memref<1x1x32xi32, #tpu.memory_space<vmem>>
      %dma_start3A_163 = tpu.memref_squeeze %dma_start3A_162 : memref<1x1x32xi32, #tpu.memory_space<vmem>> -> memref<32xi32, #tpu.memory_space<vmem>>
      %dma_start3A_164 = arith.constant 0 : i32
      %dma_start3A_165 = arith.constant 0 : i32
      %dma_start3A_166 = tpu.memref_slice %arg3[%dma_start3A_164, %dma_start3A_165] : memref<10112x128xf32, #tpu.memory_space<hbm>> -> memref<10112x128xf32, #tpu.memory_space<hbm>>
      tpu.enqueue_indirect_dma source(%dma_start3A_166 : memref<10112x128xf32, #tpu.memory_space<hbm>>) target(%arg14 : memref<32x128xf32, #tpu.memory_space<vmem>>) offsets(%dma_start3A_163 : memref<32xi32, #tpu.memory_space<vmem>>) semaphore(%arg23 : memref<!tpu.dma_semaphore, #tpu.memory_space<semaphore_mem>>)
      %dma_start3A_167 = arith.constant 0 : i32
      %dma_start3A_168 = arith.constant 6 : i32
      %dma_start3A_169 = arith.constant 0 : i32
      %dma_start3A_170 = tpu.memref_slice %arg7[%dma_start3A_167, %dma_start3A_168, %dma_start3A_169] : memref<2x32x32xi32, #tpu.memory_space<vmem>> -> memref<1x1x32xi32, #tpu.memory_space<vmem>>
      %dma_start3A_171 = tpu.memref_squeeze %dma_start3A_170 : memref<1x1x32xi32, #tpu.memory_space<vmem>> -> memref<32xi32, #tpu.memory_space<vmem>>
      %dma_start3A_172 = arith.constant 0 : i32
      %dma_start3A_173 = arith.constant 0 : i32
      %dma_start3A_174 = tpu.memref_slice %arg3[%dma_start3A_172, %dma_start3A_173] : memref<10112x128xf32, #tpu.memory_space<hbm>> -> memref<10112x128xf32, #tpu.memory_space<hbm>>
      tpu.enqueue_indirect_dma source(%dma_start3A_174 : memref<10112x128xf32, #tpu.memory_space<hbm>>) target(%arg15 : memref<32x128xf32, #tpu.memory_space<vmem>>) offsets(%dma_start3A_171 : memref<32xi32, #tpu.memory_space<vmem>>) semaphore(%arg24 : memref<!tpu.dma_semaphore, #tpu.memory_space<semaphore_mem>>)
      %dma_start3A_175 = arith.constant 0 : i32
      %dma_start3A_176 = arith.constant 7 : i32
      %dma_start3A_177 = arith.constant 0 : i32
      %dma_start3A_178 = tpu.memref_slice %arg7[%dma_start3A_175, %dma_start3A_176, %dma_start3A_177] : memref<2x32x32xi32, #tpu.memory_space<vmem>> -> memref<1x1x32xi32, #tpu.memory_space<vmem>>
      %dma_start3A_179 = tpu.memref_squeeze %dma_start3A_178 : memref<1x1x32xi32, #tpu.memory_space<vmem>> -> memref<32xi32, #tpu.memory_space<vmem>>
      %dma_start3A_180 = arith.constant 0 : i32
      %dma_start3A_181 = arith.constant 0 : i32
      %dma_start3A_182 = tpu.memref_slice %arg3[%dma_start3A_180, %dma_start3A_181] : memref<10112x128xf32, #tpu.memory_space<hbm>> -> memref<10112x128xf32, #tpu.memory_space<hbm>>
      tpu.enqueue_indirect_dma source(%dma_start3A_182 : memref<10112x128xf32, #tpu.memory_space<hbm>>) target(%arg16 : memref<32x128xf32, #tpu.memory_space<vmem>>) offsets(%dma_start3A_179 : memref<32xi32, #tpu.memory_space<vmem>>) semaphore(%arg25 : memref<!tpu.dma_semaphore, #tpu.memory_space<semaphore_mem>>)
      %scan3A = arith.constant 0 : i32
      %scan3A_183 = arith.constant 0 : i32
      %scan3A_184 = arith.constant 80 : i32
      %scan3A_185 = arith.addi %scan3A_183, %scan3A_184 : i32
      %scan3A_186 = arith.constant 1 : i32
      %scan3A_187 = scf.for %scan3A_189 = %scan3A_183 to %scan3A_185 step %scan3A_186 iter_args(%scan3A_190 = %scan3A) -> (i32)  : i32 {
        %mul3A_191 = arith.constant 8 : i32
        %mul3A_192 = arith.muli %scan3A_189, %mul3A_191 : i32
        %jit3A = arith.constant 32 : i32
        %div3A = arith.divsi %mul3A_192, %jit3A : i32
        %sign3A = arith.constant 0 : i32
        %sign3A_193 = arith.cmpi sgt, %mul3A_192, %sign3A : i32
        %sign3A_194 = arith.extui %sign3A_193 : i1 to i32
        %sign3A_195 = arith.constant 0 : i32
        %sign3A_196 = arith.cmpi slt, %mul3A_192, %sign3A_195 : i32
        %sign3A_197 = arith.extui %sign3A_196 : i1 to i32
        %sign3A_198 = arith.subi %sign3A_194, %sign3A_197 : i32
        %sign3A_199 = arith.constant 0 : i32
        %sign3A_200 = arith.cmpi sgt, %jit3A, %sign3A_199 : i32
        %sign3A_201 = arith.extui %sign3A_200 : i1 to i32
        %sign3A_202 = arith.constant 0 : i32
        %sign3A_203 = arith.cmpi slt, %jit3A, %sign3A_202 : i32
        %sign3A_204 = arith.extui %sign3A_203 : i1 to i32
        %sign3A_205 = arith.subi %sign3A_201, %sign3A_204 : i32
        %ne3A = arith.cmpi ne, %sign3A_198, %sign3A_205 : i32
        %rem3A = arith.remsi %mul3A_192, %jit3A : i32
        %ne3A_206 = arith.constant 0 : i32
        %ne3A_207 = arith.cmpi ne, %rem3A, %ne3A_206 : i32
        %and3A = arith.andi %ne3A, %ne3A_207 : i1
        %sub3A_208 = arith.constant 1 : i32
        %sub3A_209 = arith.subi %div3A, %sub3A_208 : i32
        %select_n3A = arith.select %and3A, %sub3A_209, %div3A : i32
        %rem3A_210 = arith.constant 2 : i32
        %rem3A_211 = arith.remsi %select_n3A, %rem3A_210 : i32
        %mul3A_212 = arith.constant 8 : i32
        %mul3A_213 = arith.muli %scan3A_189, %mul3A_212 : i32
        %rem3A_214 = arith.constant 32 : i32
        %rem3A_215 = arith.remsi %mul3A_213, %rem3A_214 : i32
        %add3A_216 = arith.constant 1 : i32
        %add3A_217 = arith.addi %scan3A_189, %add3A_216 : i32
        %mul3A_218 = arith.constant 8 : i32
        %mul3A_219 = arith.muli %add3A_217, %mul3A_218 : i32
        %jit3A_220 = arith.constant 32 : i32
        %div3A_221 = arith.divsi %mul3A_219, %jit3A_220 : i32
        %sign3A_222 = arith.constant 0 : i32
        %sign3A_223 = arith.cmpi sgt, %mul3A_219, %sign3A_222 : i32
        %sign3A_224 = arith.extui %sign3A_223 : i1 to i32
        %sign3A_225 = arith.constant 0 : i32
        %sign3A_226 = arith.cmpi slt, %mul3A_219, %sign3A_225 : i32
        %sign3A_227 = arith.extui %sign3A_226 : i1 to i32
        %sign3A_228 = arith.subi %sign3A_224, %sign3A_227 : i32
        %sign3A_229 = arith.constant 0 : i32
        %sign3A_230 = arith.cmpi sgt, %jit3A_220, %sign3A_229 : i32
        %sign3A_231 = arith.extui %sign3A_230 : i1 to i32
        %sign3A_232 = arith.constant 0 : i32
        %sign3A_233 = arith.cmpi slt, %jit3A_220, %sign3A_232 : i32
        %sign3A_234 = arith.extui %sign3A_233 : i1 to i32
        %sign3A_235 = arith.subi %sign3A_231, %sign3A_234 : i32
        %ne3A_236 = arith.cmpi ne, %sign3A_228, %sign3A_235 : i32
        %rem3A_237 = arith.remsi %mul3A_219, %jit3A_220 : i32
        %ne3A_238 = arith.constant 0 : i32
        %ne3A_239 = arith.cmpi ne, %rem3A_237, %ne3A_238 : i32
        %and3A_240 = arith.andi %ne3A_236, %ne3A_239 : i1
        %sub3A_241 = arith.constant 1 : i32
        %sub3A_242 = arith.subi %div3A_221, %sub3A_241 : i32
        %select_n3A_243 = arith.select %and3A_240, %sub3A_242, %div3A_221 : i32
        %rem3A_244 = arith.constant 2 : i32
        %rem3A_245 = arith.remsi %select_n3A_243, %rem3A_244 : i32
        %mul3A_246 = arith.constant 8 : i32
        %mul3A_247 = arith.muli %add3A_217, %mul3A_246 : i32
        %rem3A_248 = arith.constant 32 : i32
        %rem3A_249 = arith.remsi %mul3A_247, %rem3A_248 : i32
        %dma_wait3A_250 = arith.constant 0 : i32
        %dma_wait3A_251 = arith.constant 0 : i32
        %dma_wait3A_252 = arith.constant 0 : i32
        %dma_wait3A_253 = tpu.memref_slice %arg7[%dma_wait3A_250, %dma_wait3A_251, %dma_wait3A_252] : memref<2x32x32xi32, #tpu.memory_space<vmem>> -> memref<1x1x32xi32, #tpu.memory_space<vmem>>
        %dma_wait3A_254 = tpu.memref_squeeze %dma_wait3A_253 : memref<1x1x32xi32, #tpu.memory_space<vmem>> -> memref<32xi32, #tpu.memory_space<vmem>>
        %dma_wait3A_255 = arith.constant 0 : i32
        %dma_wait3A_256 = arith.constant 0 : i32
        %dma_wait3A_257 = tpu.memref_slice %arg3[%dma_wait3A_255, %dma_wait3A_256] : memref<10112x128xf32, #tpu.memory_space<hbm>> -> memref<10112x128xf32, #tpu.memory_space<hbm>>
        tpu.wait_indirect_dma semaphore(%arg18 : memref<!tpu.dma_semaphore, #tpu.memory_space<semaphore_mem>>) src(%dma_wait3A_257 : memref<10112x128xf32, #tpu.memory_space<hbm>>) dst(%arg9 : memref<32x128xf32, #tpu.memory_space<vmem>>)
        %add3A_258 = arith.constant 0 : i32
        %add3A_259 = arith.addi %rem3A_215, %add3A_258 : i32
        %dma_start3A_260 = arith.constant 0 : i32
        %dma_start3A_261 = tpu.memref_slice %arg8[%rem3A_211, %add3A_259, %dma_start3A_260] : memref<2x32x32xi32, #tpu.memory_space<vmem>> -> memref<1x1x32xi32, #tpu.memory_space<vmem>>
        %dma_start3A_262 = tpu.memref_squeeze %dma_start3A_261 : memref<1x1x32xi32, #tpu.memory_space<vmem>> -> memref<32xi32, #tpu.memory_space<vmem>>
        %dma_start3A_263 = arith.constant 0 : i32
        %dma_start3A_264 = arith.constant 0 : i32
        %dma_start3A_265 = tpu.memref_slice %arg17[%dma_start3A_263, %dma_start3A_264] : memref<10112x128xf32, #tpu.memory_space<vmem_shared>> -> memref<10112x128xf32, #tpu.memory_space<vmem_shared>>
        tpu.enqueue_indirect_dma source(%arg9 : memref<32x128xf32, #tpu.memory_space<vmem>>) target(%dma_start3A_265 : memref<10112x128xf32, #tpu.memory_space<vmem_shared>>) offsets(%dma_start3A_262 : memref<32xi32, #tpu.memory_space<vmem>>) semaphore(%arg26 : memref<!tpu.dma_semaphore, #tpu.memory_space<semaphore_mem>>) {add = true}
        %dma_wait3A_266 = arith.constant 0 : i32
        %dma_wait3A_267 = arith.constant 0 : i32
        %dma_wait3A_268 = arith.constant 0 : i32
        %dma_wait3A_269 = tpu.memref_slice %arg7[%dma_wait3A_266, %dma_wait3A_267, %dma_wait3A_268] : memref<2x32x32xi32, #tpu.memory_space<vmem>> -> memref<1x1x32xi32, #tpu.memory_space<vmem>>
        %dma_wait3A_270 = tpu.memref_squeeze %dma_wait3A_269 : memref<1x1x32xi32, #tpu.memory_space<vmem>> -> memref<32xi32, #tpu.memory_space<vmem>>
        %dma_wait3A_271 = arith.constant 0 : i32
        %dma_wait3A_272 = arith.constant 0 : i32
        %dma_wait3A_273 = tpu.memref_slice %arg3[%dma_wait3A_271, %dma_wait3A_272] : memref<10112x128xf32, #tpu.memory_space<hbm>> -> memref<10112x128xf32, #tpu.memory_space<hbm>>
        tpu.wait_indirect_dma semaphore(%arg19 : memref<!tpu.dma_semaphore, #tpu.memory_space<semaphore_mem>>) src(%dma_wait3A_273 : memref<10112x128xf32, #tpu.memory_space<hbm>>) dst(%arg10 : memref<32x128xf32, #tpu.memory_space<vmem>>)
        %add3A_274 = arith.constant 1 : i32
        %add3A_275 = arith.addi %rem3A_215, %add3A_274 : i32
        %dma_start3A_276 = arith.constant 0 : i32
        %dma_start3A_277 = tpu.memref_slice %arg8[%rem3A_211, %add3A_275, %dma_start3A_276] : memref<2x32x32xi32, #tpu.memory_space<vmem>> -> memref<1x1x32xi32, #tpu.memory_space<vmem>>
        %dma_start3A_278 = tpu.memref_squeeze %dma_start3A_277 : memref<1x1x32xi32, #tpu.memory_space<vmem>> -> memref<32xi32, #tpu.memory_space<vmem>>
        %dma_start3A_279 = arith.constant 0 : i32
        %dma_start3A_280 = arith.constant 0 : i32
        %dma_start3A_281 = tpu.memref_slice %arg17[%dma_start3A_279, %dma_start3A_280] : memref<10112x128xf32, #tpu.memory_space<vmem_shared>> -> memref<10112x128xf32, #tpu.memory_space<vmem_shared>>
        tpu.enqueue_indirect_dma source(%arg10 : memref<32x128xf32, #tpu.memory_space<vmem>>) target(%dma_start3A_281 : memref<10112x128xf32, #tpu.memory_space<vmem_shared>>) offsets(%dma_start3A_278 : memref<32xi32, #tpu.memory_space<vmem>>) semaphore(%arg27 : memref<!tpu.dma_semaphore, #tpu.memory_space<semaphore_mem>>) {add = true}
        %dma_wait3A_282 = arith.constant 0 : i32
        %dma_wait3A_283 = arith.constant 0 : i32
        %dma_wait3A_284 = arith.constant 0 : i32
        %dma_wait3A_285 = tpu.memref_slice %arg7[%dma_wait3A_282, %dma_wait3A_283, %dma_wait3A_284] : memref<2x32x32xi32, #tpu.memory_space<vmem>> -> memref<1x1x32xi32, #tpu.memory_space<vmem>>
        %dma_wait3A_286 = tpu.memref_squeeze %dma_wait3A_285 : memref<1x1x32xi32, #tpu.memory_space<vmem>> -> memref<32xi32, #tpu.memory_space<vmem>>
        %dma_wait3A_287 = arith.constant 0 : i32
        %dma_wait3A_288 = arith.constant 0 : i32
        %dma_wait3A_289 = tpu.memref_slice %arg3[%dma_wait3A_287, %dma_wait3A_288] : memref<10112x128xf32, #tpu.memory_space<hbm>> -> memref<10112x128xf32, #tpu.memory_space<hbm>>
        tpu.wait_indirect_dma semaphore(%arg20 : memref<!tpu.dma_semaphore, #tpu.memory_space<semaphore_mem>>) src(%dma_wait3A_289 : memref<10112x128xf32, #tpu.memory_space<hbm>>) dst(%arg11 : memref<32x128xf32, #tpu.memory_space<vmem>>)
        %add3A_290 = arith.constant 2 : i32
        %add3A_291 = arith.addi %rem3A_215, %add3A_290 : i32
        %dma_start3A_292 = arith.constant 0 : i32
        %dma_start3A_293 = tpu.memref_slice %arg8[%rem3A_211, %add3A_291, %dma_start3A_292] : memref<2x32x32xi32, #tpu.memory_space<vmem>> -> memref<1x1x32xi32, #tpu.memory_space<vmem>>
        %dma_start3A_294 = tpu.memref_squeeze %dma_start3A_293 : memref<1x1x32xi32, #tpu.memory_space<vmem>> -> memref<32xi32, #tpu.memory_space<vmem>>
        %dma_start3A_295 = arith.constant 0 : i32
        %dma_start3A_296 = arith.constant 0 : i32
        %dma_start3A_297 = tpu.memref_slice %arg17[%dma_start3A_295, %dma_start3A_296] : memref<10112x128xf32, #tpu.memory_space<vmem_shared>> -> memref<10112x128xf32, #tpu.memory_space<vmem_shared>>
        tpu.enqueue_indirect_dma source(%arg11 : memref<32x128xf32, #tpu.memory_space<vmem>>) target(%dma_start3A_297 : memref<10112x128xf32, #tpu.memory_space<vmem_shared>>) offsets(%dma_start3A_294 : memref<32xi32, #tpu.memory_space<vmem>>) semaphore(%arg28 : memref<!tpu.dma_semaphore, #tpu.memory_space<semaphore_mem>>) {add = true}
        %dma_wait3A_298 = arith.constant 0 : i32
        %dma_wait3A_299 = arith.constant 0 : i32
        %dma_wait3A_300 = arith.constant 0 : i32
        %dma_wait3A_301 = tpu.memref_slice %arg7[%dma_wait3A_298, %dma_wait3A_299, %dma_wait3A_300] : memref<2x32x32xi32, #tpu.memory_space<vmem>> -> memref<1x1x32xi32, #tpu.memory_space<vmem>>
        %dma_wait3A_302 = tpu.memref_squeeze %dma_wait3A_301 : memref<1x1x32xi32, #tpu.memory_space<vmem>> -> memref<32xi32, #tpu.memory_space<vmem>>
        %dma_wait3A_303 = arith.constant 0 : i32
        %dma_wait3A_304 = arith.constant 0 : i32
        %dma_wait3A_305 = tpu.memref_slice %arg3[%dma_wait3A_303, %dma_wait3A_304] : memref<10112x128xf32, #tpu.memory_space<hbm>> -> memref<10112x128xf32, #tpu.memory_space<hbm>>
        tpu.wait_indirect_dma semaphore(%arg21 : memref<!tpu.dma_semaphore, #tpu.memory_space<semaphore_mem>>) src(%dma_wait3A_305 : memref<10112x128xf32, #tpu.memory_space<hbm>>) dst(%arg12 : memref<32x128xf32, #tpu.memory_space<vmem>>)
        %add3A_306 = arith.constant 3 : i32
        %add3A_307 = arith.addi %rem3A_215, %add3A_306 : i32
        %dma_start3A_308 = arith.constant 0 : i32
        %dma_start3A_309 = tpu.memref_slice %arg8[%rem3A_211, %add3A_307, %dma_start3A_308] : memref<2x32x32xi32, #tpu.memory_space<vmem>> -> memref<1x1x32xi32, #tpu.memory_space<vmem>>
        %dma_start3A_310 = tpu.memref_squeeze %dma_start3A_309 : memref<1x1x32xi32, #tpu.memory_space<vmem>> -> memref<32xi32, #tpu.memory_space<vmem>>
        %dma_start3A_311 = arith.constant 0 : i32
        %dma_start3A_312 = arith.constant 0 : i32
        %dma_start3A_313 = tpu.memref_slice %arg17[%dma_start3A_311, %dma_start3A_312] : memref<10112x128xf32, #tpu.memory_space<vmem_shared>> -> memref<10112x128xf32, #tpu.memory_space<vmem_shared>>
        tpu.enqueue_indirect_dma source(%arg12 : memref<32x128xf32, #tpu.memory_space<vmem>>) target(%dma_start3A_313 : memref<10112x128xf32, #tpu.memory_space<vmem_shared>>) offsets(%dma_start3A_310 : memref<32xi32, #tpu.memory_space<vmem>>) semaphore(%arg29 : memref<!tpu.dma_semaphore, #tpu.memory_space<semaphore_mem>>) {add = true}
        %dma_wait3A_314 = arith.constant 0 : i32
        %dma_wait3A_315 = arith.constant 0 : i32
        %dma_wait3A_316 = arith.constant 0 : i32
        %dma_wait3A_317 = tpu.memref_slice %arg7[%dma_wait3A_314, %dma_wait3A_315, %dma_wait3A_316] : memref<2x32x32xi32, #tpu.memory_space<vmem>> -> memref<1x1x32xi32, #tpu.memory_space<vmem>>
        %dma_wait3A_318 = tpu.memref_squeeze %dma_wait3A_317 : memref<1x1x32xi32, #tpu.memory_space<vmem>> -> memref<32xi32, #tpu.memory_space<vmem>>
        %dma_wait3A_319 = arith.constant 0 : i32
        %dma_wait3A_320 = arith.constant 0 : i32
        %dma_wait3A_321 = tpu.memref_slice %arg3[%dma_wait3A_319, %dma_wait3A_320] : memref<10112x128xf32, #tpu.memory_space<hbm>> -> memref<10112x128xf32, #tpu.memory_space<hbm>>
        tpu.wait_indirect_dma semaphore(%arg22 : memref<!tpu.dma_semaphore, #tpu.memory_space<semaphore_mem>>) src(%dma_wait3A_321 : memref<10112x128xf32, #tpu.memory_space<hbm>>) dst(%arg13 : memref<32x128xf32, #tpu.memory_space<vmem>>)
        %add3A_322 = arith.constant 4 : i32
        %add3A_323 = arith.addi %rem3A_215, %add3A_322 : i32
        %dma_start3A_324 = arith.constant 0 : i32
        %dma_start3A_325 = tpu.memref_slice %arg8[%rem3A_211, %add3A_323, %dma_start3A_324] : memref<2x32x32xi32, #tpu.memory_space<vmem>> -> memref<1x1x32xi32, #tpu.memory_space<vmem>>
        %dma_start3A_326 = tpu.memref_squeeze %dma_start3A_325 : memref<1x1x32xi32, #tpu.memory_space<vmem>> -> memref<32xi32, #tpu.memory_space<vmem>>
        %dma_start3A_327 = arith.constant 0 : i32
        %dma_start3A_328 = arith.constant 0 : i32
        %dma_start3A_329 = tpu.memref_slice %arg17[%dma_start3A_327, %dma_start3A_328] : memref<10112x128xf32, #tpu.memory_space<vmem_shared>> -> memref<10112x128xf32, #tpu.memory_space<vmem_shared>>
        tpu.enqueue_indirect_dma source(%arg13 : memref<32x128xf32, #tpu.memory_space<vmem>>) target(%dma_start3A_329 : memref<10112x128xf32, #tpu.memory_space<vmem_shared>>) offsets(%dma_start3A_326 : memref<32xi32, #tpu.memory_space<vmem>>) semaphore(%arg30 : memref<!tpu.dma_semaphore, #tpu.memory_space<semaphore_mem>>) {add = true}
        %dma_wait3A_330 = arith.constant 0 : i32
        %dma_wait3A_331 = arith.constant 0 : i32
        %dma_wait3A_332 = arith.constant 0 : i32
        %dma_wait3A_333 = tpu.memref_slice %arg7[%dma_wait3A_330, %dma_wait3A_331, %dma_wait3A_332] : memref<2x32x32xi32, #tpu.memory_space<vmem>> -> memref<1x1x32xi32, #tpu.memory_space<vmem>>
        %dma_wait3A_334 = tpu.memref_squeeze %dma_wait3A_333 : memref<1x1x32xi32, #tpu.memory_space<vmem>> -> memref<32xi32, #tpu.memory_space<vmem>>
        %dma_wait3A_335 = arith.constant 0 : i32
        %dma_wait3A_336 = arith.constant 0 : i32
        %dma_wait3A_337 = tpu.memref_slice %arg3[%dma_wait3A_335, %dma_wait3A_336] : memref<10112x128xf32, #tpu.memory_space<hbm>> -> memref<10112x128xf32, #tpu.memory_space<hbm>>
        tpu.wait_indirect_dma semaphore(%arg23 : memref<!tpu.dma_semaphore, #tpu.memory_space<semaphore_mem>>) src(%dma_wait3A_337 : memref<10112x128xf32, #tpu.memory_space<hbm>>) dst(%arg14 : memref<32x128xf32, #tpu.memory_space<vmem>>)
        %add3A_338 = arith.constant 5 : i32
        %add3A_339 = arith.addi %rem3A_215, %add3A_338 : i32
        %dma_start3A_340 = arith.constant 0 : i32
        %dma_start3A_341 = tpu.memref_slice %arg8[%rem3A_211, %add3A_339, %dma_start3A_340] : memref<2x32x32xi32, #tpu.memory_space<vmem>> -> memref<1x1x32xi32, #tpu.memory_space<vmem>>
        %dma_start3A_342 = tpu.memref_squeeze %dma_start3A_341 : memref<1x1x32xi32, #tpu.memory_space<vmem>> -> memref<32xi32, #tpu.memory_space<vmem>>
        %dma_start3A_343 = arith.constant 0 : i32
        %dma_start3A_344 = arith.constant 0 : i32
        %dma_start3A_345 = tpu.memref_slice %arg17[%dma_start3A_343, %dma_start3A_344] : memref<10112x128xf32, #tpu.memory_space<vmem_shared>> -> memref<10112x128xf32, #tpu.memory_space<vmem_shared>>
        tpu.enqueue_indirect_dma source(%arg14 : memref<32x128xf32, #tpu.memory_space<vmem>>) target(%dma_start3A_345 : memref<10112x128xf32, #tpu.memory_space<vmem_shared>>) offsets(%dma_start3A_342 : memref<32xi32, #tpu.memory_space<vmem>>) semaphore(%arg31 : memref<!tpu.dma_semaphore, #tpu.memory_space<semaphore_mem>>) {add = true}
        %dma_wait3A_346 = arith.constant 0 : i32
        %dma_wait3A_347 = arith.constant 0 : i32
        %dma_wait3A_348 = arith.constant 0 : i32
        %dma_wait3A_349 = tpu.memref_slice %arg7[%dma_wait3A_346, %dma_wait3A_347, %dma_wait3A_348] : memref<2x32x32xi32, #tpu.memory_space<vmem>> -> memref<1x1x32xi32, #tpu.memory_space<vmem>>
        %dma_wait3A_350 = tpu.memref_squeeze %dma_wait3A_349 : memref<1x1x32xi32, #tpu.memory_space<vmem>> -> memref<32xi32, #tpu.memory_space<vmem>>
        %dma_wait3A_351 = arith.constant 0 : i32
        %dma_wait3A_352 = arith.constant 0 : i32
        %dma_wait3A_353 = tpu.memref_slice %arg3[%dma_wait3A_351, %dma_wait3A_352] : memref<10112x128xf32, #tpu.memory_space<hbm>> -> memref<10112x128xf32, #tpu.memory_space<hbm>>
        tpu.wait_indirect_dma semaphore(%arg24 : memref<!tpu.dma_semaphore, #tpu.memory_space<semaphore_mem>>) src(%dma_wait3A_353 : memref<10112x128xf32, #tpu.memory_space<hbm>>) dst(%arg15 : memref<32x128xf32, #tpu.memory_space<vmem>>)
        %add3A_354 = arith.constant 6 : i32
        %add3A_355 = arith.addi %rem3A_215, %add3A_354 : i32
        %dma_start3A_356 = arith.constant 0 : i32
        %dma_start3A_357 = tpu.memref_slice %arg8[%rem3A_211, %add3A_355, %dma_start3A_356] : memref<2x32x32xi32, #tpu.memory_space<vmem>> -> memref<1x1x32xi32, #tpu.memory_space<vmem>>
        %dma_start3A_358 = tpu.memref_squeeze %dma_start3A_357 : memref<1x1x32xi32, #tpu.memory_space<vmem>> -> memref<32xi32, #tpu.memory_space<vmem>>
        %dma_start3A_359 = arith.constant 0 : i32
        %dma_start3A_360 = arith.constant 0 : i32
        %dma_start3A_361 = tpu.memref_slice %arg17[%dma_start3A_359, %dma_start3A_360] : memref<10112x128xf32, #tpu.memory_space<vmem_shared>> -> memref<10112x128xf32, #tpu.memory_space<vmem_shared>>
        tpu.enqueue_indirect_dma source(%arg15 : memref<32x128xf32, #tpu.memory_space<vmem>>) target(%dma_start3A_361 : memref<10112x128xf32, #tpu.memory_space<vmem_shared>>) offsets(%dma_start3A_358 : memref<32xi32, #tpu.memory_space<vmem>>) semaphore(%arg32 : memref<!tpu.dma_semaphore, #tpu.memory_space<semaphore_mem>>) {add = true}
        %dma_wait3A_362 = arith.constant 0 : i32
        %dma_wait3A_363 = arith.constant 0 : i32
        %dma_wait3A_364 = arith.constant 0 : i32
        %dma_wait3A_365 = tpu.memref_slice %arg7[%dma_wait3A_362, %dma_wait3A_363, %dma_wait3A_364] : memref<2x32x32xi32, #tpu.memory_space<vmem>> -> memref<1x1x32xi32, #tpu.memory_space<vmem>>
        %dma_wait3A_366 = tpu.memref_squeeze %dma_wait3A_365 : memref<1x1x32xi32, #tpu.memory_space<vmem>> -> memref<32xi32, #tpu.memory_space<vmem>>
        %dma_wait3A_367 = arith.constant 0 : i32
        %dma_wait3A_368 = arith.constant 0 : i32
        %dma_wait3A_369 = tpu.memref_slice %arg3[%dma_wait3A_367, %dma_wait3A_368] : memref<10112x128xf32, #tpu.memory_space<hbm>> -> memref<10112x128xf32, #tpu.memory_space<hbm>>
        tpu.wait_indirect_dma semaphore(%arg25 : memref<!tpu.dma_semaphore, #tpu.memory_space<semaphore_mem>>) src(%dma_wait3A_369 : memref<10112x128xf32, #tpu.memory_space<hbm>>) dst(%arg16 : memref<32x128xf32, #tpu.memory_space<vmem>>)
        %add3A_370 = arith.constant 7 : i32
        %add3A_371 = arith.addi %rem3A_215, %add3A_370 : i32
        %dma_start3A_372 = arith.constant 0 : i32
        %dma_start3A_373 = tpu.memref_slice %arg8[%rem3A_211, %add3A_371, %dma_start3A_372] : memref<2x32x32xi32, #tpu.memory_space<vmem>> -> memref<1x1x32xi32, #tpu.memory_space<vmem>>
        %dma_start3A_374 = tpu.memref_squeeze %dma_start3A_373 : memref<1x1x32xi32, #tpu.memory_space<vmem>> -> memref<32xi32, #tpu.memory_space<vmem>>
        %dma_start3A_375 = arith.constant 0 : i32
        %dma_start3A_376 = arith.constant 0 : i32
        %dma_start3A_377 = tpu.memref_slice %arg17[%dma_start3A_375, %dma_start3A_376] : memref<10112x128xf32, #tpu.memory_space<vmem_shared>> -> memref<10112x128xf32, #tpu.memory_space<vmem_shared>>
        tpu.enqueue_indirect_dma source(%arg16 : memref<32x128xf32, #tpu.memory_space<vmem>>) target(%dma_start3A_377 : memref<10112x128xf32, #tpu.memory_space<vmem_shared>>) offsets(%dma_start3A_374 : memref<32xi32, #tpu.memory_space<vmem>>) semaphore(%arg33 : memref<!tpu.dma_semaphore, #tpu.memory_space<semaphore_mem>>) {add = true}
        %lt3A = arith.constant 80 : i32
        %lt3A_378 = arith.cmpi slt, %add3A_217, %lt3A : i32
        %eq3A_379 = arith.constant 0 : i32
        %eq3A_380 = arith.cmpi eq, %rem3A_249, %eq3A_379 : i32
        %and3A_381 = arith.andi %lt3A_378, %eq3A_380 : i1
        %convert_element_type3A_382 = arith.extui %and3A_381 : i1 to i32
        %cond3A_383 = arith.constant 0 : i32
        %cond3A_384 = arith.cmpi ne, %convert_element_type3A_382, %cond3A_383 : i32
        scf.if %cond3A_384 {
          %dma_wait3A_396 = arith.constant 0 : i32
          %dma_wait3A_397 = arith.constant 0 : i32
          %dma_wait3A_398 = arith.constant 0 : i32
          %dma_wait3A_399 = tpu.memref_slice %arg7[%dma_wait3A_396, %dma_wait3A_397, %dma_wait3A_398] : memref<2x32x32xi32, #tpu.memory_space<vmem>> -> memref<1x32x32xi32, #tpu.memory_space<vmem>>
          %dma_wait3A_400 = tpu.memref_squeeze %dma_wait3A_399 : memref<1x32x32xi32, #tpu.memory_space<vmem>> -> memref<32x32xi32, #tpu.memory_space<vmem>>
          %dma_wait3A_401 = arith.constant 0 : i32
          %dma_wait3A_402 = arith.constant 0 : i32
          %dma_wait3A_403 = tpu.memref_slice %arg2[%arg0, %dma_wait3A_401, %dma_wait3A_402] : memref<2x10240x32xi32, #tpu.memory_space<hbm>> -> memref<1x32x32xi32, #tpu.memory_space<hbm>>
          %dma_wait3A_404 = tpu.memref_squeeze %dma_wait3A_403 : memref<1x32x32xi32, #tpu.memory_space<hbm>> -> memref<32x32xi32, #tpu.memory_space<hbm>>
          %dma_wait3A_405 = arith.constant 0 : i32
          %dma_wait3A_406 = arith.constant 0 : i32
          %dma_wait3A_407 = tpu.memref_slice %arg7[%dma_wait3A_396, %dma_wait3A_405, %dma_wait3A_406] : memref<2x32x32xi32, #tpu.memory_space<vmem>> -> memref<1x32x32xi32, #tpu.memory_space<vmem>>
          %dma_wait3A_408 = tpu.memref_squeeze %dma_wait3A_407 : memref<1x32x32xi32, #tpu.memory_space<vmem>> -> memref<32x32xi32, #tpu.memory_space<vmem>>
          %dma_wait3A_409 = arith.constant 0 : i32
          %dma_wait3A_410 = arith.constant 0 : i32
          %dma_wait3A_411 = tpu.memref_slice %arg2[%arg0, %dma_wait3A_409, %dma_wait3A_410] : memref<2x10240x32xi32, #tpu.memory_space<hbm>> -> memref<1x32x32xi32, #tpu.memory_space<hbm>>
          %dma_wait3A_412 = tpu.memref_squeeze %dma_wait3A_411 : memref<1x32x32xi32, #tpu.memory_space<hbm>> -> memref<32x32xi32, #tpu.memory_space<hbm>>
          tpu.wait_dma2 semaphore(%arg34 : memref<!tpu.dma_semaphore, #tpu.memory_space<semaphore_mem>>) src(%dma_wait3A_412 : memref<32x32xi32, #tpu.memory_space<hbm>>) dst(%dma_wait3A_408 : memref<32x32xi32, #tpu.memory_space<vmem>>)
          %sub3A_413 = arith.constant 1 : i32
          %sub3A_414 = arith.subi %sub3A_413, %arg0 : i32
          %dma_wait3A_415 = arith.constant 0 : i32
          %dma_wait3A_416 = arith.constant 0 : i32
          %dma_wait3A_417 = arith.constant 0 : i32
          %dma_wait3A_418 = tpu.memref_slice %arg8[%dma_wait3A_415, %dma_wait3A_416, %dma_wait3A_417] : memref<2x32x32xi32, #tpu.memory_space<vmem>> -> memref<1x32x32xi32, #tpu.memory_space<vmem>>
          %dma_wait3A_419 = tpu.memref_squeeze %dma_wait3A_418 : memref<1x32x32xi32, #tpu.memory_space<vmem>> -> memref<32x32xi32, #tpu.memory_space<vmem>>
          %dma_wait3A_420 = arith.constant 0 : i32
          %dma_wait3A_421 = arith.constant 0 : i32
          %dma_wait3A_422 = tpu.memref_slice %arg2[%sub3A_414, %dma_wait3A_420, %dma_wait3A_421] : memref<2x10240x32xi32, #tpu.memory_space<hbm>> -> memref<1x32x32xi32, #tpu.memory_space<hbm>>
          %dma_wait3A_423 = tpu.memref_squeeze %dma_wait3A_422 : memref<1x32x32xi32, #tpu.memory_space<hbm>> -> memref<32x32xi32, #tpu.memory_space<hbm>>
          %dma_wait3A_424 = arith.constant 0 : i32
          %dma_wait3A_425 = arith.constant 0 : i32
          %dma_wait3A_426 = tpu.memref_slice %arg8[%dma_wait3A_415, %dma_wait3A_424, %dma_wait3A_425] : memref<2x32x32xi32, #tpu.memory_space<vmem>> -> memref<1x32x32xi32, #tpu.memory_space<vmem>>
          %dma_wait3A_427 = tpu.memref_squeeze %dma_wait3A_426 : memref<1x32x32xi32, #tpu.memory_space<vmem>> -> memref<32x32xi32, #tpu.memory_space<vmem>>
          %dma_wait3A_428 = arith.constant 0 : i32
          %dma_wait3A_429 = arith.constant 0 : i32
          %dma_wait3A_430 = tpu.memref_slice %arg2[%sub3A_414, %dma_wait3A_428, %dma_wait3A_429] : memref<2x10240x32xi32, #tpu.memory_space<hbm>> -> memref<1x32x32xi32, #tpu.memory_space<hbm>>
          %dma_wait3A_431 = tpu.memref_squeeze %dma_wait3A_430 : memref<1x32x32xi32, #tpu.memory_space<hbm>> -> memref<32x32xi32, #tpu.memory_space<hbm>>
          tpu.wait_dma2 semaphore(%arg35 : memref<!tpu.dma_semaphore, #tpu.memory_space<semaphore_mem>>) src(%dma_wait3A_431 : memref<32x32xi32, #tpu.memory_space<hbm>>) dst(%dma_wait3A_427 : memref<32x32xi32, #tpu.memory_space<vmem>>)
          %add3A_432 = arith.constant 1 : i32
          %add3A_433 = arith.addi %select_n3A_243, %add3A_432 : i32
          %lt3A_434 = arith.constant 20 : i32
          %lt3A_435 = arith.cmpi slt, %add3A_433, %lt3A_434 : i32
          %convert_element_type3A_436 = arith.extui %lt3A_435 : i1 to i32
          %cond3A_437 = arith.constant 0 : i32
          %cond3A_438 = arith.cmpi ne, %convert_element_type3A_436, %cond3A_437 : i32
          scf.if %cond3A_438 {
            %sub3A_439 = arith.constant 1 : i32
            %sub3A_440 = arith.subi %sub3A_439, %rem3A_245 : i32
            %add3A_441 = arith.constant 1 : i32
            %add3A_442 = arith.addi %select_n3A_243, %add3A_441 : i32
            %mul3A_443 = arith.constant 640 : i32
            %mul3A_444 = arith.muli %arg1, %mul3A_443 : i32
            %mul3A_445 = arith.constant 32 : i32
            %mul3A_446 = arith.muli %add3A_442, %mul3A_445 : i32
            %add3A_447 = arith.addi %mul3A_444, %mul3A_446 : i32
            %dma_start3A_448 = arith.constant 0 : i32
            %dma_start3A_449 = arith.constant 0 : i32
            %dma_start3A_450 = tpu.memref_slice %arg7[%sub3A_440, %dma_start3A_448, %dma_start3A_449] : memref<2x32x32xi32, #tpu.memory_space<vmem>> -> memref<1x32x32xi32, #tpu.memory_space<vmem>>
            %dma_start3A_451 = tpu.memref_squeeze %dma_start3A_450 : memref<1x32x32xi32, #tpu.memory_space<vmem>> -> memref<32x32xi32, #tpu.memory_space<vmem>>
            %dma_start3A_452 = arith.constant 0 : i32
            %dma_start3A_453 = tpu.memref_slice %arg2[%arg0, %add3A_447, %dma_start3A_452] : memref<2x10240x32xi32, #tpu.memory_space<hbm>> -> memref<1x32x32xi32, #tpu.memory_space<hbm>>
            %dma_start3A_454 = tpu.memref_squeeze %dma_start3A_453 : memref<1x32x32xi32, #tpu.memory_space<hbm>> -> memref<32x32xi32, #tpu.memory_space<hbm>>
            %dma_start3A_455 = arith.constant 0 : i32
            %dma_start3A_456 = arith.constant 0 : i32
            %dma_start3A_457 = tpu.memref_slice %arg7[%sub3A_440, %dma_start3A_455, %dma_start3A_456] : memref<2x32x32xi32, #tpu.memory_space<vmem>> -> memref<1x32x32xi32, #tpu.memory_space<vmem>>
            %dma_start3A_458 = tpu.memref_squeeze %dma_start3A_457 : memref<1x32x32xi32, #tpu.memory_space<vmem>> -> memref<32x32xi32, #tpu.memory_space<vmem>>
            %dma_start3A_459 = arith.constant 0 : i32
            %dma_start3A_460 = tpu.memref_slice %arg2[%arg0, %add3A_447, %dma_start3A_459] : memref<2x10240x32xi32, #tpu.memory_space<hbm>> -> memref<1x32x32xi32, #tpu.memory_space<hbm>>
            %dma_start3A_461 = tpu.memref_squeeze %dma_start3A_460 : memref<1x32x32xi32, #tpu.memory_space<hbm>> -> memref<32x32xi32, #tpu.memory_space<hbm>>
            tpu.enqueue_dma source(%dma_start3A_461 : memref<32x32xi32, #tpu.memory_space<hbm>>) target(%dma_start3A_458 : memref<32x32xi32, #tpu.memory_space<vmem>>) target_semaphore(%arg34 : memref<!tpu.dma_semaphore, #tpu.memory_space<semaphore_mem>>)
            %sub3A_462 = arith.constant 1 : i32
            %sub3A_463 = arith.subi %sub3A_462, %arg0 : i32
            %dma_start3A_464 = arith.constant 0 : i32
            %dma_start3A_465 = arith.constant 0 : i32
            %dma_start3A_466 = tpu.memref_slice %arg8[%sub3A_440, %dma_start3A_464, %dma_start3A_465] : memref<2x32x32xi32, #tpu.memory_space<vmem>> -> memref<1x32x32xi32, #tpu.memory_space<vmem>>
            %dma_start3A_467 = tpu.memref_squeeze %dma_start3A_466 : memref<1x32x32xi32, #tpu.memory_space<vmem>> -> memref<32x32xi32, #tpu.memory_space<vmem>>
            %dma_start3A_468 = arith.constant 0 : i32
            %dma_start3A_469 = tpu.memref_slice %arg2[%sub3A_463, %add3A_447, %dma_start3A_468] : memref<2x10240x32xi32, #tpu.memory_space<hbm>> -> memref<1x32x32xi32, #tpu.memory_space<hbm>>
            %dma_start3A_470 = tpu.memref_squeeze %dma_start3A_469 : memref<1x32x32xi32, #tpu.memory_space<hbm>> -> memref<32x32xi32, #tpu.memory_space<hbm>>
            %dma_start3A_471 = arith.constant 0 : i32
            %dma_start3A_472 = arith.constant 0 : i32
            %dma_start3A_473 = tpu.memref_slice %arg8[%sub3A_440, %dma_start3A_471, %dma_start3A_472] : memref<2x32x32xi32, #tpu.memory_space<vmem>> -> memref<1x32x32xi32, #tpu.memory_space<vmem>>
            %dma_start3A_474 = tpu.memref_squeeze %dma_start3A_473 : memref<1x32x32xi32, #tpu.memory_space<vmem>> -> memref<32x32xi32, #tpu.memory_space<vmem>>
            %dma_start3A_475 = arith.constant 0 : i32
            %dma_start3A_476 = tpu.memref_slice %arg2[%sub3A_463, %add3A_447, %dma_start3A_475] : memref<2x10240x32xi32, #tpu.memory_space<hbm>> -> memref<1x32x32xi32, #tpu.memory_space<hbm>>
            %dma_start3A_477 = tpu.memref_squeeze %dma_start3A_476 : memref<1x32x32xi32, #tpu.memory_space<hbm>> -> memref<32x32xi32, #tpu.memory_space<hbm>>
            tpu.enqueue_dma source(%dma_start3A_477 : memref<32x32xi32, #tpu.memory_space<hbm>>) target(%dma_start3A_474 : memref<32x32xi32, #tpu.memory_space<vmem>>) target_semaphore(%arg35 : memref<!tpu.dma_semaphore, #tpu.memory_space<semaphore_mem>>)
          } else {
          }
        } else {
        }
        %lt3A_385 = arith.constant 80 : i32
        %lt3A_386 = arith.cmpi slt, %add3A_217, %lt3A_385 : i32
        %convert_element_type3A_387 = arith.extui %lt3A_386 : i1 to i32
        %cond3A_388 = arith.constant 0 : i32
        %cond3A_389 = arith.cmpi ne, %convert_element_type3A_387, %cond3A_388 : i32
        scf.if %cond3A_389 {
          %dma_wait3A_396 = arith.constant 0 : i32
          %dma_wait3A_397 = arith.constant 0 : i32
          %dma_wait3A_398 = arith.constant 0 : i32
          %dma_wait3A_399 = tpu.memref_slice %arg8[%dma_wait3A_396, %dma_wait3A_397, %dma_wait3A_398] : memref<2x32x32xi32, #tpu.memory_space<vmem>> -> memref<1x1x32xi32, #tpu.memory_space<vmem>>
          %dma_wait3A_400 = tpu.memref_squeeze %dma_wait3A_399 : memref<1x1x32xi32, #tpu.memory_space<vmem>> -> memref<32xi32, #tpu.memory_space<vmem>>
          %dma_wait3A_401 = arith.constant 0 : i32
          %dma_wait3A_402 = arith.constant 0 : i32
          %dma_wait3A_403 = tpu.memref_slice %arg17[%dma_wait3A_401, %dma_wait3A_402] : memref<10112x128xf32, #tpu.memory_space<vmem_shared>> -> memref<10112x128xf32, #tpu.memory_space<vmem_shared>>
          tpu.wait_indirect_dma semaphore(%arg26 : memref<!tpu.dma_semaphore, #tpu.memory_space<semaphore_mem>>) src(%arg9 : memref<32x128xf32, #tpu.memory_space<vmem>>) dst(%dma_wait3A_403 : memref<10112x128xf32, #tpu.memory_space<vmem_shared>>)
          %add3A_404 = arith.constant 0 : i32
          %add3A_405 = arith.addi %rem3A_249, %add3A_404 : i32
          %dma_start3A_406 = arith.constant 0 : i32
          %dma_start3A_407 = tpu.memref_slice %arg7[%rem3A_245, %add3A_405, %dma_start3A_406] : memref<2x32x32xi32, #tpu.memory_space<vmem>> -> memref<1x1x32xi32, #tpu.memory_space<vmem>>
          %dma_start3A_408 = tpu.memref_squeeze %dma_start3A_407 : memref<1x1x32xi32, #tpu.memory_space<vmem>> -> memref<32xi32, #tpu.memory_space<vmem>>
          %dma_start3A_409 = arith.constant 0 : i32
          %dma_start3A_410 = arith.constant 0 : i32
          %dma_start3A_411 = tpu.memref_slice %arg3[%dma_start3A_409, %dma_start3A_410] : memref<10112x128xf32, #tpu.memory_space<hbm>> -> memref<10112x128xf32, #tpu.memory_space<hbm>>
          tpu.enqueue_indirect_dma source(%dma_start3A_411 : memref<10112x128xf32, #tpu.memory_space<hbm>>) target(%arg9 : memref<32x128xf32, #tpu.memory_space<vmem>>) offsets(%dma_start3A_408 : memref<32xi32, #tpu.memory_space<vmem>>) semaphore(%arg18 : memref<!tpu.dma_semaphore, #tpu.memory_space<semaphore_mem>>)
          %dma_wait3A_412 = arith.constant 0 : i32
          %dma_wait3A_413 = arith.constant 0 : i32
          %dma_wait3A_414 = arith.constant 0 : i32
          %dma_wait3A_415 = tpu.memref_slice %arg8[%dma_wait3A_412, %dma_wait3A_413, %dma_wait3A_414] : memref<2x32x32xi32, #tpu.memory_space<vmem>> -> memref<1x1x32xi32, #tpu.memory_space<vmem>>
          %dma_wait3A_416 = tpu.memref_squeeze %dma_wait3A_415 : memref<1x1x32xi32, #tpu.memory_space<vmem>> -> memref<32xi32, #tpu.memory_space<vmem>>
          %dma_wait3A_417 = arith.constant 0 : i32
          %dma_wait3A_418 = arith.constant 0 : i32
          %dma_wait3A_419 = tpu.memref_slice %arg17[%dma_wait3A_417, %dma_wait3A_418] : memref<10112x128xf32, #tpu.memory_space<vmem_shared>> -> memref<10112x128xf32, #tpu.memory_space<vmem_shared>>
          tpu.wait_indirect_dma semaphore(%arg27 : memref<!tpu.dma_semaphore, #tpu.memory_space<semaphore_mem>>) src(%arg10 : memref<32x128xf32, #tpu.memory_space<vmem>>) dst(%dma_wait3A_419 : memref<10112x128xf32, #tpu.memory_space<vmem_shared>>)
          %add3A_420 = arith.constant 1 : i32
          %add3A_421 = arith.addi %rem3A_249, %add3A_420 : i32
          %dma_start3A_422 = arith.constant 0 : i32
          %dma_start3A_423 = tpu.memref_slice %arg7[%rem3A_245, %add3A_421, %dma_start3A_422] : memref<2x32x32xi32, #tpu.memory_space<vmem>> -> memref<1x1x32xi32, #tpu.memory_space<vmem>>
          %dma_start3A_424 = tpu.memref_squeeze %dma_start3A_423 : memref<1x1x32xi32, #tpu.memory_space<vmem>> -> memref<32xi32, #tpu.memory_space<vmem>>
          %dma_start3A_425 = arith.constant 0 : i32
          %dma_start3A_426 = arith.constant 0 : i32
          %dma_start3A_427 = tpu.memref_slice %arg3[%dma_start3A_425, %dma_start3A_426] : memref<10112x128xf32, #tpu.memory_space<hbm>> -> memref<10112x128xf32, #tpu.memory_space<hbm>>
          tpu.enqueue_indirect_dma source(%dma_start3A_427 : memref<10112x128xf32, #tpu.memory_space<hbm>>) target(%arg10 : memref<32x128xf32, #tpu.memory_space<vmem>>) offsets(%dma_start3A_424 : memref<32xi32, #tpu.memory_space<vmem>>) semaphore(%arg19 : memref<!tpu.dma_semaphore, #tpu.memory_space<semaphore_mem>>)
          %dma_wait3A_428 = arith.constant 0 : i32
          %dma_wait3A_429 = arith.constant 0 : i32
          %dma_wait3A_430 = arith.constant 0 : i32
          %dma_wait3A_431 = tpu.memref_slice %arg8[%dma_wait3A_428, %dma_wait3A_429, %dma_wait3A_430] : memref<2x32x32xi32, #tpu.memory_space<vmem>> -> memref<1x1x32xi32, #tpu.memory_space<vmem>>
          %dma_wait3A_432 = tpu.memref_squeeze %dma_wait3A_431 : memref<1x1x32xi32, #tpu.memory_space<vmem>> -> memref<32xi32, #tpu.memory_space<vmem>>
          %dma_wait3A_433 = arith.constant 0 : i32
          %dma_wait3A_434 = arith.constant 0 : i32
          %dma_wait3A_435 = tpu.memref_slice %arg17[%dma_wait3A_433, %dma_wait3A_434] : memref<10112x128xf32, #tpu.memory_space<vmem_shared>> -> memref<10112x128xf32, #tpu.memory_space<vmem_shared>>
          tpu.wait_indirect_dma semaphore(%arg28 : memref<!tpu.dma_semaphore, #tpu.memory_space<semaphore_mem>>) src(%arg11 : memref<32x128xf32, #tpu.memory_space<vmem>>) dst(%dma_wait3A_435 : memref<10112x128xf32, #tpu.memory_space<vmem_shared>>)
          %add3A_436 = arith.constant 2 : i32
          %add3A_437 = arith.addi %rem3A_249, %add3A_436 : i32
          %dma_start3A_438 = arith.constant 0 : i32
          %dma_start3A_439 = tpu.memref_slice %arg7[%rem3A_245, %add3A_437, %dma_start3A_438] : memref<2x32x32xi32, #tpu.memory_space<vmem>> -> memref<1x1x32xi32, #tpu.memory_space<vmem>>
          %dma_start3A_440 = tpu.memref_squeeze %dma_start3A_439 : memref<1x1x32xi32, #tpu.memory_space<vmem>> -> memref<32xi32, #tpu.memory_space<vmem>>
          %dma_start3A_441 = arith.constant 0 : i32
          %dma_start3A_442 = arith.constant 0 : i32
          %dma_start3A_443 = tpu.memref_slice %arg3[%dma_start3A_441, %dma_start3A_442] : memref<10112x128xf32, #tpu.memory_space<hbm>> -> memref<10112x128xf32, #tpu.memory_space<hbm>>
          tpu.enqueue_indirect_dma source(%dma_start3A_443 : memref<10112x128xf32, #tpu.memory_space<hbm>>) target(%arg11 : memref<32x128xf32, #tpu.memory_space<vmem>>) offsets(%dma_start3A_440 : memref<32xi32, #tpu.memory_space<vmem>>) semaphore(%arg20 : memref<!tpu.dma_semaphore, #tpu.memory_space<semaphore_mem>>)
          %dma_wait3A_444 = arith.constant 0 : i32
          %dma_wait3A_445 = arith.constant 0 : i32
          %dma_wait3A_446 = arith.constant 0 : i32
          %dma_wait3A_447 = tpu.memref_slice %arg8[%dma_wait3A_444, %dma_wait3A_445, %dma_wait3A_446] : memref<2x32x32xi32, #tpu.memory_space<vmem>> -> memref<1x1x32xi32, #tpu.memory_space<vmem>>
          %dma_wait3A_448 = tpu.memref_squeeze %dma_wait3A_447 : memref<1x1x32xi32, #tpu.memory_space<vmem>> -> memref<32xi32, #tpu.memory_space<vmem>>
          %dma_wait3A_449 = arith.constant 0 : i32
          %dma_wait3A_450 = arith.constant 0 : i32
          %dma_wait3A_451 = tpu.memref_slice %arg17[%dma_wait3A_449, %dma_wait3A_450] : memref<10112x128xf32, #tpu.memory_space<vmem_shared>> -> memref<10112x128xf32, #tpu.memory_space<vmem_shared>>
          tpu.wait_indirect_dma semaphore(%arg29 : memref<!tpu.dma_semaphore, #tpu.memory_space<semaphore_mem>>) src(%arg12 : memref<32x128xf32, #tpu.memory_space<vmem>>) dst(%dma_wait3A_451 : memref<10112x128xf32, #tpu.memory_space<vmem_shared>>)
          %add3A_452 = arith.constant 3 : i32
          %add3A_453 = arith.addi %rem3A_249, %add3A_452 : i32
          %dma_start3A_454 = arith.constant 0 : i32
          %dma_start3A_455 = tpu.memref_slice %arg7[%rem3A_245, %add3A_453, %dma_start3A_454] : memref<2x32x32xi32, #tpu.memory_space<vmem>> -> memref<1x1x32xi32, #tpu.memory_space<vmem>>
          %dma_start3A_456 = tpu.memref_squeeze %dma_start3A_455 : memref<1x1x32xi32, #tpu.memory_space<vmem>> -> memref<32xi32, #tpu.memory_space<vmem>>
          %dma_start3A_457 = arith.constant 0 : i32
          %dma_start3A_458 = arith.constant 0 : i32
          %dma_start3A_459 = tpu.memref_slice %arg3[%dma_start3A_457, %dma_start3A_458] : memref<10112x128xf32, #tpu.memory_space<hbm>> -> memref<10112x128xf32, #tpu.memory_space<hbm>>
          tpu.enqueue_indirect_dma source(%dma_start3A_459 : memref<10112x128xf32, #tpu.memory_space<hbm>>) target(%arg12 : memref<32x128xf32, #tpu.memory_space<vmem>>) offsets(%dma_start3A_456 : memref<32xi32, #tpu.memory_space<vmem>>) semaphore(%arg21 : memref<!tpu.dma_semaphore, #tpu.memory_space<semaphore_mem>>)
          %dma_wait3A_460 = arith.constant 0 : i32
          %dma_wait3A_461 = arith.constant 0 : i32
          %dma_wait3A_462 = arith.constant 0 : i32
          %dma_wait3A_463 = tpu.memref_slice %arg8[%dma_wait3A_460, %dma_wait3A_461, %dma_wait3A_462] : memref<2x32x32xi32, #tpu.memory_space<vmem>> -> memref<1x1x32xi32, #tpu.memory_space<vmem>>
          %dma_wait3A_464 = tpu.memref_squeeze %dma_wait3A_463 : memref<1x1x32xi32, #tpu.memory_space<vmem>> -> memref<32xi32, #tpu.memory_space<vmem>>
          %dma_wait3A_465 = arith.constant 0 : i32
          %dma_wait3A_466 = arith.constant 0 : i32
          %dma_wait3A_467 = tpu.memref_slice %arg17[%dma_wait3A_465, %dma_wait3A_466] : memref<10112x128xf32, #tpu.memory_space<vmem_shared>> -> memref<10112x128xf32, #tpu.memory_space<vmem_shared>>
          tpu.wait_indirect_dma semaphore(%arg30 : memref<!tpu.dma_semaphore, #tpu.memory_space<semaphore_mem>>) src(%arg13 : memref<32x128xf32, #tpu.memory_space<vmem>>) dst(%dma_wait3A_467 : memref<10112x128xf32, #tpu.memory_space<vmem_shared>>)
          %add3A_468 = arith.constant 4 : i32
          %add3A_469 = arith.addi %rem3A_249, %add3A_468 : i32
          %dma_start3A_470 = arith.constant 0 : i32
          %dma_start3A_471 = tpu.memref_slice %arg7[%rem3A_245, %add3A_469, %dma_start3A_470] : memref<2x32x32xi32, #tpu.memory_space<vmem>> -> memref<1x1x32xi32, #tpu.memory_space<vmem>>
          %dma_start3A_472 = tpu.memref_squeeze %dma_start3A_471 : memref<1x1x32xi32, #tpu.memory_space<vmem>> -> memref<32xi32, #tpu.memory_space<vmem>>
          %dma_start3A_473 = arith.constant 0 : i32
          %dma_start3A_474 = arith.constant 0 : i32
          %dma_start3A_475 = tpu.memref_slice %arg3[%dma_start3A_473, %dma_start3A_474] : memref<10112x128xf32, #tpu.memory_space<hbm>> -> memref<10112x128xf32, #tpu.memory_space<hbm>>
          tpu.enqueue_indirect_dma source(%dma_start3A_475 : memref<10112x128xf32, #tpu.memory_space<hbm>>) target(%arg13 : memref<32x128xf32, #tpu.memory_space<vmem>>) offsets(%dma_start3A_472 : memref<32xi32, #tpu.memory_space<vmem>>) semaphore(%arg22 : memref<!tpu.dma_semaphore, #tpu.memory_space<semaphore_mem>>)
          %dma_wait3A_476 = arith.constant 0 : i32
          %dma_wait3A_477 = arith.constant 0 : i32
          %dma_wait3A_478 = arith.constant 0 : i32
          %dma_wait3A_479 = tpu.memref_slice %arg8[%dma_wait3A_476, %dma_wait3A_477, %dma_wait3A_478] : memref<2x32x32xi32, #tpu.memory_space<vmem>> -> memref<1x1x32xi32, #tpu.memory_space<vmem>>
          %dma_wait3A_480 = tpu.memref_squeeze %dma_wait3A_479 : memref<1x1x32xi32, #tpu.memory_space<vmem>> -> memref<32xi32, #tpu.memory_space<vmem>>
          %dma_wait3A_481 = arith.constant 0 : i32
          %dma_wait3A_482 = arith.constant 0 : i32
          %dma_wait3A_483 = tpu.memref_slice %arg17[%dma_wait3A_481, %dma_wait3A_482] : memref<10112x128xf32, #tpu.memory_space<vmem_shared>> -> memref<10112x128xf32, #tpu.memory_space<vmem_shared>>
          tpu.wait_indirect_dma semaphore(%arg31 : memref<!tpu.dma_semaphore, #tpu.memory_space<semaphore_mem>>) src(%arg14 : memref<32x128xf32, #tpu.memory_space<vmem>>) dst(%dma_wait3A_483 : memref<10112x128xf32, #tpu.memory_space<vmem_shared>>)
          %add3A_484 = arith.constant 5 : i32
          %add3A_485 = arith.addi %rem3A_249, %add3A_484 : i32
          %dma_start3A_486 = arith.constant 0 : i32
          %dma_start3A_487 = tpu.memref_slice %arg7[%rem3A_245, %add3A_485, %dma_start3A_486] : memref<2x32x32xi32, #tpu.memory_space<vmem>> -> memref<1x1x32xi32, #tpu.memory_space<vmem>>
          %dma_start3A_488 = tpu.memref_squeeze %dma_start3A_487 : memref<1x1x32xi32, #tpu.memory_space<vmem>> -> memref<32xi32, #tpu.memory_space<vmem>>
          %dma_start3A_489 = arith.constant 0 : i32
          %dma_start3A_490 = arith.constant 0 : i32
          %dma_start3A_491 = tpu.memref_slice %arg3[%dma_start3A_489, %dma_start3A_490] : memref<10112x128xf32, #tpu.memory_space<hbm>> -> memref<10112x128xf32, #tpu.memory_space<hbm>>
          tpu.enqueue_indirect_dma source(%dma_start3A_491 : memref<10112x128xf32, #tpu.memory_space<hbm>>) target(%arg14 : memref<32x128xf32, #tpu.memory_space<vmem>>) offsets(%dma_start3A_488 : memref<32xi32, #tpu.memory_space<vmem>>) semaphore(%arg23 : memref<!tpu.dma_semaphore, #tpu.memory_space<semaphore_mem>>)
          %dma_wait3A_492 = arith.constant 0 : i32
          %dma_wait3A_493 = arith.constant 0 : i32
          %dma_wait3A_494 = arith.constant 0 : i32
          %dma_wait3A_495 = tpu.memref_slice %arg8[%dma_wait3A_492, %dma_wait3A_493, %dma_wait3A_494] : memref<2x32x32xi32, #tpu.memory_space<vmem>> -> memref<1x1x32xi32, #tpu.memory_space<vmem>>
          %dma_wait3A_496 = tpu.memref_squeeze %dma_wait3A_495 : memref<1x1x32xi32, #tpu.memory_space<vmem>> -> memref<32xi32, #tpu.memory_space<vmem>>
          %dma_wait3A_497 = arith.constant 0 : i32
          %dma_wait3A_498 = arith.constant 0 : i32
          %dma_wait3A_499 = tpu.memref_slice %arg17[%dma_wait3A_497, %dma_wait3A_498] : memref<10112x128xf32, #tpu.memory_space<vmem_shared>> -> memref<10112x128xf32, #tpu.memory_space<vmem_shared>>
          tpu.wait_indirect_dma semaphore(%arg32 : memref<!tpu.dma_semaphore, #tpu.memory_space<semaphore_mem>>) src(%arg15 : memref<32x128xf32, #tpu.memory_space<vmem>>) dst(%dma_wait3A_499 : memref<10112x128xf32, #tpu.memory_space<vmem_shared>>)
          %add3A_500 = arith.constant 6 : i32
          %add3A_501 = arith.addi %rem3A_249, %add3A_500 : i32
          %dma_start3A_502 = arith.constant 0 : i32
          %dma_start3A_503 = tpu.memref_slice %arg7[%rem3A_245, %add3A_501, %dma_start3A_502] : memref<2x32x32xi32, #tpu.memory_space<vmem>> -> memref<1x1x32xi32, #tpu.memory_space<vmem>>
          %dma_start3A_504 = tpu.memref_squeeze %dma_start3A_503 : memref<1x1x32xi32, #tpu.memory_space<vmem>> -> memref<32xi32, #tpu.memory_space<vmem>>
          %dma_start3A_505 = arith.constant 0 : i32
          %dma_start3A_506 = arith.constant 0 : i32
          %dma_start3A_507 = tpu.memref_slice %arg3[%dma_start3A_505, %dma_start3A_506] : memref<10112x128xf32, #tpu.memory_space<hbm>> -> memref<10112x128xf32, #tpu.memory_space<hbm>>
          tpu.enqueue_indirect_dma source(%dma_start3A_507 : memref<10112x128xf32, #tpu.memory_space<hbm>>) target(%arg15 : memref<32x128xf32, #tpu.memory_space<vmem>>) offsets(%dma_start3A_504 : memref<32xi32, #tpu.memory_space<vmem>>) semaphore(%arg24 : memref<!tpu.dma_semaphore, #tpu.memory_space<semaphore_mem>>)
          %dma_wait3A_508 = arith.constant 0 : i32
          %dma_wait3A_509 = arith.constant 0 : i32
          %dma_wait3A_510 = arith.constant 0 : i32
          %dma_wait3A_511 = tpu.memref_slice %arg8[%dma_wait3A_508, %dma_wait3A_509, %dma_wait3A_510] : memref<2x32x32xi32, #tpu.memory_space<vmem>> -> memref<1x1x32xi32, #tpu.memory_space<vmem>>
          %dma_wait3A_512 = tpu.memref_squeeze %dma_wait3A_511 : memref<1x1x32xi32, #tpu.memory_space<vmem>> -> memref<32xi32, #tpu.memory_space<vmem>>
          %dma_wait3A_513 = arith.constant 0 : i32
          %dma_wait3A_514 = arith.constant 0 : i32
          %dma_wait3A_515 = tpu.memref_slice %arg17[%dma_wait3A_513, %dma_wait3A_514] : memref<10112x128xf32, #tpu.memory_space<vmem_shared>> -> memref<10112x128xf32, #tpu.memory_space<vmem_shared>>
          tpu.wait_indirect_dma semaphore(%arg33 : memref<!tpu.dma_semaphore, #tpu.memory_space<semaphore_mem>>) src(%arg16 : memref<32x128xf32, #tpu.memory_space<vmem>>) dst(%dma_wait3A_515 : memref<10112x128xf32, #tpu.memory_space<vmem_shared>>)
          %add3A_516 = arith.constant 7 : i32
          %add3A_517 = arith.addi %rem3A_249, %add3A_516 : i32
          %dma_start3A_518 = arith.constant 0 : i32
          %dma_start3A_519 = tpu.memref_slice %arg7[%rem3A_245, %add3A_517, %dma_start3A_518] : memref<2x32x32xi32, #tpu.memory_space<vmem>> -> memref<1x1x32xi32, #tpu.memory_space<vmem>>
          %dma_start3A_520 = tpu.memref_squeeze %dma_start3A_519 : memref<1x1x32xi32, #tpu.memory_space<vmem>> -> memref<32xi32, #tpu.memory_space<vmem>>
          %dma_start3A_521 = arith.constant 0 : i32
          %dma_start3A_522 = arith.constant 0 : i32
          %dma_start3A_523 = tpu.memref_slice %arg3[%dma_start3A_521, %dma_start3A_522] : memref<10112x128xf32, #tpu.memory_space<hbm>> -> memref<10112x128xf32, #tpu.memory_space<hbm>>
          tpu.enqueue_indirect_dma source(%dma_start3A_523 : memref<10112x128xf32, #tpu.memory_space<hbm>>) target(%arg16 : memref<32x128xf32, #tpu.memory_space<vmem>>) offsets(%dma_start3A_520 : memref<32xi32, #tpu.memory_space<vmem>>) semaphore(%arg25 : memref<!tpu.dma_semaphore, #tpu.memory_space<semaphore_mem>>)
        } else {
        }
        %eq3A_390 = arith.constant 80 : i32
        %eq3A_391 = arith.cmpi eq, %add3A_217, %eq3A_390 : i32
        %convert_element_type3A_392 = arith.extui %eq3A_391 : i1 to i32
        %cond3A_393 = arith.constant 0 : i32
        %cond3A_394 = arith.cmpi ne, %convert_element_type3A_392, %cond3A_393 : i32
        scf.if %cond3A_394 {
          %dma_wait3A_396 = arith.constant 0 : i32
          %dma_wait3A_397 = arith.constant 0 : i32
          %dma_wait3A_398 = arith.constant 0 : i32
          %dma_wait3A_399 = tpu.memref_slice %arg8[%dma_wait3A_396, %dma_wait3A_397, %dma_wait3A_398] : memref<2x32x32xi32, #tpu.memory_space<vmem>> -> memref<1x1x32xi32, #tpu.memory_space<vmem>>
          %dma_wait3A_400 = tpu.memref_squeeze %dma_wait3A_399 : memref<1x1x32xi32, #tpu.memory_space<vmem>> -> memref<32xi32, #tpu.memory_space<vmem>>
          %dma_wait3A_401 = arith.constant 0 : i32
          %dma_wait3A_402 = arith.constant 0 : i32
          %dma_wait3A_403 = tpu.memref_slice %arg17[%dma_wait3A_401, %dma_wait3A_402] : memref<10112x128xf32, #tpu.memory_space<vmem_shared>> -> memref<10112x128xf32, #tpu.memory_space<vmem_shared>>
          tpu.wait_indirect_dma semaphore(%arg26 : memref<!tpu.dma_semaphore, #tpu.memory_space<semaphore_mem>>) src(%arg9 : memref<32x128xf32, #tpu.memory_space<vmem>>) dst(%dma_wait3A_403 : memref<10112x128xf32, #tpu.memory_space<vmem_shared>>)
          %dma_wait3A_404 = arith.constant 0 : i32
          %dma_wait3A_405 = arith.constant 0 : i32
          %dma_wait3A_406 = arith.constant 0 : i32
          %dma_wait3A_407 = tpu.memref_slice %arg8[%dma_wait3A_404, %dma_wait3A_405, %dma_wait3A_406] : memref<2x32x32xi32, #tpu.memory_space<vmem>> -> memref<1x1x32xi32, #tpu.memory_space<vmem>>
          %dma_wait3A_408 = tpu.memref_squeeze %dma_wait3A_407 : memref<1x1x32xi32, #tpu.memory_space<vmem>> -> memref<32xi32, #tpu.memory_space<vmem>>
          %dma_wait3A_409 = arith.constant 0 : i32
          %dma_wait3A_410 = arith.constant 0 : i32
          %dma_wait3A_411 = tpu.memref_slice %arg17[%dma_wait3A_409, %dma_wait3A_410] : memref<10112x128xf32, #tpu.memory_space<vmem_shared>> -> memref<10112x128xf32, #tpu.memory_space<vmem_shared>>
          tpu.wait_indirect_dma semaphore(%arg27 : memref<!tpu.dma_semaphore, #tpu.memory_space<semaphore_mem>>) src(%arg10 : memref<32x128xf32, #tpu.memory_space<vmem>>) dst(%dma_wait3A_411 : memref<10112x128xf32, #tpu.memory_space<vmem_shared>>)
          %dma_wait3A_412 = arith.constant 0 : i32
          %dma_wait3A_413 = arith.constant 0 : i32
          %dma_wait3A_414 = arith.constant 0 : i32
          %dma_wait3A_415 = tpu.memref_slice %arg8[%dma_wait3A_412, %dma_wait3A_413, %dma_wait3A_414] : memref<2x32x32xi32, #tpu.memory_space<vmem>> -> memref<1x1x32xi32, #tpu.memory_space<vmem>>
          %dma_wait3A_416 = tpu.memref_squeeze %dma_wait3A_415 : memref<1x1x32xi32, #tpu.memory_space<vmem>> -> memref<32xi32, #tpu.memory_space<vmem>>
          %dma_wait3A_417 = arith.constant 0 : i32
          %dma_wait3A_418 = arith.constant 0 : i32
          %dma_wait3A_419 = tpu.memref_slice %arg17[%dma_wait3A_417, %dma_wait3A_418] : memref<10112x128xf32, #tpu.memory_space<vmem_shared>> -> memref<10112x128xf32, #tpu.memory_space<vmem_shared>>
          tpu.wait_indirect_dma semaphore(%arg28 : memref<!tpu.dma_semaphore, #tpu.memory_space<semaphore_mem>>) src(%arg11 : memref<32x128xf32, #tpu.memory_space<vmem>>) dst(%dma_wait3A_419 : memref<10112x128xf32, #tpu.memory_space<vmem_shared>>)
          %dma_wait3A_420 = arith.constant 0 : i32
          %dma_wait3A_421 = arith.constant 0 : i32
          %dma_wait3A_422 = arith.constant 0 : i32
          %dma_wait3A_423 = tpu.memref_slice %arg8[%dma_wait3A_420, %dma_wait3A_421, %dma_wait3A_422] : memref<2x32x32xi32, #tpu.memory_space<vmem>> -> memref<1x1x32xi32, #tpu.memory_space<vmem>>
          %dma_wait3A_424 = tpu.memref_squeeze %dma_wait3A_423 : memref<1x1x32xi32, #tpu.memory_space<vmem>> -> memref<32xi32, #tpu.memory_space<vmem>>
          %dma_wait3A_425 = arith.constant 0 : i32
          %dma_wait3A_426 = arith.constant 0 : i32
          %dma_wait3A_427 = tpu.memref_slice %arg17[%dma_wait3A_425, %dma_wait3A_426] : memref<10112x128xf32, #tpu.memory_space<vmem_shared>> -> memref<10112x128xf32, #tpu.memory_space<vmem_shared>>
          tpu.wait_indirect_dma semaphore(%arg29 : memref<!tpu.dma_semaphore, #tpu.memory_space<semaphore_mem>>) src(%arg12 : memref<32x128xf32, #tpu.memory_space<vmem>>) dst(%dma_wait3A_427 : memref<10112x128xf32, #tpu.memory_space<vmem_shared>>)
          %dma_wait3A_428 = arith.constant 0 : i32
          %dma_wait3A_429 = arith.constant 0 : i32
          %dma_wait3A_430 = arith.constant 0 : i32
          %dma_wait3A_431 = tpu.memref_slice %arg8[%dma_wait3A_428, %dma_wait3A_429, %dma_wait3A_430] : memref<2x32x32xi32, #tpu.memory_space<vmem>> -> memref<1x1x32xi32, #tpu.memory_space<vmem>>
          %dma_wait3A_432 = tpu.memref_squeeze %dma_wait3A_431 : memref<1x1x32xi32, #tpu.memory_space<vmem>> -> memref<32xi32, #tpu.memory_space<vmem>>
          %dma_wait3A_433 = arith.constant 0 : i32
          %dma_wait3A_434 = arith.constant 0 : i32
          %dma_wait3A_435 = tpu.memref_slice %arg17[%dma_wait3A_433, %dma_wait3A_434] : memref<10112x128xf32, #tpu.memory_space<vmem_shared>> -> memref<10112x128xf32, #tpu.memory_space<vmem_shared>>
          tpu.wait_indirect_dma semaphore(%arg30 : memref<!tpu.dma_semaphore, #tpu.memory_space<semaphore_mem>>) src(%arg13 : memref<32x128xf32, #tpu.memory_space<vmem>>) dst(%dma_wait3A_435 : memref<10112x128xf32, #tpu.memory_space<vmem_shared>>)
          %dma_wait3A_436 = arith.constant 0 : i32
          %dma_wait3A_437 = arith.constant 0 : i32
          %dma_wait3A_438 = arith.constant 0 : i32
          %dma_wait3A_439 = tpu.memref_slice %arg8[%dma_wait3A_436, %dma_wait3A_437, %dma_wait3A_438] : memref<2x32x32xi32, #tpu.memory_space<vmem>> -> memref<1x1x32xi32, #tpu.memory_space<vmem>>
          %dma_wait3A_440 = tpu.memref_squeeze %dma_wait3A_439 : memref<1x1x32xi32, #tpu.memory_space<vmem>> -> memref<32xi32, #tpu.memory_space<vmem>>
          %dma_wait3A_441 = arith.constant 0 : i32
          %dma_wait3A_442 = arith.constant 0 : i32
          %dma_wait3A_443 = tpu.memref_slice %arg17[%dma_wait3A_441, %dma_wait3A_442] : memref<10112x128xf32, #tpu.memory_space<vmem_shared>> -> memref<10112x128xf32, #tpu.memory_space<vmem_shared>>
          tpu.wait_indirect_dma semaphore(%arg31 : memref<!tpu.dma_semaphore, #tpu.memory_space<semaphore_mem>>) src(%arg14 : memref<32x128xf32, #tpu.memory_space<vmem>>) dst(%dma_wait3A_443 : memref<10112x128xf32, #tpu.memory_space<vmem_shared>>)
          %dma_wait3A_444 = arith.constant 0 : i32
          %dma_wait3A_445 = arith.constant 0 : i32
          %dma_wait3A_446 = arith.constant 0 : i32
          %dma_wait3A_447 = tpu.memref_slice %arg8[%dma_wait3A_444, %dma_wait3A_445, %dma_wait3A_446] : memref<2x32x32xi32, #tpu.memory_space<vmem>> -> memref<1x1x32xi32, #tpu.memory_space<vmem>>
          %dma_wait3A_448 = tpu.memref_squeeze %dma_wait3A_447 : memref<1x1x32xi32, #tpu.memory_space<vmem>> -> memref<32xi32, #tpu.memory_space<vmem>>
          %dma_wait3A_449 = arith.constant 0 : i32
          %dma_wait3A_450 = arith.constant 0 : i32
          %dma_wait3A_451 = tpu.memref_slice %arg17[%dma_wait3A_449, %dma_wait3A_450] : memref<10112x128xf32, #tpu.memory_space<vmem_shared>> -> memref<10112x128xf32, #tpu.memory_space<vmem_shared>>
          tpu.wait_indirect_dma semaphore(%arg32 : memref<!tpu.dma_semaphore, #tpu.memory_space<semaphore_mem>>) src(%arg15 : memref<32x128xf32, #tpu.memory_space<vmem>>) dst(%dma_wait3A_451 : memref<10112x128xf32, #tpu.memory_space<vmem_shared>>)
          %dma_wait3A_452 = arith.constant 0 : i32
          %dma_wait3A_453 = arith.constant 0 : i32
          %dma_wait3A_454 = arith.constant 0 : i32
          %dma_wait3A_455 = tpu.memref_slice %arg8[%dma_wait3A_452, %dma_wait3A_453, %dma_wait3A_454] : memref<2x32x32xi32, #tpu.memory_space<vmem>> -> memref<1x1x32xi32, #tpu.memory_space<vmem>>
          %dma_wait3A_456 = tpu.memref_squeeze %dma_wait3A_455 : memref<1x1x32xi32, #tpu.memory_space<vmem>> -> memref<32xi32, #tpu.memory_space<vmem>>
          %dma_wait3A_457 = arith.constant 0 : i32
          %dma_wait3A_458 = arith.constant 0 : i32
          %dma_wait3A_459 = tpu.memref_slice %arg17[%dma_wait3A_457, %dma_wait3A_458] : memref<10112x128xf32, #tpu.memory_space<vmem_shared>> -> memref<10112x128xf32, #tpu.memory_space<vmem_shared>>
          tpu.wait_indirect_dma semaphore(%arg33 : memref<!tpu.dma_semaphore, #tpu.memory_space<semaphore_mem>>) src(%arg16 : memref<32x128xf32, #tpu.memory_space<vmem>>) dst(%dma_wait3A_459 : memref<10112x128xf32, #tpu.memory_space<vmem_shared>>)
        } else {
        }
        %scan3A_395 = arith.constant 0 : i32
        scf.yield %scan3A_395 : i32
      }
      %scan3A_188 = arith.constant 80 : i32
    } else {
    }
    %eq3A_5 = arith.constant 1 : i32
    %eq3A_6 = arith.cmpi eq, %arg0, %eq3A_5 : i32
    %convert_element_type3A_7 = arith.extui %eq3A_6 : i1 to i32
    %cond3A_8 = arith.constant 0 : i32
    %cond3A_9 = arith.cmpi ne, %convert_element_type3A_7, %cond3A_8 : i32
    scf.if %cond3A_9 {
      %mul3A_15 = arith.constant 640 : i32
      %mul3A_16 = arith.muli %arg1, %mul3A_15 : i32
      %add3A = arith.constant 0 : i32
      %add3A_17 = arith.addi %mul3A_16, %add3A : i32
      %dma_start3A = arith.constant 0 : i32
      %dma_start3A_18 = arith.constant 0 : i32
      %dma_start3A_19 = arith.constant 0 : i32
      %dma_start3A_20 = tpu.memref_slice %arg7[%dma_start3A, %dma_start3A_18, %dma_start3A_19] : memref<2x32x32xi32, #tpu.memory_space<vmem>> -> memref<1x32x32xi32, #tpu.memory_space<vmem>>
      %dma_start3A_21 = tpu.memref_squeeze %dma_start3A_20 : memref<1x32x32xi32, #tpu.memory_space<vmem>> -> memref<32x32xi32, #tpu.memory_space<vmem>>
      %dma_start3A_22 = arith.constant 0 : i32
      %dma_start3A_23 = tpu.memref_slice %arg2[%arg0, %add3A_17, %dma_start3A_22] : memref<2x10240x32xi32, #tpu.memory_space<hbm>> -> memref<1x32x32xi32, #tpu.memory_space<hbm>>
      %dma_start3A_24 = tpu.memref_squeeze %dma_start3A_23 : memref<1x32x32xi32, #tpu.memory_space<hbm>> -> memref<32x32xi32, #tpu.memory_space<hbm>>
      %dma_start3A_25 = arith.constant 0 : i32
      %dma_start3A_26 = arith.constant 0 : i32
      %dma_start3A_27 = tpu.memref_slice %arg7[%dma_start3A, %dma_start3A_25, %dma_start3A_26] : memref<2x32x32xi32, #tpu.memory_space<vmem>> -> memref<1x32x32xi32, #tpu.memory_space<vmem>>
      %dma_start3A_28 = tpu.memref_squeeze %dma_start3A_27 : memref<1x32x32xi32, #tpu.memory_space<vmem>> -> memref<32x32xi32, #tpu.memory_space<vmem>>
      %dma_start3A_29 = arith.constant 0 : i32
      %dma_start3A_30 = tpu.memref_slice %arg2[%arg0, %add3A_17, %dma_start3A_29] : memref<2x10240x32xi32, #tpu.memory_space<hbm>> -> memref<1x32x32xi32, #tpu.memory_space<hbm>>
      %dma_start3A_31 = tpu.memref_squeeze %dma_start3A_30 : memref<1x32x32xi32, #tpu.memory_space<hbm>> -> memref<32x32xi32, #tpu.memory_space<hbm>>
      tpu.enqueue_dma source(%dma_start3A_31 : memref<32x32xi32, #tpu.memory_space<hbm>>) target(%dma_start3A_28 : memref<32x32xi32, #tpu.memory_space<vmem>>) target_semaphore(%arg34 : memref<!tpu.dma_semaphore, #tpu.memory_space<semaphore_mem>>)
      %sub3A = arith.constant 1 : i32
      %sub3A_32 = arith.subi %sub3A, %arg0 : i32
      %dma_start3A_33 = arith.constant 0 : i32
      %dma_start3A_34 = arith.constant 0 : i32
      %dma_start3A_35 = arith.constant 0 : i32
      %dma_start3A_36 = tpu.memref_slice %arg8[%dma_start3A_33, %dma_start3A_34, %dma_start3A_35] : memref<2x32x32xi32, #tpu.memory_space<vmem>> -> memref<1x32x32xi32, #tpu.memory_space<vmem>>
      %dma_start3A_37 = tpu.memref_squeeze %dma_start3A_36 : memref<1x32x32xi32, #tpu.memory_space<vmem>> -> memref<32x32xi32, #tpu.memory_space<vmem>>
      %dma_start3A_38 = arith.constant 0 : i32
      %dma_start3A_39 = tpu.memref_slice %arg2[%sub3A_32, %add3A_17, %dma_start3A_38] : memref<2x10240x32xi32, #tpu.memory_space<hbm>> -> memref<1x32x32xi32, #tpu.memory_space<hbm>>
      %dma_start3A_40 = tpu.memref_squeeze %dma_start3A_39 : memref<1x32x32xi32, #tpu.memory_space<hbm>> -> memref<32x32xi32, #tpu.memory_space<hbm>>
      %dma_start3A_41 = arith.constant 0 : i32
      %dma_start3A_42 = arith.constant 0 : i32
      %dma_start3A_43 = tpu.memref_slice %arg8[%dma_start3A_33, %dma_start3A_41, %dma_start3A_42] : memref<2x32x32xi32, #tpu.memory_space<vmem>> -> memref<1x32x32xi32, #tpu.memory_space<vmem>>
      %dma_start3A_44 = tpu.memref_squeeze %dma_start3A_43 : memref<1x32x32xi32, #tpu.memory_space<vmem>> -> memref<32x32xi32, #tpu.memory_space<vmem>>
      %dma_start3A_45 = arith.constant 0 : i32
      %dma_start3A_46 = tpu.memref_slice %arg2[%sub3A_32, %add3A_17, %dma_start3A_45] : memref<2x10240x32xi32, #tpu.memory_space<hbm>> -> memref<1x32x32xi32, #tpu.memory_space<hbm>>
      %dma_start3A_47 = tpu.memref_squeeze %dma_start3A_46 : memref<1x32x32xi32, #tpu.memory_space<hbm>> -> memref<32x32xi32, #tpu.memory_space<hbm>>
      tpu.enqueue_dma source(%dma_start3A_47 : memref<32x32xi32, #tpu.memory_space<hbm>>) target(%dma_start3A_44 : memref<32x32xi32, #tpu.memory_space<vmem>>) target_semaphore(%arg35 : memref<!tpu.dma_semaphore, #tpu.memory_space<semaphore_mem>>)
      %dma_wait3A = arith.constant 0 : i32
      %dma_wait3A_48 = arith.constant 0 : i32
      %dma_wait3A_49 = arith.constant 0 : i32
      %dma_wait3A_50 = tpu.memref_slice %arg7[%dma_wait3A, %dma_wait3A_48, %dma_wait3A_49] : memref<2x32x32xi32, #tpu.memory_space<vmem>> -> memref<1x32x32xi32, #tpu.memory_space<vmem>>
      %dma_wait3A_51 = tpu.memref_squeeze %dma_wait3A_50 : memref<1x32x32xi32, #tpu.memory_space<vmem>> -> memref<32x32xi32, #tpu.memory_space<vmem>>
      %dma_wait3A_52 = arith.constant 0 : i32
      %dma_wait3A_53 = arith.constant 0 : i32
      %dma_wait3A_54 = tpu.memref_slice %arg2[%arg0, %dma_wait3A_52, %dma_wait3A_53] : memref<2x10240x32xi32, #tpu.memory_space<hbm>> -> memref<1x32x32xi32, #tpu.memory_space<hbm>>
      %dma_wait3A_55 = tpu.memref_squeeze %dma_wait3A_54 : memref<1x32x32xi32, #tpu.memory_space<hbm>> -> memref<32x32xi32, #tpu.memory_space<hbm>>
      %dma_wait3A_56 = arith.constant 0 : i32
      %dma_wait3A_57 = arith.constant 0 : i32
      %dma_wait3A_58 = tpu.memref_slice %arg7[%dma_wait3A, %dma_wait3A_56, %dma_wait3A_57] : memref<2x32x32xi32, #tpu.memory_space<vmem>> -> memref<1x32x32xi32, #tpu.memory_space<vmem>>
      %dma_wait3A_59 = tpu.memref_squeeze %dma_wait3A_58 : memref<1x32x32xi32, #tpu.memory_space<vmem>> -> memref<32x32xi32, #tpu.memory_space<vmem>>
      %dma_wait3A_60 = arith.constant 0 : i32
      %dma_wait3A_61 = arith.constant 0 : i32
      %dma_wait3A_62 = tpu.memref_slice %arg2[%arg0, %dma_wait3A_60, %dma_wait3A_61] : memref<2x10240x32xi32, #tpu.memory_space<hbm>> -> memref<1x32x32xi32, #tpu.memory_space<hbm>>
      %dma_wait3A_63 = tpu.memref_squeeze %dma_wait3A_62 : memref<1x32x32xi32, #tpu.memory_space<hbm>> -> memref<32x32xi32, #tpu.memory_space<hbm>>
      tpu.wait_dma2 semaphore(%arg34 : memref<!tpu.dma_semaphore, #tpu.memory_space<semaphore_mem>>) src(%dma_wait3A_63 : memref<32x32xi32, #tpu.memory_space<hbm>>) dst(%dma_wait3A_59 : memref<32x32xi32, #tpu.memory_space<vmem>>)
      %sub3A_64 = arith.constant 1 : i32
      %sub3A_65 = arith.subi %sub3A_64, %arg0 : i32
      %dma_wait3A_66 = arith.constant 0 : i32
      %dma_wait3A_67 = arith.constant 0 : i32
      %dma_wait3A_68 = arith.constant 0 : i32
      %dma_wait3A_69 = tpu.memref_slice %arg8[%dma_wait3A_66, %dma_wait3A_67, %dma_wait3A_68] : memref<2x32x32xi32, #tpu.memory_space<vmem>> -> memref<1x32x32xi32, #tpu.memory_space<vmem>>
      %dma_wait3A_70 = tpu.memref_squeeze %dma_wait3A_69 : memref<1x32x32xi32, #tpu.memory_space<vmem>> -> memref<32x32xi32, #tpu.memory_space<vmem>>
      %dma_wait3A_71 = arith.constant 0 : i32
      %dma_wait3A_72 = arith.constant 0 : i32
      %dma_wait3A_73 = tpu.memref_slice %arg2[%sub3A_65, %dma_wait3A_71, %dma_wait3A_72] : memref<2x10240x32xi32, #tpu.memory_space<hbm>> -> memref<1x32x32xi32, #tpu.memory_space<hbm>>
      %dma_wait3A_74 = tpu.memref_squeeze %dma_wait3A_73 : memref<1x32x32xi32, #tpu.memory_space<hbm>> -> memref<32x32xi32, #tpu.memory_space<hbm>>
      %dma_wait3A_75 = arith.constant 0 : i32
      %dma_wait3A_76 = arith.constant 0 : i32
      %dma_wait3A_77 = tpu.memref_slice %arg8[%dma_wait3A_66, %dma_wait3A_75, %dma_wait3A_76] : memref<2x32x32xi32, #tpu.memory_space<vmem>> -> memref<1x32x32xi32, #tpu.memory_space<vmem>>
      %dma_wait3A_78 = tpu.memref_squeeze %dma_wait3A_77 : memref<1x32x32xi32, #tpu.memory_space<vmem>> -> memref<32x32xi32, #tpu.memory_space<vmem>>
      %dma_wait3A_79 = arith.constant 0 : i32
      %dma_wait3A_80 = arith.constant 0 : i32
      %dma_wait3A_81 = tpu.memref_slice %arg2[%sub3A_65, %dma_wait3A_79, %dma_wait3A_80] : memref<2x10240x32xi32, #tpu.memory_space<hbm>> -> memref<1x32x32xi32, #tpu.memory_space<hbm>>
      %dma_wait3A_82 = tpu.memref_squeeze %dma_wait3A_81 : memref<1x32x32xi32, #tpu.memory_space<hbm>> -> memref<32x32xi32, #tpu.memory_space<hbm>>
      tpu.wait_dma2 semaphore(%arg35 : memref<!tpu.dma_semaphore, #tpu.memory_space<semaphore_mem>>) src(%dma_wait3A_82 : memref<32x32xi32, #tpu.memory_space<hbm>>) dst(%dma_wait3A_78 : memref<32x32xi32, #tpu.memory_space<vmem>>)
      %mul3A_83 = arith.constant 640 : i32
      %mul3A_84 = arith.muli %arg1, %mul3A_83 : i32
      %add3A_85 = arith.constant 32 : i32
      %add3A_86 = arith.addi %mul3A_84, %add3A_85 : i32
      %dma_start3A_87 = arith.constant 1 : i32
      %dma_start3A_88 = arith.constant 0 : i32
      %dma_start3A_89 = arith.constant 0 : i32
      %dma_start3A_90 = tpu.memref_slice %arg7[%dma_start3A_87, %dma_start3A_88, %dma_start3A_89] : memref<2x32x32xi32, #tpu.memory_space<vmem>> -> memref<1x32x32xi32, #tpu.memory_space<vmem>>
      %dma_start3A_91 = tpu.memref_squeeze %dma_start3A_90 : memref<1x32x32xi32, #tpu.memory_space<vmem>> -> memref<32x32xi32, #tpu.memory_space<vmem>>
      %dma_start3A_92 = arith.constant 0 : i32
      %dma_start3A_93 = tpu.memref_slice %arg2[%arg0, %add3A_86, %dma_start3A_92] : memref<2x10240x32xi32, #tpu.memory_space<hbm>> -> memref<1x32x32xi32, #tpu.memory_space<hbm>>
      %dma_start3A_94 = tpu.memref_squeeze %dma_start3A_93 : memref<1x32x32xi32, #tpu.memory_space<hbm>> -> memref<32x32xi32, #tpu.memory_space<hbm>>
      %dma_start3A_95 = arith.constant 0 : i32
      %dma_start3A_96 = arith.constant 0 : i32
      %dma_start3A_97 = tpu.memref_slice %arg7[%dma_start3A_87, %dma_start3A_95, %dma_start3A_96] : memref<2x32x32xi32, #tpu.memory_space<vmem>> -> memref<1x32x32xi32, #tpu.memory_space<vmem>>
      %dma_start3A_98 = tpu.memref_squeeze %dma_start3A_97 : memref<1x32x32xi32, #tpu.memory_space<vmem>> -> memref<32x32xi32, #tpu.memory_space<vmem>>
      %dma_start3A_99 = arith.constant 0 : i32
      %dma_start3A_100 = tpu.memref_slice %arg2[%arg0, %add3A_86, %dma_start3A_99] : memref<2x10240x32xi32, #tpu.memory_space<hbm>> -> memref<1x32x32xi32, #tpu.memory_space<hbm>>
      %dma_start3A_101 = tpu.memref_squeeze %dma_start3A_100 : memref<1x32x32xi32, #tpu.memory_space<hbm>> -> memref<32x32xi32, #tpu.memory_space<hbm>>
      tpu.enqueue_dma source(%dma_start3A_101 : memref<32x32xi32, #tpu.memory_space<hbm>>) target(%dma_start3A_98 : memref<32x32xi32, #tpu.memory_space<vmem>>) target_semaphore(%arg34 : memref<!tpu.dma_semaphore, #tpu.memory_space<semaphore_mem>>)
      %sub3A_102 = arith.constant 1 : i32
      %sub3A_103 = arith.subi %sub3A_102, %arg0 : i32
      %dma_start3A_104 = arith.constant 1 : i32
      %dma_start3A_105 = arith.constant 0 : i32
      %dma_start3A_106 = arith.constant 0 : i32
      %dma_start3A_107 = tpu.memref_slice %arg8[%dma_start3A_104, %dma_start3A_105, %dma_start3A_106] : memref<2x32x32xi32, #tpu.memory_space<vmem>> -> memref<1x32x32xi32, #tpu.memory_space<vmem>>
      %dma_start3A_108 = tpu.memref_squeeze %dma_start3A_107 : memref<1x32x32xi32, #tpu.memory_space<vmem>> -> memref<32x32xi32, #tpu.memory_space<vmem>>
      %dma_start3A_109 = arith.constant 0 : i32
      %dma_start3A_110 = tpu.memref_slice %arg2[%sub3A_103, %add3A_86, %dma_start3A_109] : memref<2x10240x32xi32, #tpu.memory_space<hbm>> -> memref<1x32x32xi32, #tpu.memory_space<hbm>>
      %dma_start3A_111 = tpu.memref_squeeze %dma_start3A_110 : memref<1x32x32xi32, #tpu.memory_space<hbm>> -> memref<32x32xi32, #tpu.memory_space<hbm>>
      %dma_start3A_112 = arith.constant 0 : i32
      %dma_start3A_113 = arith.constant 0 : i32
      %dma_start3A_114 = tpu.memref_slice %arg8[%dma_start3A_104, %dma_start3A_112, %dma_start3A_113] : memref<2x32x32xi32, #tpu.memory_space<vmem>> -> memref<1x32x32xi32, #tpu.memory_space<vmem>>
      %dma_start3A_115 = tpu.memref_squeeze %dma_start3A_114 : memref<1x32x32xi32, #tpu.memory_space<vmem>> -> memref<32x32xi32, #tpu.memory_space<vmem>>
      %dma_start3A_116 = arith.constant 0 : i32
      %dma_start3A_117 = tpu.memref_slice %arg2[%sub3A_103, %add3A_86, %dma_start3A_116] : memref<2x10240x32xi32, #tpu.memory_space<hbm>> -> memref<1x32x32xi32, #tpu.memory_space<hbm>>
      %dma_start3A_118 = tpu.memref_squeeze %dma_start3A_117 : memref<1x32x32xi32, #tpu.memory_space<hbm>> -> memref<32x32xi32, #tpu.memory_space<hbm>>
      tpu.enqueue_dma source(%dma_start3A_118 : memref<32x32xi32, #tpu.memory_space<hbm>>) target(%dma_start3A_115 : memref<32x32xi32, #tpu.memory_space<vmem>>) target_semaphore(%arg35 : memref<!tpu.dma_semaphore, #tpu.memory_space<semaphore_mem>>)
      %dma_start3A_119 = arith.constant 0 : i32
      %dma_start3A_120 = arith.constant 0 : i32
      %dma_start3A_121 = arith.constant 0 : i32
      %dma_start3A_122 = tpu.memref_slice %arg7[%dma_start3A_119, %dma_start3A_120, %dma_start3A_121] : memref<2x32x32xi32, #tpu.memory_space<vmem>> -> memref<1x1x32xi32, #tpu.memory_space<vmem>>
      %dma_start3A_123 = tpu.memref_squeeze %dma_start3A_122 : memref<1x1x32xi32, #tpu.memory_space<vmem>> -> memref<32xi32, #tpu.memory_space<vmem>>
      %dma_start3A_124 = arith.constant 0 : i32
      %dma_start3A_125 = arith.constant 0 : i32
      %dma_start3A_126 = tpu.memref_slice %arg4[%dma_start3A_124, %dma_start3A_125] : memref<10112x128xf32, #tpu.memory_space<hbm>> -> memref<10112x128xf32, #tpu.memory_space<hbm>>
      tpu.enqueue_indirect_dma source(%dma_start3A_126 : memref<10112x128xf32, #tpu.memory_space<hbm>>) target(%arg9 : memref<32x128xf32, #tpu.memory_space<vmem>>) offsets(%dma_start3A_123 : memref<32xi32, #tpu.memory_space<vmem>>) semaphore(%arg18 : memref<!tpu.dma_semaphore, #tpu.memory_space<semaphore_mem>>)
      %dma_start3A_127 = arith.constant 0 : i32
      %dma_start3A_128 = arith.constant 1 : i32
      %dma_start3A_129 = arith.constant 0 : i32
      %dma_start3A_130 = tpu.memref_slice %arg7[%dma_start3A_127, %dma_start3A_128, %dma_start3A_129] : memref<2x32x32xi32, #tpu.memory_space<vmem>> -> memref<1x1x32xi32, #tpu.memory_space<vmem>>
      %dma_start3A_131 = tpu.memref_squeeze %dma_start3A_130 : memref<1x1x32xi32, #tpu.memory_space<vmem>> -> memref<32xi32, #tpu.memory_space<vmem>>
      %dma_start3A_132 = arith.constant 0 : i32
      %dma_start3A_133 = arith.constant 0 : i32
      %dma_start3A_134 = tpu.memref_slice %arg4[%dma_start3A_132, %dma_start3A_133] : memref<10112x128xf32, #tpu.memory_space<hbm>> -> memref<10112x128xf32, #tpu.memory_space<hbm>>
      tpu.enqueue_indirect_dma source(%dma_start3A_134 : memref<10112x128xf32, #tpu.memory_space<hbm>>) target(%arg10 : memref<32x128xf32, #tpu.memory_space<vmem>>) offsets(%dma_start3A_131 : memref<32xi32, #tpu.memory_space<vmem>>) semaphore(%arg19 : memref<!tpu.dma_semaphore, #tpu.memory_space<semaphore_mem>>)
      %dma_start3A_135 = arith.constant 0 : i32
      %dma_start3A_136 = arith.constant 2 : i32
      %dma_start3A_137 = arith.constant 0 : i32
      %dma_start3A_138 = tpu.memref_slice %arg7[%dma_start3A_135, %dma_start3A_136, %dma_start3A_137] : memref<2x32x32xi32, #tpu.memory_space<vmem>> -> memref<1x1x32xi32, #tpu.memory_space<vmem>>
      %dma_start3A_139 = tpu.memref_squeeze %dma_start3A_138 : memref<1x1x32xi32, #tpu.memory_space<vmem>> -> memref<32xi32, #tpu.memory_space<vmem>>
      %dma_start3A_140 = arith.constant 0 : i32
      %dma_start3A_141 = arith.constant 0 : i32
      %dma_start3A_142 = tpu.memref_slice %arg4[%dma_start3A_140, %dma_start3A_141] : memref<10112x128xf32, #tpu.memory_space<hbm>> -> memref<10112x128xf32, #tpu.memory_space<hbm>>
      tpu.enqueue_indirect_dma source(%dma_start3A_142 : memref<10112x128xf32, #tpu.memory_space<hbm>>) target(%arg11 : memref<32x128xf32, #tpu.memory_space<vmem>>) offsets(%dma_start3A_139 : memref<32xi32, #tpu.memory_space<vmem>>) semaphore(%arg20 : memref<!tpu.dma_semaphore, #tpu.memory_space<semaphore_mem>>)
      %dma_start3A_143 = arith.constant 0 : i32
      %dma_start3A_144 = arith.constant 3 : i32
      %dma_start3A_145 = arith.constant 0 : i32
      %dma_start3A_146 = tpu.memref_slice %arg7[%dma_start3A_143, %dma_start3A_144, %dma_start3A_145] : memref<2x32x32xi32, #tpu.memory_space<vmem>> -> memref<1x1x32xi32, #tpu.memory_space<vmem>>
      %dma_start3A_147 = tpu.memref_squeeze %dma_start3A_146 : memref<1x1x32xi32, #tpu.memory_space<vmem>> -> memref<32xi32, #tpu.memory_space<vmem>>
      %dma_start3A_148 = arith.constant 0 : i32
      %dma_start3A_149 = arith.constant 0 : i32
      %dma_start3A_150 = tpu.memref_slice %arg4[%dma_start3A_148, %dma_start3A_149] : memref<10112x128xf32, #tpu.memory_space<hbm>> -> memref<10112x128xf32, #tpu.memory_space<hbm>>
      tpu.enqueue_indirect_dma source(%dma_start3A_150 : memref<10112x128xf32, #tpu.memory_space<hbm>>) target(%arg12 : memref<32x128xf32, #tpu.memory_space<vmem>>) offsets(%dma_start3A_147 : memref<32xi32, #tpu.memory_space<vmem>>) semaphore(%arg21 : memref<!tpu.dma_semaphore, #tpu.memory_space<semaphore_mem>>)
      %dma_start3A_151 = arith.constant 0 : i32
      %dma_start3A_152 = arith.constant 4 : i32
      %dma_start3A_153 = arith.constant 0 : i32
      %dma_start3A_154 = tpu.memref_slice %arg7[%dma_start3A_151, %dma_start3A_152, %dma_start3A_153] : memref<2x32x32xi32, #tpu.memory_space<vmem>> -> memref<1x1x32xi32, #tpu.memory_space<vmem>>
      %dma_start3A_155 = tpu.memref_squeeze %dma_start3A_154 : memref<1x1x32xi32, #tpu.memory_space<vmem>> -> memref<32xi32, #tpu.memory_space<vmem>>
      %dma_start3A_156 = arith.constant 0 : i32
      %dma_start3A_157 = arith.constant 0 : i32
      %dma_start3A_158 = tpu.memref_slice %arg4[%dma_start3A_156, %dma_start3A_157] : memref<10112x128xf32, #tpu.memory_space<hbm>> -> memref<10112x128xf32, #tpu.memory_space<hbm>>
      tpu.enqueue_indirect_dma source(%dma_start3A_158 : memref<10112x128xf32, #tpu.memory_space<hbm>>) target(%arg13 : memref<32x128xf32, #tpu.memory_space<vmem>>) offsets(%dma_start3A_155 : memref<32xi32, #tpu.memory_space<vmem>>) semaphore(%arg22 : memref<!tpu.dma_semaphore, #tpu.memory_space<semaphore_mem>>)
      %dma_start3A_159 = arith.constant 0 : i32
      %dma_start3A_160 = arith.constant 5 : i32
      %dma_start3A_161 = arith.constant 0 : i32
      %dma_start3A_162 = tpu.memref_slice %arg7[%dma_start3A_159, %dma_start3A_160, %dma_start3A_161] : memref<2x32x32xi32, #tpu.memory_space<vmem>> -> memref<1x1x32xi32, #tpu.memory_space<vmem>>
      %dma_start3A_163 = tpu.memref_squeeze %dma_start3A_162 : memref<1x1x32xi32, #tpu.memory_space<vmem>> -> memref<32xi32, #tpu.memory_space<vmem>>
      %dma_start3A_164 = arith.constant 0 : i32
      %dma_start3A_165 = arith.constant 0 : i32
      %dma_start3A_166 = tpu.memref_slice %arg4[%dma_start3A_164, %dma_start3A_165] : memref<10112x128xf32, #tpu.memory_space<hbm>> -> memref<10112x128xf32, #tpu.memory_space<hbm>>
      tpu.enqueue_indirect_dma source(%dma_start3A_166 : memref<10112x128xf32, #tpu.memory_space<hbm>>) target(%arg14 : memref<32x128xf32, #tpu.memory_space<vmem>>) offsets(%dma_start3A_163 : memref<32xi32, #tpu.memory_space<vmem>>) semaphore(%arg23 : memref<!tpu.dma_semaphore, #tpu.memory_space<semaphore_mem>>)
      %dma_start3A_167 = arith.constant 0 : i32
      %dma_start3A_168 = arith.constant 6 : i32
      %dma_start3A_169 = arith.constant 0 : i32
      %dma_start3A_170 = tpu.memref_slice %arg7[%dma_start3A_167, %dma_start3A_168, %dma_start3A_169] : memref<2x32x32xi32, #tpu.memory_space<vmem>> -> memref<1x1x32xi32, #tpu.memory_space<vmem>>
      %dma_start3A_171 = tpu.memref_squeeze %dma_start3A_170 : memref<1x1x32xi32, #tpu.memory_space<vmem>> -> memref<32xi32, #tpu.memory_space<vmem>>
      %dma_start3A_172 = arith.constant 0 : i32
      %dma_start3A_173 = arith.constant 0 : i32
      %dma_start3A_174 = tpu.memref_slice %arg4[%dma_start3A_172, %dma_start3A_173] : memref<10112x128xf32, #tpu.memory_space<hbm>> -> memref<10112x128xf32, #tpu.memory_space<hbm>>
      tpu.enqueue_indirect_dma source(%dma_start3A_174 : memref<10112x128xf32, #tpu.memory_space<hbm>>) target(%arg15 : memref<32x128xf32, #tpu.memory_space<vmem>>) offsets(%dma_start3A_171 : memref<32xi32, #tpu.memory_space<vmem>>) semaphore(%arg24 : memref<!tpu.dma_semaphore, #tpu.memory_space<semaphore_mem>>)
      %dma_start3A_175 = arith.constant 0 : i32
      %dma_start3A_176 = arith.constant 7 : i32
      %dma_start3A_177 = arith.constant 0 : i32
      %dma_start3A_178 = tpu.memref_slice %arg7[%dma_start3A_175, %dma_start3A_176, %dma_start3A_177] : memref<2x32x32xi32, #tpu.memory_space<vmem>> -> memref<1x1x32xi32, #tpu.memory_space<vmem>>
      %dma_start3A_179 = tpu.memref_squeeze %dma_start3A_178 : memref<1x1x32xi32, #tpu.memory_space<vmem>> -> memref<32xi32, #tpu.memory_space<vmem>>
      %dma_start3A_180 = arith.constant 0 : i32
      %dma_start3A_181 = arith.constant 0 : i32
      %dma_start3A_182 = tpu.memref_slice %arg4[%dma_start3A_180, %dma_start3A_181] : memref<10112x128xf32, #tpu.memory_space<hbm>> -> memref<10112x128xf32, #tpu.memory_space<hbm>>
      tpu.enqueue_indirect_dma source(%dma_start3A_182 : memref<10112x128xf32, #tpu.memory_space<hbm>>) target(%arg16 : memref<32x128xf32, #tpu.memory_space<vmem>>) offsets(%dma_start3A_179 : memref<32xi32, #tpu.memory_space<vmem>>) semaphore(%arg25 : memref<!tpu.dma_semaphore, #tpu.memory_space<semaphore_mem>>)
      %scan3A = arith.constant 0 : i32
      %scan3A_183 = arith.constant 0 : i32
      %scan3A_184 = arith.constant 80 : i32
      %scan3A_185 = arith.addi %scan3A_183, %scan3A_184 : i32
      %scan3A_186 = arith.constant 1 : i32
      %scan3A_187 = scf.for %scan3A_189 = %scan3A_183 to %scan3A_185 step %scan3A_186 iter_args(%scan3A_190 = %scan3A) -> (i32)  : i32 {
        %mul3A_191 = arith.constant 8 : i32
        %mul3A_192 = arith.muli %scan3A_189, %mul3A_191 : i32
        %jit3A = arith.constant 32 : i32
        %div3A = arith.divsi %mul3A_192, %jit3A : i32
        %sign3A = arith.constant 0 : i32
        %sign3A_193 = arith.cmpi sgt, %mul3A_192, %sign3A : i32
        %sign3A_194 = arith.extui %sign3A_193 : i1 to i32
        %sign3A_195 = arith.constant 0 : i32
        %sign3A_196 = arith.cmpi slt, %mul3A_192, %sign3A_195 : i32
        %sign3A_197 = arith.extui %sign3A_196 : i1 to i32
        %sign3A_198 = arith.subi %sign3A_194, %sign3A_197 : i32
        %sign3A_199 = arith.constant 0 : i32
        %sign3A_200 = arith.cmpi sgt, %jit3A, %sign3A_199 : i32
        %sign3A_201 = arith.extui %sign3A_200 : i1 to i32
        %sign3A_202 = arith.constant 0 : i32
        %sign3A_203 = arith.cmpi slt, %jit3A, %sign3A_202 : i32
        %sign3A_204 = arith.extui %sign3A_203 : i1 to i32
        %sign3A_205 = arith.subi %sign3A_201, %sign3A_204 : i32
        %ne3A = arith.cmpi ne, %sign3A_198, %sign3A_205 : i32
        %rem3A = arith.remsi %mul3A_192, %jit3A : i32
        %ne3A_206 = arith.constant 0 : i32
        %ne3A_207 = arith.cmpi ne, %rem3A, %ne3A_206 : i32
        %and3A = arith.andi %ne3A, %ne3A_207 : i1
        %sub3A_208 = arith.constant 1 : i32
        %sub3A_209 = arith.subi %div3A, %sub3A_208 : i32
        %select_n3A = arith.select %and3A, %sub3A_209, %div3A : i32
        %rem3A_210 = arith.constant 2 : i32
        %rem3A_211 = arith.remsi %select_n3A, %rem3A_210 : i32
        %mul3A_212 = arith.constant 8 : i32
        %mul3A_213 = arith.muli %scan3A_189, %mul3A_212 : i32
        %rem3A_214 = arith.constant 32 : i32
        %rem3A_215 = arith.remsi %mul3A_213, %rem3A_214 : i32
        %add3A_216 = arith.constant 1 : i32
        %add3A_217 = arith.addi %scan3A_189, %add3A_216 : i32
        %mul3A_218 = arith.constant 8 : i32
        %mul3A_219 = arith.muli %add3A_217, %mul3A_218 : i32
        %jit3A_220 = arith.constant 32 : i32
        %div3A_221 = arith.divsi %mul3A_219, %jit3A_220 : i32
        %sign3A_222 = arith.constant 0 : i32
        %sign3A_223 = arith.cmpi sgt, %mul3A_219, %sign3A_222 : i32
        %sign3A_224 = arith.extui %sign3A_223 : i1 to i32
        %sign3A_225 = arith.constant 0 : i32
        %sign3A_226 = arith.cmpi slt, %mul3A_219, %sign3A_225 : i32
        %sign3A_227 = arith.extui %sign3A_226 : i1 to i32
        %sign3A_228 = arith.subi %sign3A_224, %sign3A_227 : i32
        %sign3A_229 = arith.constant 0 : i32
        %sign3A_230 = arith.cmpi sgt, %jit3A_220, %sign3A_229 : i32
        %sign3A_231 = arith.extui %sign3A_230 : i1 to i32
        %sign3A_232 = arith.constant 0 : i32
        %sign3A_233 = arith.cmpi slt, %jit3A_220, %sign3A_232 : i32
        %sign3A_234 = arith.extui %sign3A_233 : i1 to i32
        %sign3A_235 = arith.subi %sign3A_231, %sign3A_234 : i32
        %ne3A_236 = arith.cmpi ne, %sign3A_228, %sign3A_235 : i32
        %rem3A_237 = arith.remsi %mul3A_219, %jit3A_220 : i32
        %ne3A_238 = arith.constant 0 : i32
        %ne3A_239 = arith.cmpi ne, %rem3A_237, %ne3A_238 : i32
        %and3A_240 = arith.andi %ne3A_236, %ne3A_239 : i1
        %sub3A_241 = arith.constant 1 : i32
        %sub3A_242 = arith.subi %div3A_221, %sub3A_241 : i32
        %select_n3A_243 = arith.select %and3A_240, %sub3A_242, %div3A_221 : i32
        %rem3A_244 = arith.constant 2 : i32
        %rem3A_245 = arith.remsi %select_n3A_243, %rem3A_244 : i32
        %mul3A_246 = arith.constant 8 : i32
        %mul3A_247 = arith.muli %add3A_217, %mul3A_246 : i32
        %rem3A_248 = arith.constant 32 : i32
        %rem3A_249 = arith.remsi %mul3A_247, %rem3A_248 : i32
        %dma_wait3A_250 = arith.constant 0 : i32
        %dma_wait3A_251 = arith.constant 0 : i32
        %dma_wait3A_252 = arith.constant 0 : i32
        %dma_wait3A_253 = tpu.memref_slice %arg7[%dma_wait3A_250, %dma_wait3A_251, %dma_wait3A_252] : memref<2x32x32xi32, #tpu.memory_space<vmem>> -> memref<1x1x32xi32, #tpu.memory_space<vmem>>
        %dma_wait3A_254 = tpu.memref_squeeze %dma_wait3A_253 : memref<1x1x32xi32, #tpu.memory_space<vmem>> -> memref<32xi32, #tpu.memory_space<vmem>>
        %dma_wait3A_255 = arith.constant 0 : i32
        %dma_wait3A_256 = arith.constant 0 : i32
        %dma_wait3A_257 = tpu.memref_slice %arg4[%dma_wait3A_255, %dma_wait3A_256] : memref<10112x128xf32, #tpu.memory_space<hbm>> -> memref<10112x128xf32, #tpu.memory_space<hbm>>
        tpu.wait_indirect_dma semaphore(%arg18 : memref<!tpu.dma_semaphore, #tpu.memory_space<semaphore_mem>>) src(%dma_wait3A_257 : memref<10112x128xf32, #tpu.memory_space<hbm>>) dst(%arg9 : memref<32x128xf32, #tpu.memory_space<vmem>>)
        %add3A_258 = arith.constant 0 : i32
        %add3A_259 = arith.addi %rem3A_215, %add3A_258 : i32
        %dma_start3A_260 = arith.constant 0 : i32
        %dma_start3A_261 = tpu.memref_slice %arg8[%rem3A_211, %add3A_259, %dma_start3A_260] : memref<2x32x32xi32, #tpu.memory_space<vmem>> -> memref<1x1x32xi32, #tpu.memory_space<vmem>>
        %dma_start3A_262 = tpu.memref_squeeze %dma_start3A_261 : memref<1x1x32xi32, #tpu.memory_space<vmem>> -> memref<32xi32, #tpu.memory_space<vmem>>
        %dma_start3A_263 = arith.constant 0 : i32
        %dma_start3A_264 = arith.constant 0 : i32
        %dma_start3A_265 = tpu.memref_slice %arg17[%dma_start3A_263, %dma_start3A_264] : memref<10112x128xf32, #tpu.memory_space<vmem_shared>> -> memref<10112x128xf32, #tpu.memory_space<vmem_shared>>
        tpu.enqueue_indirect_dma source(%arg9 : memref<32x128xf32, #tpu.memory_space<vmem>>) target(%dma_start3A_265 : memref<10112x128xf32, #tpu.memory_space<vmem_shared>>) offsets(%dma_start3A_262 : memref<32xi32, #tpu.memory_space<vmem>>) semaphore(%arg26 : memref<!tpu.dma_semaphore, #tpu.memory_space<semaphore_mem>>) {add = true}
        %dma_wait3A_266 = arith.constant 0 : i32
        %dma_wait3A_267 = arith.constant 0 : i32
        %dma_wait3A_268 = arith.constant 0 : i32
        %dma_wait3A_269 = tpu.memref_slice %arg7[%dma_wait3A_266, %dma_wait3A_267, %dma_wait3A_268] : memref<2x32x32xi32, #tpu.memory_space<vmem>> -> memref<1x1x32xi32, #tpu.memory_space<vmem>>
        %dma_wait3A_270 = tpu.memref_squeeze %dma_wait3A_269 : memref<1x1x32xi32, #tpu.memory_space<vmem>> -> memref<32xi32, #tpu.memory_space<vmem>>
        %dma_wait3A_271 = arith.constant 0 : i32
        %dma_wait3A_272 = arith.constant 0 : i32
        %dma_wait3A_273 = tpu.memref_slice %arg4[%dma_wait3A_271, %dma_wait3A_272] : memref<10112x128xf32, #tpu.memory_space<hbm>> -> memref<10112x128xf32, #tpu.memory_space<hbm>>
        tpu.wait_indirect_dma semaphore(%arg19 : memref<!tpu.dma_semaphore, #tpu.memory_space<semaphore_mem>>) src(%dma_wait3A_273 : memref<10112x128xf32, #tpu.memory_space<hbm>>) dst(%arg10 : memref<32x128xf32, #tpu.memory_space<vmem>>)
        %add3A_274 = arith.constant 1 : i32
        %add3A_275 = arith.addi %rem3A_215, %add3A_274 : i32
        %dma_start3A_276 = arith.constant 0 : i32
        %dma_start3A_277 = tpu.memref_slice %arg8[%rem3A_211, %add3A_275, %dma_start3A_276] : memref<2x32x32xi32, #tpu.memory_space<vmem>> -> memref<1x1x32xi32, #tpu.memory_space<vmem>>
        %dma_start3A_278 = tpu.memref_squeeze %dma_start3A_277 : memref<1x1x32xi32, #tpu.memory_space<vmem>> -> memref<32xi32, #tpu.memory_space<vmem>>
        %dma_start3A_279 = arith.constant 0 : i32
        %dma_start3A_280 = arith.constant 0 : i32
        %dma_start3A_281 = tpu.memref_slice %arg17[%dma_start3A_279, %dma_start3A_280] : memref<10112x128xf32, #tpu.memory_space<vmem_shared>> -> memref<10112x128xf32, #tpu.memory_space<vmem_shared>>
        tpu.enqueue_indirect_dma source(%arg10 : memref<32x128xf32, #tpu.memory_space<vmem>>) target(%dma_start3A_281 : memref<10112x128xf32, #tpu.memory_space<vmem_shared>>) offsets(%dma_start3A_278 : memref<32xi32, #tpu.memory_space<vmem>>) semaphore(%arg27 : memref<!tpu.dma_semaphore, #tpu.memory_space<semaphore_mem>>) {add = true}
        %dma_wait3A_282 = arith.constant 0 : i32
        %dma_wait3A_283 = arith.constant 0 : i32
        %dma_wait3A_284 = arith.constant 0 : i32
        %dma_wait3A_285 = tpu.memref_slice %arg7[%dma_wait3A_282, %dma_wait3A_283, %dma_wait3A_284] : memref<2x32x32xi32, #tpu.memory_space<vmem>> -> memref<1x1x32xi32, #tpu.memory_space<vmem>>
        %dma_wait3A_286 = tpu.memref_squeeze %dma_wait3A_285 : memref<1x1x32xi32, #tpu.memory_space<vmem>> -> memref<32xi32, #tpu.memory_space<vmem>>
        %dma_wait3A_287 = arith.constant 0 : i32
        %dma_wait3A_288 = arith.constant 0 : i32
        %dma_wait3A_289 = tpu.memref_slice %arg4[%dma_wait3A_287, %dma_wait3A_288] : memref<10112x128xf32, #tpu.memory_space<hbm>> -> memref<10112x128xf32, #tpu.memory_space<hbm>>
        tpu.wait_indirect_dma semaphore(%arg20 : memref<!tpu.dma_semaphore, #tpu.memory_space<semaphore_mem>>) src(%dma_wait3A_289 : memref<10112x128xf32, #tpu.memory_space<hbm>>) dst(%arg11 : memref<32x128xf32, #tpu.memory_space<vmem>>)
        %add3A_290 = arith.constant 2 : i32
        %add3A_291 = arith.addi %rem3A_215, %add3A_290 : i32
        %dma_start3A_292 = arith.constant 0 : i32
        %dma_start3A_293 = tpu.memref_slice %arg8[%rem3A_211, %add3A_291, %dma_start3A_292] : memref<2x32x32xi32, #tpu.memory_space<vmem>> -> memref<1x1x32xi32, #tpu.memory_space<vmem>>
        %dma_start3A_294 = tpu.memref_squeeze %dma_start3A_293 : memref<1x1x32xi32, #tpu.memory_space<vmem>> -> memref<32xi32, #tpu.memory_space<vmem>>
        %dma_start3A_295 = arith.constant 0 : i32
        %dma_start3A_296 = arith.constant 0 : i32
        %dma_start3A_297 = tpu.memref_slice %arg17[%dma_start3A_295, %dma_start3A_296] : memref<10112x128xf32, #tpu.memory_space<vmem_shared>> -> memref<10112x128xf32, #tpu.memory_space<vmem_shared>>
        tpu.enqueue_indirect_dma source(%arg11 : memref<32x128xf32, #tpu.memory_space<vmem>>) target(%dma_start3A_297 : memref<10112x128xf32, #tpu.memory_space<vmem_shared>>) offsets(%dma_start3A_294 : memref<32xi32, #tpu.memory_space<vmem>>) semaphore(%arg28 : memref<!tpu.dma_semaphore, #tpu.memory_space<semaphore_mem>>) {add = true}
        %dma_wait3A_298 = arith.constant 0 : i32
        %dma_wait3A_299 = arith.constant 0 : i32
        %dma_wait3A_300 = arith.constant 0 : i32
        %dma_wait3A_301 = tpu.memref_slice %arg7[%dma_wait3A_298, %dma_wait3A_299, %dma_wait3A_300] : memref<2x32x32xi32, #tpu.memory_space<vmem>> -> memref<1x1x32xi32, #tpu.memory_space<vmem>>
        %dma_wait3A_302 = tpu.memref_squeeze %dma_wait3A_301 : memref<1x1x32xi32, #tpu.memory_space<vmem>> -> memref<32xi32, #tpu.memory_space<vmem>>
        %dma_wait3A_303 = arith.constant 0 : i32
        %dma_wait3A_304 = arith.constant 0 : i32
        %dma_wait3A_305 = tpu.memref_slice %arg4[%dma_wait3A_303, %dma_wait3A_304] : memref<10112x128xf32, #tpu.memory_space<hbm>> -> memref<10112x128xf32, #tpu.memory_space<hbm>>
        tpu.wait_indirect_dma semaphore(%arg21 : memref<!tpu.dma_semaphore, #tpu.memory_space<semaphore_mem>>) src(%dma_wait3A_305 : memref<10112x128xf32, #tpu.memory_space<hbm>>) dst(%arg12 : memref<32x128xf32, #tpu.memory_space<vmem>>)
        %add3A_306 = arith.constant 3 : i32
        %add3A_307 = arith.addi %rem3A_215, %add3A_306 : i32
        %dma_start3A_308 = arith.constant 0 : i32
        %dma_start3A_309 = tpu.memref_slice %arg8[%rem3A_211, %add3A_307, %dma_start3A_308] : memref<2x32x32xi32, #tpu.memory_space<vmem>> -> memref<1x1x32xi32, #tpu.memory_space<vmem>>
        %dma_start3A_310 = tpu.memref_squeeze %dma_start3A_309 : memref<1x1x32xi32, #tpu.memory_space<vmem>> -> memref<32xi32, #tpu.memory_space<vmem>>
        %dma_start3A_311 = arith.constant 0 : i32
        %dma_start3A_312 = arith.constant 0 : i32
        %dma_start3A_313 = tpu.memref_slice %arg17[%dma_start3A_311, %dma_start3A_312] : memref<10112x128xf32, #tpu.memory_space<vmem_shared>> -> memref<10112x128xf32, #tpu.memory_space<vmem_shared>>
        tpu.enqueue_indirect_dma source(%arg12 : memref<32x128xf32, #tpu.memory_space<vmem>>) target(%dma_start3A_313 : memref<10112x128xf32, #tpu.memory_space<vmem_shared>>) offsets(%dma_start3A_310 : memref<32xi32, #tpu.memory_space<vmem>>) semaphore(%arg29 : memref<!tpu.dma_semaphore, #tpu.memory_space<semaphore_mem>>) {add = true}
        %dma_wait3A_314 = arith.constant 0 : i32
        %dma_wait3A_315 = arith.constant 0 : i32
        %dma_wait3A_316 = arith.constant 0 : i32
        %dma_wait3A_317 = tpu.memref_slice %arg7[%dma_wait3A_314, %dma_wait3A_315, %dma_wait3A_316] : memref<2x32x32xi32, #tpu.memory_space<vmem>> -> memref<1x1x32xi32, #tpu.memory_space<vmem>>
        %dma_wait3A_318 = tpu.memref_squeeze %dma_wait3A_317 : memref<1x1x32xi32, #tpu.memory_space<vmem>> -> memref<32xi32, #tpu.memory_space<vmem>>
        %dma_wait3A_319 = arith.constant 0 : i32
        %dma_wait3A_320 = arith.constant 0 : i32
        %dma_wait3A_321 = tpu.memref_slice %arg4[%dma_wait3A_319, %dma_wait3A_320] : memref<10112x128xf32, #tpu.memory_space<hbm>> -> memref<10112x128xf32, #tpu.memory_space<hbm>>
        tpu.wait_indirect_dma semaphore(%arg22 : memref<!tpu.dma_semaphore, #tpu.memory_space<semaphore_mem>>) src(%dma_wait3A_321 : memref<10112x128xf32, #tpu.memory_space<hbm>>) dst(%arg13 : memref<32x128xf32, #tpu.memory_space<vmem>>)
        %add3A_322 = arith.constant 4 : i32
        %add3A_323 = arith.addi %rem3A_215, %add3A_322 : i32
        %dma_start3A_324 = arith.constant 0 : i32
        %dma_start3A_325 = tpu.memref_slice %arg8[%rem3A_211, %add3A_323, %dma_start3A_324] : memref<2x32x32xi32, #tpu.memory_space<vmem>> -> memref<1x1x32xi32, #tpu.memory_space<vmem>>
        %dma_start3A_326 = tpu.memref_squeeze %dma_start3A_325 : memref<1x1x32xi32, #tpu.memory_space<vmem>> -> memref<32xi32, #tpu.memory_space<vmem>>
        %dma_start3A_327 = arith.constant 0 : i32
        %dma_start3A_328 = arith.constant 0 : i32
        %dma_start3A_329 = tpu.memref_slice %arg17[%dma_start3A_327, %dma_start3A_328] : memref<10112x128xf32, #tpu.memory_space<vmem_shared>> -> memref<10112x128xf32, #tpu.memory_space<vmem_shared>>
        tpu.enqueue_indirect_dma source(%arg13 : memref<32x128xf32, #tpu.memory_space<vmem>>) target(%dma_start3A_329 : memref<10112x128xf32, #tpu.memory_space<vmem_shared>>) offsets(%dma_start3A_326 : memref<32xi32, #tpu.memory_space<vmem>>) semaphore(%arg30 : memref<!tpu.dma_semaphore, #tpu.memory_space<semaphore_mem>>) {add = true}
        %dma_wait3A_330 = arith.constant 0 : i32
        %dma_wait3A_331 = arith.constant 0 : i32
        %dma_wait3A_332 = arith.constant 0 : i32
        %dma_wait3A_333 = tpu.memref_slice %arg7[%dma_wait3A_330, %dma_wait3A_331, %dma_wait3A_332] : memref<2x32x32xi32, #tpu.memory_space<vmem>> -> memref<1x1x32xi32, #tpu.memory_space<vmem>>
        %dma_wait3A_334 = tpu.memref_squeeze %dma_wait3A_333 : memref<1x1x32xi32, #tpu.memory_space<vmem>> -> memref<32xi32, #tpu.memory_space<vmem>>
        %dma_wait3A_335 = arith.constant 0 : i32
        %dma_wait3A_336 = arith.constant 0 : i32
        %dma_wait3A_337 = tpu.memref_slice %arg4[%dma_wait3A_335, %dma_wait3A_336] : memref<10112x128xf32, #tpu.memory_space<hbm>> -> memref<10112x128xf32, #tpu.memory_space<hbm>>
        tpu.wait_indirect_dma semaphore(%arg23 : memref<!tpu.dma_semaphore, #tpu.memory_space<semaphore_mem>>) src(%dma_wait3A_337 : memref<10112x128xf32, #tpu.memory_space<hbm>>) dst(%arg14 : memref<32x128xf32, #tpu.memory_space<vmem>>)
        %add3A_338 = arith.constant 5 : i32
        %add3A_339 = arith.addi %rem3A_215, %add3A_338 : i32
        %dma_start3A_340 = arith.constant 0 : i32
        %dma_start3A_341 = tpu.memref_slice %arg8[%rem3A_211, %add3A_339, %dma_start3A_340] : memref<2x32x32xi32, #tpu.memory_space<vmem>> -> memref<1x1x32xi32, #tpu.memory_space<vmem>>
        %dma_start3A_342 = tpu.memref_squeeze %dma_start3A_341 : memref<1x1x32xi32, #tpu.memory_space<vmem>> -> memref<32xi32, #tpu.memory_space<vmem>>
        %dma_start3A_343 = arith.constant 0 : i32
        %dma_start3A_344 = arith.constant 0 : i32
        %dma_start3A_345 = tpu.memref_slice %arg17[%dma_start3A_343, %dma_start3A_344] : memref<10112x128xf32, #tpu.memory_space<vmem_shared>> -> memref<10112x128xf32, #tpu.memory_space<vmem_shared>>
        tpu.enqueue_indirect_dma source(%arg14 : memref<32x128xf32, #tpu.memory_space<vmem>>) target(%dma_start3A_345 : memref<10112x128xf32, #tpu.memory_space<vmem_shared>>) offsets(%dma_start3A_342 : memref<32xi32, #tpu.memory_space<vmem>>) semaphore(%arg31 : memref<!tpu.dma_semaphore, #tpu.memory_space<semaphore_mem>>) {add = true}
        %dma_wait3A_346 = arith.constant 0 : i32
        %dma_wait3A_347 = arith.constant 0 : i32
        %dma_wait3A_348 = arith.constant 0 : i32
        %dma_wait3A_349 = tpu.memref_slice %arg7[%dma_wait3A_346, %dma_wait3A_347, %dma_wait3A_348] : memref<2x32x32xi32, #tpu.memory_space<vmem>> -> memref<1x1x32xi32, #tpu.memory_space<vmem>>
        %dma_wait3A_350 = tpu.memref_squeeze %dma_wait3A_349 : memref<1x1x32xi32, #tpu.memory_space<vmem>> -> memref<32xi32, #tpu.memory_space<vmem>>
        %dma_wait3A_351 = arith.constant 0 : i32
        %dma_wait3A_352 = arith.constant 0 : i32
        %dma_wait3A_353 = tpu.memref_slice %arg4[%dma_wait3A_351, %dma_wait3A_352] : memref<10112x128xf32, #tpu.memory_space<hbm>> -> memref<10112x128xf32, #tpu.memory_space<hbm>>
        tpu.wait_indirect_dma semaphore(%arg24 : memref<!tpu.dma_semaphore, #tpu.memory_space<semaphore_mem>>) src(%dma_wait3A_353 : memref<10112x128xf32, #tpu.memory_space<hbm>>) dst(%arg15 : memref<32x128xf32, #tpu.memory_space<vmem>>)
        %add3A_354 = arith.constant 6 : i32
        %add3A_355 = arith.addi %rem3A_215, %add3A_354 : i32
        %dma_start3A_356 = arith.constant 0 : i32
        %dma_start3A_357 = tpu.memref_slice %arg8[%rem3A_211, %add3A_355, %dma_start3A_356] : memref<2x32x32xi32, #tpu.memory_space<vmem>> -> memref<1x1x32xi32, #tpu.memory_space<vmem>>
        %dma_start3A_358 = tpu.memref_squeeze %dma_start3A_357 : memref<1x1x32xi32, #tpu.memory_space<vmem>> -> memref<32xi32, #tpu.memory_space<vmem>>
        %dma_start3A_359 = arith.constant 0 : i32
        %dma_start3A_360 = arith.constant 0 : i32
        %dma_start3A_361 = tpu.memref_slice %arg17[%dma_start3A_359, %dma_start3A_360] : memref<10112x128xf32, #tpu.memory_space<vmem_shared>> -> memref<10112x128xf32, #tpu.memory_space<vmem_shared>>
        tpu.enqueue_indirect_dma source(%arg15 : memref<32x128xf32, #tpu.memory_space<vmem>>) target(%dma_start3A_361 : memref<10112x128xf32, #tpu.memory_space<vmem_shared>>) offsets(%dma_start3A_358 : memref<32xi32, #tpu.memory_space<vmem>>) semaphore(%arg32 : memref<!tpu.dma_semaphore, #tpu.memory_space<semaphore_mem>>) {add = true}
        %dma_wait3A_362 = arith.constant 0 : i32
        %dma_wait3A_363 = arith.constant 0 : i32
        %dma_wait3A_364 = arith.constant 0 : i32
        %dma_wait3A_365 = tpu.memref_slice %arg7[%dma_wait3A_362, %dma_wait3A_363, %dma_wait3A_364] : memref<2x32x32xi32, #tpu.memory_space<vmem>> -> memref<1x1x32xi32, #tpu.memory_space<vmem>>
        %dma_wait3A_366 = tpu.memref_squeeze %dma_wait3A_365 : memref<1x1x32xi32, #tpu.memory_space<vmem>> -> memref<32xi32, #tpu.memory_space<vmem>>
        %dma_wait3A_367 = arith.constant 0 : i32
        %dma_wait3A_368 = arith.constant 0 : i32
        %dma_wait3A_369 = tpu.memref_slice %arg4[%dma_wait3A_367, %dma_wait3A_368] : memref<10112x128xf32, #tpu.memory_space<hbm>> -> memref<10112x128xf32, #tpu.memory_space<hbm>>
        tpu.wait_indirect_dma semaphore(%arg25 : memref<!tpu.dma_semaphore, #tpu.memory_space<semaphore_mem>>) src(%dma_wait3A_369 : memref<10112x128xf32, #tpu.memory_space<hbm>>) dst(%arg16 : memref<32x128xf32, #tpu.memory_space<vmem>>)
        %add3A_370 = arith.constant 7 : i32
        %add3A_371 = arith.addi %rem3A_215, %add3A_370 : i32
        %dma_start3A_372 = arith.constant 0 : i32
        %dma_start3A_373 = tpu.memref_slice %arg8[%rem3A_211, %add3A_371, %dma_start3A_372] : memref<2x32x32xi32, #tpu.memory_space<vmem>> -> memref<1x1x32xi32, #tpu.memory_space<vmem>>
        %dma_start3A_374 = tpu.memref_squeeze %dma_start3A_373 : memref<1x1x32xi32, #tpu.memory_space<vmem>> -> memref<32xi32, #tpu.memory_space<vmem>>
        %dma_start3A_375 = arith.constant 0 : i32
        %dma_start3A_376 = arith.constant 0 : i32
        %dma_start3A_377 = tpu.memref_slice %arg17[%dma_start3A_375, %dma_start3A_376] : memref<10112x128xf32, #tpu.memory_space<vmem_shared>> -> memref<10112x128xf32, #tpu.memory_space<vmem_shared>>
        tpu.enqueue_indirect_dma source(%arg16 : memref<32x128xf32, #tpu.memory_space<vmem>>) target(%dma_start3A_377 : memref<10112x128xf32, #tpu.memory_space<vmem_shared>>) offsets(%dma_start3A_374 : memref<32xi32, #tpu.memory_space<vmem>>) semaphore(%arg33 : memref<!tpu.dma_semaphore, #tpu.memory_space<semaphore_mem>>) {add = true}
        %lt3A = arith.constant 80 : i32
        %lt3A_378 = arith.cmpi slt, %add3A_217, %lt3A : i32
        %eq3A_379 = arith.constant 0 : i32
        %eq3A_380 = arith.cmpi eq, %rem3A_249, %eq3A_379 : i32
        %and3A_381 = arith.andi %lt3A_378, %eq3A_380 : i1
        %convert_element_type3A_382 = arith.extui %and3A_381 : i1 to i32
        %cond3A_383 = arith.constant 0 : i32
        %cond3A_384 = arith.cmpi ne, %convert_element_type3A_382, %cond3A_383 : i32
        scf.if %cond3A_384 {
          %dma_wait3A_396 = arith.constant 0 : i32
          %dma_wait3A_397 = arith.constant 0 : i32
          %dma_wait3A_398 = arith.constant 0 : i32
          %dma_wait3A_399 = tpu.memref_slice %arg7[%dma_wait3A_396, %dma_wait3A_397, %dma_wait3A_398] : memref<2x32x32xi32, #tpu.memory_space<vmem>> -> memref<1x32x32xi32, #tpu.memory_space<vmem>>
          %dma_wait3A_400 = tpu.memref_squeeze %dma_wait3A_399 : memref<1x32x32xi32, #tpu.memory_space<vmem>> -> memref<32x32xi32, #tpu.memory_space<vmem>>
          %dma_wait3A_401 = arith.constant 0 : i32
          %dma_wait3A_402 = arith.constant 0 : i32
          %dma_wait3A_403 = tpu.memref_slice %arg2[%arg0, %dma_wait3A_401, %dma_wait3A_402] : memref<2x10240x32xi32, #tpu.memory_space<hbm>> -> memref<1x32x32xi32, #tpu.memory_space<hbm>>
          %dma_wait3A_404 = tpu.memref_squeeze %dma_wait3A_403 : memref<1x32x32xi32, #tpu.memory_space<hbm>> -> memref<32x32xi32, #tpu.memory_space<hbm>>
          %dma_wait3A_405 = arith.constant 0 : i32
          %dma_wait3A_406 = arith.constant 0 : i32
          %dma_wait3A_407 = tpu.memref_slice %arg7[%dma_wait3A_396, %dma_wait3A_405, %dma_wait3A_406] : memref<2x32x32xi32, #tpu.memory_space<vmem>> -> memref<1x32x32xi32, #tpu.memory_space<vmem>>
          %dma_wait3A_408 = tpu.memref_squeeze %dma_wait3A_407 : memref<1x32x32xi32, #tpu.memory_space<vmem>> -> memref<32x32xi32, #tpu.memory_space<vmem>>
          %dma_wait3A_409 = arith.constant 0 : i32
          %dma_wait3A_410 = arith.constant 0 : i32
          %dma_wait3A_411 = tpu.memref_slice %arg2[%arg0, %dma_wait3A_409, %dma_wait3A_410] : memref<2x10240x32xi32, #tpu.memory_space<hbm>> -> memref<1x32x32xi32, #tpu.memory_space<hbm>>
          %dma_wait3A_412 = tpu.memref_squeeze %dma_wait3A_411 : memref<1x32x32xi32, #tpu.memory_space<hbm>> -> memref<32x32xi32, #tpu.memory_space<hbm>>
          tpu.wait_dma2 semaphore(%arg34 : memref<!tpu.dma_semaphore, #tpu.memory_space<semaphore_mem>>) src(%dma_wait3A_412 : memref<32x32xi32, #tpu.memory_space<hbm>>) dst(%dma_wait3A_408 : memref<32x32xi32, #tpu.memory_space<vmem>>)
          %sub3A_413 = arith.constant 1 : i32
          %sub3A_414 = arith.subi %sub3A_413, %arg0 : i32
          %dma_wait3A_415 = arith.constant 0 : i32
          %dma_wait3A_416 = arith.constant 0 : i32
          %dma_wait3A_417 = arith.constant 0 : i32
          %dma_wait3A_418 = tpu.memref_slice %arg8[%dma_wait3A_415, %dma_wait3A_416, %dma_wait3A_417] : memref<2x32x32xi32, #tpu.memory_space<vmem>> -> memref<1x32x32xi32, #tpu.memory_space<vmem>>
          %dma_wait3A_419 = tpu.memref_squeeze %dma_wait3A_418 : memref<1x32x32xi32, #tpu.memory_space<vmem>> -> memref<32x32xi32, #tpu.memory_space<vmem>>
          %dma_wait3A_420 = arith.constant 0 : i32
          %dma_wait3A_421 = arith.constant 0 : i32
          %dma_wait3A_422 = tpu.memref_slice %arg2[%sub3A_414, %dma_wait3A_420, %dma_wait3A_421] : memref<2x10240x32xi32, #tpu.memory_space<hbm>> -> memref<1x32x32xi32, #tpu.memory_space<hbm>>
          %dma_wait3A_423 = tpu.memref_squeeze %dma_wait3A_422 : memref<1x32x32xi32, #tpu.memory_space<hbm>> -> memref<32x32xi32, #tpu.memory_space<hbm>>
          %dma_wait3A_424 = arith.constant 0 : i32
          %dma_wait3A_425 = arith.constant 0 : i32
          %dma_wait3A_426 = tpu.memref_slice %arg8[%dma_wait3A_415, %dma_wait3A_424, %dma_wait3A_425] : memref<2x32x32xi32, #tpu.memory_space<vmem>> -> memref<1x32x32xi32, #tpu.memory_space<vmem>>
          %dma_wait3A_427 = tpu.memref_squeeze %dma_wait3A_426 : memref<1x32x32xi32, #tpu.memory_space<vmem>> -> memref<32x32xi32, #tpu.memory_space<vmem>>
          %dma_wait3A_428 = arith.constant 0 : i32
          %dma_wait3A_429 = arith.constant 0 : i32
          %dma_wait3A_430 = tpu.memref_slice %arg2[%sub3A_414, %dma_wait3A_428, %dma_wait3A_429] : memref<2x10240x32xi32, #tpu.memory_space<hbm>> -> memref<1x32x32xi32, #tpu.memory_space<hbm>>
          %dma_wait3A_431 = tpu.memref_squeeze %dma_wait3A_430 : memref<1x32x32xi32, #tpu.memory_space<hbm>> -> memref<32x32xi32, #tpu.memory_space<hbm>>
          tpu.wait_dma2 semaphore(%arg35 : memref<!tpu.dma_semaphore, #tpu.memory_space<semaphore_mem>>) src(%dma_wait3A_431 : memref<32x32xi32, #tpu.memory_space<hbm>>) dst(%dma_wait3A_427 : memref<32x32xi32, #tpu.memory_space<vmem>>)
          %add3A_432 = arith.constant 1 : i32
          %add3A_433 = arith.addi %select_n3A_243, %add3A_432 : i32
          %lt3A_434 = arith.constant 20 : i32
          %lt3A_435 = arith.cmpi slt, %add3A_433, %lt3A_434 : i32
          %convert_element_type3A_436 = arith.extui %lt3A_435 : i1 to i32
          %cond3A_437 = arith.constant 0 : i32
          %cond3A_438 = arith.cmpi ne, %convert_element_type3A_436, %cond3A_437 : i32
          scf.if %cond3A_438 {
            %sub3A_439 = arith.constant 1 : i32
            %sub3A_440 = arith.subi %sub3A_439, %rem3A_245 : i32
            %add3A_441 = arith.constant 1 : i32
            %add3A_442 = arith.addi %select_n3A_243, %add3A_441 : i32
            %mul3A_443 = arith.constant 640 : i32
            %mul3A_444 = arith.muli %arg1, %mul3A_443 : i32
            %mul3A_445 = arith.constant 32 : i32
            %mul3A_446 = arith.muli %add3A_442, %mul3A_445 : i32
            %add3A_447 = arith.addi %mul3A_444, %mul3A_446 : i32
            %dma_start3A_448 = arith.constant 0 : i32
            %dma_start3A_449 = arith.constant 0 : i32
            %dma_start3A_450 = tpu.memref_slice %arg7[%sub3A_440, %dma_start3A_448, %dma_start3A_449] : memref<2x32x32xi32, #tpu.memory_space<vmem>> -> memref<1x32x32xi32, #tpu.memory_space<vmem>>
            %dma_start3A_451 = tpu.memref_squeeze %dma_start3A_450 : memref<1x32x32xi32, #tpu.memory_space<vmem>> -> memref<32x32xi32, #tpu.memory_space<vmem>>
            %dma_start3A_452 = arith.constant 0 : i32
            %dma_start3A_453 = tpu.memref_slice %arg2[%arg0, %add3A_447, %dma_start3A_452] : memref<2x10240x32xi32, #tpu.memory_space<hbm>> -> memref<1x32x32xi32, #tpu.memory_space<hbm>>
            %dma_start3A_454 = tpu.memref_squeeze %dma_start3A_453 : memref<1x32x32xi32, #tpu.memory_space<hbm>> -> memref<32x32xi32, #tpu.memory_space<hbm>>
            %dma_start3A_455 = arith.constant 0 : i32
            %dma_start3A_456 = arith.constant 0 : i32
            %dma_start3A_457 = tpu.memref_slice %arg7[%sub3A_440, %dma_start3A_455, %dma_start3A_456] : memref<2x32x32xi32, #tpu.memory_space<vmem>> -> memref<1x32x32xi32, #tpu.memory_space<vmem>>
            %dma_start3A_458 = tpu.memref_squeeze %dma_start3A_457 : memref<1x32x32xi32, #tpu.memory_space<vmem>> -> memref<32x32xi32, #tpu.memory_space<vmem>>
            %dma_start3A_459 = arith.constant 0 : i32
            %dma_start3A_460 = tpu.memref_slice %arg2[%arg0, %add3A_447, %dma_start3A_459] : memref<2x10240x32xi32, #tpu.memory_space<hbm>> -> memref<1x32x32xi32, #tpu.memory_space<hbm>>
            %dma_start3A_461 = tpu.memref_squeeze %dma_start3A_460 : memref<1x32x32xi32, #tpu.memory_space<hbm>> -> memref<32x32xi32, #tpu.memory_space<hbm>>
            tpu.enqueue_dma source(%dma_start3A_461 : memref<32x32xi32, #tpu.memory_space<hbm>>) target(%dma_start3A_458 : memref<32x32xi32, #tpu.memory_space<vmem>>) target_semaphore(%arg34 : memref<!tpu.dma_semaphore, #tpu.memory_space<semaphore_mem>>)
            %sub3A_462 = arith.constant 1 : i32
            %sub3A_463 = arith.subi %sub3A_462, %arg0 : i32
            %dma_start3A_464 = arith.constant 0 : i32
            %dma_start3A_465 = arith.constant 0 : i32
            %dma_start3A_466 = tpu.memref_slice %arg8[%sub3A_440, %dma_start3A_464, %dma_start3A_465] : memref<2x32x32xi32, #tpu.memory_space<vmem>> -> memref<1x32x32xi32, #tpu.memory_space<vmem>>
            %dma_start3A_467 = tpu.memref_squeeze %dma_start3A_466 : memref<1x32x32xi32, #tpu.memory_space<vmem>> -> memref<32x32xi32, #tpu.memory_space<vmem>>
            %dma_start3A_468 = arith.constant 0 : i32
            %dma_start3A_469 = tpu.memref_slice %arg2[%sub3A_463, %add3A_447, %dma_start3A_468] : memref<2x10240x32xi32, #tpu.memory_space<hbm>> -> memref<1x32x32xi32, #tpu.memory_space<hbm>>
            %dma_start3A_470 = tpu.memref_squeeze %dma_start3A_469 : memref<1x32x32xi32, #tpu.memory_space<hbm>> -> memref<32x32xi32, #tpu.memory_space<hbm>>
            %dma_start3A_471 = arith.constant 0 : i32
            %dma_start3A_472 = arith.constant 0 : i32
            %dma_start3A_473 = tpu.memref_slice %arg8[%sub3A_440, %dma_start3A_471, %dma_start3A_472] : memref<2x32x32xi32, #tpu.memory_space<vmem>> -> memref<1x32x32xi32, #tpu.memory_space<vmem>>
            %dma_start3A_474 = tpu.memref_squeeze %dma_start3A_473 : memref<1x32x32xi32, #tpu.memory_space<vmem>> -> memref<32x32xi32, #tpu.memory_space<vmem>>
            %dma_start3A_475 = arith.constant 0 : i32
            %dma_start3A_476 = tpu.memref_slice %arg2[%sub3A_463, %add3A_447, %dma_start3A_475] : memref<2x10240x32xi32, #tpu.memory_space<hbm>> -> memref<1x32x32xi32, #tpu.memory_space<hbm>>
            %dma_start3A_477 = tpu.memref_squeeze %dma_start3A_476 : memref<1x32x32xi32, #tpu.memory_space<hbm>> -> memref<32x32xi32, #tpu.memory_space<hbm>>
            tpu.enqueue_dma source(%dma_start3A_477 : memref<32x32xi32, #tpu.memory_space<hbm>>) target(%dma_start3A_474 : memref<32x32xi32, #tpu.memory_space<vmem>>) target_semaphore(%arg35 : memref<!tpu.dma_semaphore, #tpu.memory_space<semaphore_mem>>)
          } else {
          }
        } else {
        }
        %lt3A_385 = arith.constant 80 : i32
        %lt3A_386 = arith.cmpi slt, %add3A_217, %lt3A_385 : i32
        %convert_element_type3A_387 = arith.extui %lt3A_386 : i1 to i32
        %cond3A_388 = arith.constant 0 : i32
        %cond3A_389 = arith.cmpi ne, %convert_element_type3A_387, %cond3A_388 : i32
        scf.if %cond3A_389 {
          %dma_wait3A_396 = arith.constant 0 : i32
          %dma_wait3A_397 = arith.constant 0 : i32
          %dma_wait3A_398 = arith.constant 0 : i32
          %dma_wait3A_399 = tpu.memref_slice %arg8[%dma_wait3A_396, %dma_wait3A_397, %dma_wait3A_398] : memref<2x32x32xi32, #tpu.memory_space<vmem>> -> memref<1x1x32xi32, #tpu.memory_space<vmem>>
          %dma_wait3A_400 = tpu.memref_squeeze %dma_wait3A_399 : memref<1x1x32xi32, #tpu.memory_space<vmem>> -> memref<32xi32, #tpu.memory_space<vmem>>
          %dma_wait3A_401 = arith.constant 0 : i32
          %dma_wait3A_402 = arith.constant 0 : i32
          %dma_wait3A_403 = tpu.memref_slice %arg17[%dma_wait3A_401, %dma_wait3A_402] : memref<10112x128xf32, #tpu.memory_space<vmem_shared>> -> memref<10112x128xf32, #tpu.memory_space<vmem_shared>>
          tpu.wait_indirect_dma semaphore(%arg26 : memref<!tpu.dma_semaphore, #tpu.memory_space<semaphore_mem>>) src(%arg9 : memref<32x128xf32, #tpu.memory_space<vmem>>) dst(%dma_wait3A_403 : memref<10112x128xf32, #tpu.memory_space<vmem_shared>>)
          %add3A_404 = arith.constant 0 : i32
          %add3A_405 = arith.addi %rem3A_249, %add3A_404 : i32
          %dma_start3A_406 = arith.constant 0 : i32
          %dma_start3A_407 = tpu.memref_slice %arg7[%rem3A_245, %add3A_405, %dma_start3A_406] : memref<2x32x32xi32, #tpu.memory_space<vmem>> -> memref<1x1x32xi32, #tpu.memory_space<vmem>>
          %dma_start3A_408 = tpu.memref_squeeze %dma_start3A_407 : memref<1x1x32xi32, #tpu.memory_space<vmem>> -> memref<32xi32, #tpu.memory_space<vmem>>
          %dma_start3A_409 = arith.constant 0 : i32
          %dma_start3A_410 = arith.constant 0 : i32
          %dma_start3A_411 = tpu.memref_slice %arg4[%dma_start3A_409, %dma_start3A_410] : memref<10112x128xf32, #tpu.memory_space<hbm>> -> memref<10112x128xf32, #tpu.memory_space<hbm>>
          tpu.enqueue_indirect_dma source(%dma_start3A_411 : memref<10112x128xf32, #tpu.memory_space<hbm>>) target(%arg9 : memref<32x128xf32, #tpu.memory_space<vmem>>) offsets(%dma_start3A_408 : memref<32xi32, #tpu.memory_space<vmem>>) semaphore(%arg18 : memref<!tpu.dma_semaphore, #tpu.memory_space<semaphore_mem>>)
          %dma_wait3A_412 = arith.constant 0 : i32
          %dma_wait3A_413 = arith.constant 0 : i32
          %dma_wait3A_414 = arith.constant 0 : i32
          %dma_wait3A_415 = tpu.memref_slice %arg8[%dma_wait3A_412, %dma_wait3A_413, %dma_wait3A_414] : memref<2x32x32xi32, #tpu.memory_space<vmem>> -> memref<1x1x32xi32, #tpu.memory_space<vmem>>
          %dma_wait3A_416 = tpu.memref_squeeze %dma_wait3A_415 : memref<1x1x32xi32, #tpu.memory_space<vmem>> -> memref<32xi32, #tpu.memory_space<vmem>>
          %dma_wait3A_417 = arith.constant 0 : i32
          %dma_wait3A_418 = arith.constant 0 : i32
          %dma_wait3A_419 = tpu.memref_slice %arg17[%dma_wait3A_417, %dma_wait3A_418] : memref<10112x128xf32, #tpu.memory_space<vmem_shared>> -> memref<10112x128xf32, #tpu.memory_space<vmem_shared>>
          tpu.wait_indirect_dma semaphore(%arg27 : memref<!tpu.dma_semaphore, #tpu.memory_space<semaphore_mem>>) src(%arg10 : memref<32x128xf32, #tpu.memory_space<vmem>>) dst(%dma_wait3A_419 : memref<10112x128xf32, #tpu.memory_space<vmem_shared>>)
          %add3A_420 = arith.constant 1 : i32
          %add3A_421 = arith.addi %rem3A_249, %add3A_420 : i32
          %dma_start3A_422 = arith.constant 0 : i32
          %dma_start3A_423 = tpu.memref_slice %arg7[%rem3A_245, %add3A_421, %dma_start3A_422] : memref<2x32x32xi32, #tpu.memory_space<vmem>> -> memref<1x1x32xi32, #tpu.memory_space<vmem>>
          %dma_start3A_424 = tpu.memref_squeeze %dma_start3A_423 : memref<1x1x32xi32, #tpu.memory_space<vmem>> -> memref<32xi32, #tpu.memory_space<vmem>>
          %dma_start3A_425 = arith.constant 0 : i32
          %dma_start3A_426 = arith.constant 0 : i32
          %dma_start3A_427 = tpu.memref_slice %arg4[%dma_start3A_425, %dma_start3A_426] : memref<10112x128xf32, #tpu.memory_space<hbm>> -> memref<10112x128xf32, #tpu.memory_space<hbm>>
          tpu.enqueue_indirect_dma source(%dma_start3A_427 : memref<10112x128xf32, #tpu.memory_space<hbm>>) target(%arg10 : memref<32x128xf32, #tpu.memory_space<vmem>>) offsets(%dma_start3A_424 : memref<32xi32, #tpu.memory_space<vmem>>) semaphore(%arg19 : memref<!tpu.dma_semaphore, #tpu.memory_space<semaphore_mem>>)
          %dma_wait3A_428 = arith.constant 0 : i32
          %dma_wait3A_429 = arith.constant 0 : i32
          %dma_wait3A_430 = arith.constant 0 : i32
          %dma_wait3A_431 = tpu.memref_slice %arg8[%dma_wait3A_428, %dma_wait3A_429, %dma_wait3A_430] : memref<2x32x32xi32, #tpu.memory_space<vmem>> -> memref<1x1x32xi32, #tpu.memory_space<vmem>>
          %dma_wait3A_432 = tpu.memref_squeeze %dma_wait3A_431 : memref<1x1x32xi32, #tpu.memory_space<vmem>> -> memref<32xi32, #tpu.memory_space<vmem>>
          %dma_wait3A_433 = arith.constant 0 : i32
          %dma_wait3A_434 = arith.constant 0 : i32
          %dma_wait3A_435 = tpu.memref_slice %arg17[%dma_wait3A_433, %dma_wait3A_434] : memref<10112x128xf32, #tpu.memory_space<vmem_shared>> -> memref<10112x128xf32, #tpu.memory_space<vmem_shared>>
          tpu.wait_indirect_dma semaphore(%arg28 : memref<!tpu.dma_semaphore, #tpu.memory_space<semaphore_mem>>) src(%arg11 : memref<32x128xf32, #tpu.memory_space<vmem>>) dst(%dma_wait3A_435 : memref<10112x128xf32, #tpu.memory_space<vmem_shared>>)
          %add3A_436 = arith.constant 2 : i32
          %add3A_437 = arith.addi %rem3A_249, %add3A_436 : i32
          %dma_start3A_438 = arith.constant 0 : i32
          %dma_start3A_439 = tpu.memref_slice %arg7[%rem3A_245, %add3A_437, %dma_start3A_438] : memref<2x32x32xi32, #tpu.memory_space<vmem>> -> memref<1x1x32xi32, #tpu.memory_space<vmem>>
          %dma_start3A_440 = tpu.memref_squeeze %dma_start3A_439 : memref<1x1x32xi32, #tpu.memory_space<vmem>> -> memref<32xi32, #tpu.memory_space<vmem>>
          %dma_start3A_441 = arith.constant 0 : i32
          %dma_start3A_442 = arith.constant 0 : i32
          %dma_start3A_443 = tpu.memref_slice %arg4[%dma_start3A_441, %dma_start3A_442] : memref<10112x128xf32, #tpu.memory_space<hbm>> -> memref<10112x128xf32, #tpu.memory_space<hbm>>
          tpu.enqueue_indirect_dma source(%dma_start3A_443 : memref<10112x128xf32, #tpu.memory_space<hbm>>) target(%arg11 : memref<32x128xf32, #tpu.memory_space<vmem>>) offsets(%dma_start3A_440 : memref<32xi32, #tpu.memory_space<vmem>>) semaphore(%arg20 : memref<!tpu.dma_semaphore, #tpu.memory_space<semaphore_mem>>)
          %dma_wait3A_444 = arith.constant 0 : i32
          %dma_wait3A_445 = arith.constant 0 : i32
          %dma_wait3A_446 = arith.constant 0 : i32
          %dma_wait3A_447 = tpu.memref_slice %arg8[%dma_wait3A_444, %dma_wait3A_445, %dma_wait3A_446] : memref<2x32x32xi32, #tpu.memory_space<vmem>> -> memref<1x1x32xi32, #tpu.memory_space<vmem>>
          %dma_wait3A_448 = tpu.memref_squeeze %dma_wait3A_447 : memref<1x1x32xi32, #tpu.memory_space<vmem>> -> memref<32xi32, #tpu.memory_space<vmem>>
          %dma_wait3A_449 = arith.constant 0 : i32
          %dma_wait3A_450 = arith.constant 0 : i32
          %dma_wait3A_451 = tpu.memref_slice %arg17[%dma_wait3A_449, %dma_wait3A_450] : memref<10112x128xf32, #tpu.memory_space<vmem_shared>> -> memref<10112x128xf32, #tpu.memory_space<vmem_shared>>
          tpu.wait_indirect_dma semaphore(%arg29 : memref<!tpu.dma_semaphore, #tpu.memory_space<semaphore_mem>>) src(%arg12 : memref<32x128xf32, #tpu.memory_space<vmem>>) dst(%dma_wait3A_451 : memref<10112x128xf32, #tpu.memory_space<vmem_shared>>)
          %add3A_452 = arith.constant 3 : i32
          %add3A_453 = arith.addi %rem3A_249, %add3A_452 : i32
          %dma_start3A_454 = arith.constant 0 : i32
          %dma_start3A_455 = tpu.memref_slice %arg7[%rem3A_245, %add3A_453, %dma_start3A_454] : memref<2x32x32xi32, #tpu.memory_space<vmem>> -> memref<1x1x32xi32, #tpu.memory_space<vmem>>
          %dma_start3A_456 = tpu.memref_squeeze %dma_start3A_455 : memref<1x1x32xi32, #tpu.memory_space<vmem>> -> memref<32xi32, #tpu.memory_space<vmem>>
          %dma_start3A_457 = arith.constant 0 : i32
          %dma_start3A_458 = arith.constant 0 : i32
          %dma_start3A_459 = tpu.memref_slice %arg4[%dma_start3A_457, %dma_start3A_458] : memref<10112x128xf32, #tpu.memory_space<hbm>> -> memref<10112x128xf32, #tpu.memory_space<hbm>>
          tpu.enqueue_indirect_dma source(%dma_start3A_459 : memref<10112x128xf32, #tpu.memory_space<hbm>>) target(%arg12 : memref<32x128xf32, #tpu.memory_space<vmem>>) offsets(%dma_start3A_456 : memref<32xi32, #tpu.memory_space<vmem>>) semaphore(%arg21 : memref<!tpu.dma_semaphore, #tpu.memory_space<semaphore_mem>>)
          %dma_wait3A_460 = arith.constant 0 : i32
          %dma_wait3A_461 = arith.constant 0 : i32
          %dma_wait3A_462 = arith.constant 0 : i32
          %dma_wait3A_463 = tpu.memref_slice %arg8[%dma_wait3A_460, %dma_wait3A_461, %dma_wait3A_462] : memref<2x32x32xi32, #tpu.memory_space<vmem>> -> memref<1x1x32xi32, #tpu.memory_space<vmem>>
          %dma_wait3A_464 = tpu.memref_squeeze %dma_wait3A_463 : memref<1x1x32xi32, #tpu.memory_space<vmem>> -> memref<32xi32, #tpu.memory_space<vmem>>
          %dma_wait3A_465 = arith.constant 0 : i32
          %dma_wait3A_466 = arith.constant 0 : i32
          %dma_wait3A_467 = tpu.memref_slice %arg17[%dma_wait3A_465, %dma_wait3A_466] : memref<10112x128xf32, #tpu.memory_space<vmem_shared>> -> memref<10112x128xf32, #tpu.memory_space<vmem_shared>>
          tpu.wait_indirect_dma semaphore(%arg30 : memref<!tpu.dma_semaphore, #tpu.memory_space<semaphore_mem>>) src(%arg13 : memref<32x128xf32, #tpu.memory_space<vmem>>) dst(%dma_wait3A_467 : memref<10112x128xf32, #tpu.memory_space<vmem_shared>>)
          %add3A_468 = arith.constant 4 : i32
          %add3A_469 = arith.addi %rem3A_249, %add3A_468 : i32
          %dma_start3A_470 = arith.constant 0 : i32
          %dma_start3A_471 = tpu.memref_slice %arg7[%rem3A_245, %add3A_469, %dma_start3A_470] : memref<2x32x32xi32, #tpu.memory_space<vmem>> -> memref<1x1x32xi32, #tpu.memory_space<vmem>>
          %dma_start3A_472 = tpu.memref_squeeze %dma_start3A_471 : memref<1x1x32xi32, #tpu.memory_space<vmem>> -> memref<32xi32, #tpu.memory_space<vmem>>
          %dma_start3A_473 = arith.constant 0 : i32
          %dma_start3A_474 = arith.constant 0 : i32
          %dma_start3A_475 = tpu.memref_slice %arg4[%dma_start3A_473, %dma_start3A_474] : memref<10112x128xf32, #tpu.memory_space<hbm>> -> memref<10112x128xf32, #tpu.memory_space<hbm>>
          tpu.enqueue_indirect_dma source(%dma_start3A_475 : memref<10112x128xf32, #tpu.memory_space<hbm>>) target(%arg13 : memref<32x128xf32, #tpu.memory_space<vmem>>) offsets(%dma_start3A_472 : memref<32xi32, #tpu.memory_space<vmem>>) semaphore(%arg22 : memref<!tpu.dma_semaphore, #tpu.memory_space<semaphore_mem>>)
          %dma_wait3A_476 = arith.constant 0 : i32
          %dma_wait3A_477 = arith.constant 0 : i32
          %dma_wait3A_478 = arith.constant 0 : i32
          %dma_wait3A_479 = tpu.memref_slice %arg8[%dma_wait3A_476, %dma_wait3A_477, %dma_wait3A_478] : memref<2x32x32xi32, #tpu.memory_space<vmem>> -> memref<1x1x32xi32, #tpu.memory_space<vmem>>
          %dma_wait3A_480 = tpu.memref_squeeze %dma_wait3A_479 : memref<1x1x32xi32, #tpu.memory_space<vmem>> -> memref<32xi32, #tpu.memory_space<vmem>>
          %dma_wait3A_481 = arith.constant 0 : i32
          %dma_wait3A_482 = arith.constant 0 : i32
          %dma_wait3A_483 = tpu.memref_slice %arg17[%dma_wait3A_481, %dma_wait3A_482] : memref<10112x128xf32, #tpu.memory_space<vmem_shared>> -> memref<10112x128xf32, #tpu.memory_space<vmem_shared>>
          tpu.wait_indirect_dma semaphore(%arg31 : memref<!tpu.dma_semaphore, #tpu.memory_space<semaphore_mem>>) src(%arg14 : memref<32x128xf32, #tpu.memory_space<vmem>>) dst(%dma_wait3A_483 : memref<10112x128xf32, #tpu.memory_space<vmem_shared>>)
          %add3A_484 = arith.constant 5 : i32
          %add3A_485 = arith.addi %rem3A_249, %add3A_484 : i32
          %dma_start3A_486 = arith.constant 0 : i32
          %dma_start3A_487 = tpu.memref_slice %arg7[%rem3A_245, %add3A_485, %dma_start3A_486] : memref<2x32x32xi32, #tpu.memory_space<vmem>> -> memref<1x1x32xi32, #tpu.memory_space<vmem>>
          %dma_start3A_488 = tpu.memref_squeeze %dma_start3A_487 : memref<1x1x32xi32, #tpu.memory_space<vmem>> -> memref<32xi32, #tpu.memory_space<vmem>>
          %dma_start3A_489 = arith.constant 0 : i32
          %dma_start3A_490 = arith.constant 0 : i32
          %dma_start3A_491 = tpu.memref_slice %arg4[%dma_start3A_489, %dma_start3A_490] : memref<10112x128xf32, #tpu.memory_space<hbm>> -> memref<10112x128xf32, #tpu.memory_space<hbm>>
          tpu.enqueue_indirect_dma source(%dma_start3A_491 : memref<10112x128xf32, #tpu.memory_space<hbm>>) target(%arg14 : memref<32x128xf32, #tpu.memory_space<vmem>>) offsets(%dma_start3A_488 : memref<32xi32, #tpu.memory_space<vmem>>) semaphore(%arg23 : memref<!tpu.dma_semaphore, #tpu.memory_space<semaphore_mem>>)
          %dma_wait3A_492 = arith.constant 0 : i32
          %dma_wait3A_493 = arith.constant 0 : i32
          %dma_wait3A_494 = arith.constant 0 : i32
          %dma_wait3A_495 = tpu.memref_slice %arg8[%dma_wait3A_492, %dma_wait3A_493, %dma_wait3A_494] : memref<2x32x32xi32, #tpu.memory_space<vmem>> -> memref<1x1x32xi32, #tpu.memory_space<vmem>>
          %dma_wait3A_496 = tpu.memref_squeeze %dma_wait3A_495 : memref<1x1x32xi32, #tpu.memory_space<vmem>> -> memref<32xi32, #tpu.memory_space<vmem>>
          %dma_wait3A_497 = arith.constant 0 : i32
          %dma_wait3A_498 = arith.constant 0 : i32
          %dma_wait3A_499 = tpu.memref_slice %arg17[%dma_wait3A_497, %dma_wait3A_498] : memref<10112x128xf32, #tpu.memory_space<vmem_shared>> -> memref<10112x128xf32, #tpu.memory_space<vmem_shared>>
          tpu.wait_indirect_dma semaphore(%arg32 : memref<!tpu.dma_semaphore, #tpu.memory_space<semaphore_mem>>) src(%arg15 : memref<32x128xf32, #tpu.memory_space<vmem>>) dst(%dma_wait3A_499 : memref<10112x128xf32, #tpu.memory_space<vmem_shared>>)
          %add3A_500 = arith.constant 6 : i32
          %add3A_501 = arith.addi %rem3A_249, %add3A_500 : i32
          %dma_start3A_502 = arith.constant 0 : i32
          %dma_start3A_503 = tpu.memref_slice %arg7[%rem3A_245, %add3A_501, %dma_start3A_502] : memref<2x32x32xi32, #tpu.memory_space<vmem>> -> memref<1x1x32xi32, #tpu.memory_space<vmem>>
          %dma_start3A_504 = tpu.memref_squeeze %dma_start3A_503 : memref<1x1x32xi32, #tpu.memory_space<vmem>> -> memref<32xi32, #tpu.memory_space<vmem>>
          %dma_start3A_505 = arith.constant 0 : i32
          %dma_start3A_506 = arith.constant 0 : i32
          %dma_start3A_507 = tpu.memref_slice %arg4[%dma_start3A_505, %dma_start3A_506] : memref<10112x128xf32, #tpu.memory_space<hbm>> -> memref<10112x128xf32, #tpu.memory_space<hbm>>
          tpu.enqueue_indirect_dma source(%dma_start3A_507 : memref<10112x128xf32, #tpu.memory_space<hbm>>) target(%arg15 : memref<32x128xf32, #tpu.memory_space<vmem>>) offsets(%dma_start3A_504 : memref<32xi32, #tpu.memory_space<vmem>>) semaphore(%arg24 : memref<!tpu.dma_semaphore, #tpu.memory_space<semaphore_mem>>)
          %dma_wait3A_508 = arith.constant 0 : i32
          %dma_wait3A_509 = arith.constant 0 : i32
          %dma_wait3A_510 = arith.constant 0 : i32
          %dma_wait3A_511 = tpu.memref_slice %arg8[%dma_wait3A_508, %dma_wait3A_509, %dma_wait3A_510] : memref<2x32x32xi32, #tpu.memory_space<vmem>> -> memref<1x1x32xi32, #tpu.memory_space<vmem>>
          %dma_wait3A_512 = tpu.memref_squeeze %dma_wait3A_511 : memref<1x1x32xi32, #tpu.memory_space<vmem>> -> memref<32xi32, #tpu.memory_space<vmem>>
          %dma_wait3A_513 = arith.constant 0 : i32
          %dma_wait3A_514 = arith.constant 0 : i32
          %dma_wait3A_515 = tpu.memref_slice %arg17[%dma_wait3A_513, %dma_wait3A_514] : memref<10112x128xf32, #tpu.memory_space<vmem_shared>> -> memref<10112x128xf32, #tpu.memory_space<vmem_shared>>
          tpu.wait_indirect_dma semaphore(%arg33 : memref<!tpu.dma_semaphore, #tpu.memory_space<semaphore_mem>>) src(%arg16 : memref<32x128xf32, #tpu.memory_space<vmem>>) dst(%dma_wait3A_515 : memref<10112x128xf32, #tpu.memory_space<vmem_shared>>)
          %add3A_516 = arith.constant 7 : i32
          %add3A_517 = arith.addi %rem3A_249, %add3A_516 : i32
          %dma_start3A_518 = arith.constant 0 : i32
          %dma_start3A_519 = tpu.memref_slice %arg7[%rem3A_245, %add3A_517, %dma_start3A_518] : memref<2x32x32xi32, #tpu.memory_space<vmem>> -> memref<1x1x32xi32, #tpu.memory_space<vmem>>
          %dma_start3A_520 = tpu.memref_squeeze %dma_start3A_519 : memref<1x1x32xi32, #tpu.memory_space<vmem>> -> memref<32xi32, #tpu.memory_space<vmem>>
          %dma_start3A_521 = arith.constant 0 : i32
          %dma_start3A_522 = arith.constant 0 : i32
          %dma_start3A_523 = tpu.memref_slice %arg4[%dma_start3A_521, %dma_start3A_522] : memref<10112x128xf32, #tpu.memory_space<hbm>> -> memref<10112x128xf32, #tpu.memory_space<hbm>>
          tpu.enqueue_indirect_dma source(%dma_start3A_523 : memref<10112x128xf32, #tpu.memory_space<hbm>>) target(%arg16 : memref<32x128xf32, #tpu.memory_space<vmem>>) offsets(%dma_start3A_520 : memref<32xi32, #tpu.memory_space<vmem>>) semaphore(%arg25 : memref<!tpu.dma_semaphore, #tpu.memory_space<semaphore_mem>>)
        } else {
        }
        %eq3A_390 = arith.constant 80 : i32
        %eq3A_391 = arith.cmpi eq, %add3A_217, %eq3A_390 : i32
        %convert_element_type3A_392 = arith.extui %eq3A_391 : i1 to i32
        %cond3A_393 = arith.constant 0 : i32
        %cond3A_394 = arith.cmpi ne, %convert_element_type3A_392, %cond3A_393 : i32
        scf.if %cond3A_394 {
          %dma_wait3A_396 = arith.constant 0 : i32
          %dma_wait3A_397 = arith.constant 0 : i32
          %dma_wait3A_398 = arith.constant 0 : i32
          %dma_wait3A_399 = tpu.memref_slice %arg8[%dma_wait3A_396, %dma_wait3A_397, %dma_wait3A_398] : memref<2x32x32xi32, #tpu.memory_space<vmem>> -> memref<1x1x32xi32, #tpu.memory_space<vmem>>
          %dma_wait3A_400 = tpu.memref_squeeze %dma_wait3A_399 : memref<1x1x32xi32, #tpu.memory_space<vmem>> -> memref<32xi32, #tpu.memory_space<vmem>>
          %dma_wait3A_401 = arith.constant 0 : i32
          %dma_wait3A_402 = arith.constant 0 : i32
          %dma_wait3A_403 = tpu.memref_slice %arg17[%dma_wait3A_401, %dma_wait3A_402] : memref<10112x128xf32, #tpu.memory_space<vmem_shared>> -> memref<10112x128xf32, #tpu.memory_space<vmem_shared>>
          tpu.wait_indirect_dma semaphore(%arg26 : memref<!tpu.dma_semaphore, #tpu.memory_space<semaphore_mem>>) src(%arg9 : memref<32x128xf32, #tpu.memory_space<vmem>>) dst(%dma_wait3A_403 : memref<10112x128xf32, #tpu.memory_space<vmem_shared>>)
          %dma_wait3A_404 = arith.constant 0 : i32
          %dma_wait3A_405 = arith.constant 0 : i32
          %dma_wait3A_406 = arith.constant 0 : i32
          %dma_wait3A_407 = tpu.memref_slice %arg8[%dma_wait3A_404, %dma_wait3A_405, %dma_wait3A_406] : memref<2x32x32xi32, #tpu.memory_space<vmem>> -> memref<1x1x32xi32, #tpu.memory_space<vmem>>
          %dma_wait3A_408 = tpu.memref_squeeze %dma_wait3A_407 : memref<1x1x32xi32, #tpu.memory_space<vmem>> -> memref<32xi32, #tpu.memory_space<vmem>>
          %dma_wait3A_409 = arith.constant 0 : i32
          %dma_wait3A_410 = arith.constant 0 : i32
          %dma_wait3A_411 = tpu.memref_slice %arg17[%dma_wait3A_409, %dma_wait3A_410] : memref<10112x128xf32, #tpu.memory_space<vmem_shared>> -> memref<10112x128xf32, #tpu.memory_space<vmem_shared>>
          tpu.wait_indirect_dma semaphore(%arg27 : memref<!tpu.dma_semaphore, #tpu.memory_space<semaphore_mem>>) src(%arg10 : memref<32x128xf32, #tpu.memory_space<vmem>>) dst(%dma_wait3A_411 : memref<10112x128xf32, #tpu.memory_space<vmem_shared>>)
          %dma_wait3A_412 = arith.constant 0 : i32
          %dma_wait3A_413 = arith.constant 0 : i32
          %dma_wait3A_414 = arith.constant 0 : i32
          %dma_wait3A_415 = tpu.memref_slice %arg8[%dma_wait3A_412, %dma_wait3A_413, %dma_wait3A_414] : memref<2x32x32xi32, #tpu.memory_space<vmem>> -> memref<1x1x32xi32, #tpu.memory_space<vmem>>
          %dma_wait3A_416 = tpu.memref_squeeze %dma_wait3A_415 : memref<1x1x32xi32, #tpu.memory_space<vmem>> -> memref<32xi32, #tpu.memory_space<vmem>>
          %dma_wait3A_417 = arith.constant 0 : i32
          %dma_wait3A_418 = arith.constant 0 : i32
          %dma_wait3A_419 = tpu.memref_slice %arg17[%dma_wait3A_417, %dma_wait3A_418] : memref<10112x128xf32, #tpu.memory_space<vmem_shared>> -> memref<10112x128xf32, #tpu.memory_space<vmem_shared>>
          tpu.wait_indirect_dma semaphore(%arg28 : memref<!tpu.dma_semaphore, #tpu.memory_space<semaphore_mem>>) src(%arg11 : memref<32x128xf32, #tpu.memory_space<vmem>>) dst(%dma_wait3A_419 : memref<10112x128xf32, #tpu.memory_space<vmem_shared>>)
          %dma_wait3A_420 = arith.constant 0 : i32
          %dma_wait3A_421 = arith.constant 0 : i32
          %dma_wait3A_422 = arith.constant 0 : i32
          %dma_wait3A_423 = tpu.memref_slice %arg8[%dma_wait3A_420, %dma_wait3A_421, %dma_wait3A_422] : memref<2x32x32xi32, #tpu.memory_space<vmem>> -> memref<1x1x32xi32, #tpu.memory_space<vmem>>
          %dma_wait3A_424 = tpu.memref_squeeze %dma_wait3A_423 : memref<1x1x32xi32, #tpu.memory_space<vmem>> -> memref<32xi32, #tpu.memory_space<vmem>>
          %dma_wait3A_425 = arith.constant 0 : i32
          %dma_wait3A_426 = arith.constant 0 : i32
          %dma_wait3A_427 = tpu.memref_slice %arg17[%dma_wait3A_425, %dma_wait3A_426] : memref<10112x128xf32, #tpu.memory_space<vmem_shared>> -> memref<10112x128xf32, #tpu.memory_space<vmem_shared>>
          tpu.wait_indirect_dma semaphore(%arg29 : memref<!tpu.dma_semaphore, #tpu.memory_space<semaphore_mem>>) src(%arg12 : memref<32x128xf32, #tpu.memory_space<vmem>>) dst(%dma_wait3A_427 : memref<10112x128xf32, #tpu.memory_space<vmem_shared>>)
          %dma_wait3A_428 = arith.constant 0 : i32
          %dma_wait3A_429 = arith.constant 0 : i32
          %dma_wait3A_430 = arith.constant 0 : i32
          %dma_wait3A_431 = tpu.memref_slice %arg8[%dma_wait3A_428, %dma_wait3A_429, %dma_wait3A_430] : memref<2x32x32xi32, #tpu.memory_space<vmem>> -> memref<1x1x32xi32, #tpu.memory_space<vmem>>
          %dma_wait3A_432 = tpu.memref_squeeze %dma_wait3A_431 : memref<1x1x32xi32, #tpu.memory_space<vmem>> -> memref<32xi32, #tpu.memory_space<vmem>>
          %dma_wait3A_433 = arith.constant 0 : i32
          %dma_wait3A_434 = arith.constant 0 : i32
          %dma_wait3A_435 = tpu.memref_slice %arg17[%dma_wait3A_433, %dma_wait3A_434] : memref<10112x128xf32, #tpu.memory_space<vmem_shared>> -> memref<10112x128xf32, #tpu.memory_space<vmem_shared>>
          tpu.wait_indirect_dma semaphore(%arg30 : memref<!tpu.dma_semaphore, #tpu.memory_space<semaphore_mem>>) src(%arg13 : memref<32x128xf32, #tpu.memory_space<vmem>>) dst(%dma_wait3A_435 : memref<10112x128xf32, #tpu.memory_space<vmem_shared>>)
          %dma_wait3A_436 = arith.constant 0 : i32
          %dma_wait3A_437 = arith.constant 0 : i32
          %dma_wait3A_438 = arith.constant 0 : i32
          %dma_wait3A_439 = tpu.memref_slice %arg8[%dma_wait3A_436, %dma_wait3A_437, %dma_wait3A_438] : memref<2x32x32xi32, #tpu.memory_space<vmem>> -> memref<1x1x32xi32, #tpu.memory_space<vmem>>
          %dma_wait3A_440 = tpu.memref_squeeze %dma_wait3A_439 : memref<1x1x32xi32, #tpu.memory_space<vmem>> -> memref<32xi32, #tpu.memory_space<vmem>>
          %dma_wait3A_441 = arith.constant 0 : i32
          %dma_wait3A_442 = arith.constant 0 : i32
          %dma_wait3A_443 = tpu.memref_slice %arg17[%dma_wait3A_441, %dma_wait3A_442] : memref<10112x128xf32, #tpu.memory_space<vmem_shared>> -> memref<10112x128xf32, #tpu.memory_space<vmem_shared>>
          tpu.wait_indirect_dma semaphore(%arg31 : memref<!tpu.dma_semaphore, #tpu.memory_space<semaphore_mem>>) src(%arg14 : memref<32x128xf32, #tpu.memory_space<vmem>>) dst(%dma_wait3A_443 : memref<10112x128xf32, #tpu.memory_space<vmem_shared>>)
          %dma_wait3A_444 = arith.constant 0 : i32
          %dma_wait3A_445 = arith.constant 0 : i32
          %dma_wait3A_446 = arith.constant 0 : i32
          %dma_wait3A_447 = tpu.memref_slice %arg8[%dma_wait3A_444, %dma_wait3A_445, %dma_wait3A_446] : memref<2x32x32xi32, #tpu.memory_space<vmem>> -> memref<1x1x32xi32, #tpu.memory_space<vmem>>
          %dma_wait3A_448 = tpu.memref_squeeze %dma_wait3A_447 : memref<1x1x32xi32, #tpu.memory_space<vmem>> -> memref<32xi32, #tpu.memory_space<vmem>>
          %dma_wait3A_449 = arith.constant 0 : i32
          %dma_wait3A_450 = arith.constant 0 : i32
          %dma_wait3A_451 = tpu.memref_slice %arg17[%dma_wait3A_449, %dma_wait3A_450] : memref<10112x128xf32, #tpu.memory_space<vmem_shared>> -> memref<10112x128xf32, #tpu.memory_space<vmem_shared>>
          tpu.wait_indirect_dma semaphore(%arg32 : memref<!tpu.dma_semaphore, #tpu.memory_space<semaphore_mem>>) src(%arg15 : memref<32x128xf32, #tpu.memory_space<vmem>>) dst(%dma_wait3A_451 : memref<10112x128xf32, #tpu.memory_space<vmem_shared>>)
          %dma_wait3A_452 = arith.constant 0 : i32
          %dma_wait3A_453 = arith.constant 0 : i32
          %dma_wait3A_454 = arith.constant 0 : i32
          %dma_wait3A_455 = tpu.memref_slice %arg8[%dma_wait3A_452, %dma_wait3A_453, %dma_wait3A_454] : memref<2x32x32xi32, #tpu.memory_space<vmem>> -> memref<1x1x32xi32, #tpu.memory_space<vmem>>
          %dma_wait3A_456 = tpu.memref_squeeze %dma_wait3A_455 : memref<1x1x32xi32, #tpu.memory_space<vmem>> -> memref<32xi32, #tpu.memory_space<vmem>>
          %dma_wait3A_457 = arith.constant 0 : i32
          %dma_wait3A_458 = arith.constant 0 : i32
          %dma_wait3A_459 = tpu.memref_slice %arg17[%dma_wait3A_457, %dma_wait3A_458] : memref<10112x128xf32, #tpu.memory_space<vmem_shared>> -> memref<10112x128xf32, #tpu.memory_space<vmem_shared>>
          tpu.wait_indirect_dma semaphore(%arg33 : memref<!tpu.dma_semaphore, #tpu.memory_space<semaphore_mem>>) src(%arg16 : memref<32x128xf32, #tpu.memory_space<vmem>>) dst(%dma_wait3A_459 : memref<10112x128xf32, #tpu.memory_space<vmem_shared>>)
        } else {
        }
        %scan3A_395 = arith.constant 0 : i32
        scf.yield %scan3A_395 : i32
      }
      %scan3A_188 = arith.constant 80 : i32
    } else {
    }
    %barrier3A_10 = arith.constant 0 : index
    tpu.barrier barrier_id(%barrier3A_10)
    %mul3A_11 = arith.constant 632 : i32
    %mul3A_12 = arith.muli %arg1, %mul3A_11 : i32
    %mul3A_13 = arith.constant 632 : i32
    %mul3A_14 = arith.muli %arg1, %mul3A_13 : i32
    "tpu.region"() ({
      %run_scoped3A = tpu.sem_alloc : memref<!tpu.dma_semaphore, #tpu.memory_space<semaphore_mem>>
      %dma_start3A = arith.constant 0 : i32
      %dma_start3A_15 = tpu.memref_slice %arg6[%arg0, %mul3A_14, %dma_start3A] : memref<2x10112x128xf32, #tpu.memory_space<hbm>> -> memref<1x632x128xf32, #tpu.memory_space<hbm>>
      %dma_start3A_16 = tpu.memref_squeeze %dma_start3A_15 : memref<1x632x128xf32, #tpu.memory_space<hbm>> -> memref<632x128xf32, #tpu.memory_space<hbm>>
      %dma_start3A_17 = arith.constant 0 : i32
      %dma_start3A_18 = tpu.memref_slice %arg17[%mul3A_12, %dma_start3A_17] : memref<10112x128xf32, #tpu.memory_space<vmem_shared>> -> memref<632x128xf32, #tpu.memory_space<vmem_shared>>
      tpu.enqueue_dma source(%dma_start3A_18 : memref<632x128xf32, #tpu.memory_space<vmem_shared>>) target(%dma_start3A_16 : memref<632x128xf32, #tpu.memory_space<hbm>>) target_semaphore(%run_scoped3A : memref<!tpu.dma_semaphore, #tpu.memory_space<semaphore_mem>>)
      %dma_wait3A = arith.constant 0 : i32
      %dma_wait3A_19 = tpu.memref_slice %arg6[%arg0, %mul3A_14, %dma_wait3A] : memref<2x10112x128xf32, #tpu.memory_space<hbm>> -> memref<1x632x128xf32, #tpu.memory_space<hbm>>
      %dma_wait3A_20 = tpu.memref_squeeze %dma_wait3A_19 : memref<1x632x128xf32, #tpu.memory_space<hbm>> -> memref<632x128xf32, #tpu.memory_space<hbm>>
      %dma_wait3A_21 = arith.constant 0 : i32
      %dma_wait3A_22 = tpu.memref_slice %arg17[%mul3A_12, %dma_wait3A_21] : memref<10112x128xf32, #tpu.memory_space<vmem_shared>> -> memref<632x128xf32, #tpu.memory_space<vmem_shared>>
      tpu.wait_dma2 semaphore(%run_scoped3A : memref<!tpu.dma_semaphore, #tpu.memory_space<semaphore_mem>>) src(%dma_wait3A_22 : memref<632x128xf32, #tpu.memory_space<vmem_shared>>) dst(%dma_wait3A_20 : memref<632x128xf32, #tpu.memory_space<hbm>>)
      tpu.yield
    }) : () -> ()
    return
  }
}

#map = affine_map<(d0, d1) -> (0, 0)>
#map1 = affine_map<(d0, d1) -> (0, 0, 0)>
module attributes {stable_mosaic.version = 14 : i64} {
  func.func @_degree_body(%arg0: i32, %arg1: i32, %arg2: memref<2x327680xi32, #tpu.memory_space<hbm>>, %arg3: memref<2x16x10112xf32, #tpu.memory_space<hbm>>, %arg4: memref<20480xi32, #tpu.memory_space<vmem>>, %arg5: memref<10112xf32, #tpu.memory_space<vmem>>) attributes {dimension_semantics = [#tpu.dimension_semantics<core_parallel>, #tpu.dimension_semantics<subcore_parallel>], iteration_bounds = array<i64: 2, 16>, scalar_prefetch = 0 : i64, scratch_operands = 2 : i64, tpu.core_type = #tpu.core_type<sc_vector_subcore>, window_params = [{transform_indices = #map}, {transform_indices = #map1}]} {
    %sub3A = arith.constant 1 : i32
    %sub3A_0 = arith.subi %sub3A, %arg0 : i32
    %mul3A = arith.constant 20480 : i32
    %mul3A_1 = arith.muli %arg1, %mul3A : i32
    "tpu.region"() ({
      %run_scoped3A = tpu.sem_alloc : memref<!tpu.dma_semaphore, #tpu.memory_space<semaphore_mem>>
      %dma_start3A = tpu.memref_slice %arg2[%sub3A_0, %mul3A_1] : memref<2x327680xi32, #tpu.memory_space<hbm>> -> memref<1x20480xi32, #tpu.memory_space<hbm>>
      %dma_start3A_18 = tpu.memref_squeeze %dma_start3A : memref<1x20480xi32, #tpu.memory_space<hbm>> -> memref<20480xi32, #tpu.memory_space<hbm>>
      %dma_start3A_19 = tpu.memref_slice %arg2[%sub3A_0, %mul3A_1] : memref<2x327680xi32, #tpu.memory_space<hbm>> -> memref<1x20480xi32, #tpu.memory_space<hbm>>
      %dma_start3A_20 = tpu.memref_squeeze %dma_start3A_19 : memref<1x20480xi32, #tpu.memory_space<hbm>> -> memref<20480xi32, #tpu.memory_space<hbm>>
      tpu.enqueue_dma source(%dma_start3A_20 : memref<20480xi32, #tpu.memory_space<hbm>>) target(%arg4 : memref<20480xi32, #tpu.memory_space<vmem>>) target_semaphore(%run_scoped3A : memref<!tpu.dma_semaphore, #tpu.memory_space<semaphore_mem>>)
      %dma_wait3A = tpu.memref_slice %arg2[%sub3A_0, %mul3A_1] : memref<2x327680xi32, #tpu.memory_space<hbm>> -> memref<1x20480xi32, #tpu.memory_space<hbm>>
      %dma_wait3A_21 = tpu.memref_squeeze %dma_wait3A : memref<1x20480xi32, #tpu.memory_space<hbm>> -> memref<20480xi32, #tpu.memory_space<hbm>>
      %dma_wait3A_22 = tpu.memref_slice %arg2[%sub3A_0, %mul3A_1] : memref<2x327680xi32, #tpu.memory_space<hbm>> -> memref<1x20480xi32, #tpu.memory_space<hbm>>
      %dma_wait3A_23 = tpu.memref_squeeze %dma_wait3A_22 : memref<1x20480xi32, #tpu.memory_space<hbm>> -> memref<20480xi32, #tpu.memory_space<hbm>>
      tpu.wait_dma2 semaphore(%run_scoped3A : memref<!tpu.dma_semaphore, #tpu.memory_space<semaphore_mem>>) src(%dma_wait3A_23 : memref<20480xi32, #tpu.memory_space<hbm>>) dst(%arg4 : memref<20480xi32, #tpu.memory_space<vmem>>)
      tpu.yield
    }) : () -> ()
    %broadcast_in_dim3A = arith.constant 0.000000e+00 : f32
    %broadcast_in_dim3A_2 = vector.broadcast %broadcast_in_dim3A : f32 to vector<16xf32>
    %broadcast_in_dim3A_3 = arith.constant 1.000000e+00 : f32
    %broadcast_in_dim3A_4 = vector.broadcast %broadcast_in_dim3A_3 : f32 to vector<16xf32>
    %scan3A = arith.constant 0 : i32
    %scan3A_5 = arith.constant 0 : i32
    %scan3A_6 = arith.constant 632 : i32
    %scan3A_7 = arith.addi %scan3A_5, %scan3A_6 : i32
    %scan3A_8 = arith.constant 1 : i32
    %scan3A_9 = scf.for %scan3A_18 = %scan3A_5 to %scan3A_7 step %scan3A_8 iter_args(%scan3A_19 = %scan3A) -> (i32)  : i32 {
      %mul3A_20 = arith.constant 16 : i32
      %mul3A_21 = arith.muli %scan3A_18, %mul3A_20 : i32
      %swap3A = arith.index_cast %mul3A_21 : i32 to index
      %swap3A_22 = tpu.vector_load %arg5[%swap3A] {strides = array<i32>} : memref<10112xf32, #tpu.memory_space<vmem>>, vector<16xf32>,
      tpu.vector_store %arg5[%swap3A], %broadcast_in_dim3A_2 {strides = array<i32>} : memref<10112xf32, #tpu.memory_space<vmem>>, vector<16xf32>,
      %scan3A_23 = arith.constant 0 : i32
      scf.yield %scan3A_23 : i32
    }
    %scan3A_10 = arith.constant 632 : i32
    %scan3A_11 = arith.constant 0 : i32
    %scan3A_12 = arith.constant 0 : i32
    %scan3A_13 = arith.constant 320 : i32
    %scan3A_14 = arith.addi %scan3A_12, %scan3A_13 : i32
    %scan3A_15 = arith.constant 1 : i32
    %scan3A_16 = scf.for %scan3A_18 = %scan3A_12 to %scan3A_14 step %scan3A_15 iter_args(%scan3A_19 = %scan3A_11) -> (i32)  : i32 {
      %mul3A_20 = arith.constant 4 : i32
      %mul3A_21 = arith.muli %scan3A_18, %mul3A_20 : i32
      %add3A = arith.constant 0 : i32
      %add3A_22 = arith.addi %mul3A_21, %add3A : i32
      %mul3A_23 = arith.constant 16 : i32
      %mul3A_24 = arith.muli %add3A_22, %mul3A_23 : i32
      %get3A = arith.index_cast %mul3A_24 : i32 to index
      %get3A_25 = tpu.vector_load %arg4[%get3A] {strides = array<i32>} : memref<20480xi32, #tpu.memory_space<vmem>>, vector<16xi32>,
      tpu.vector_store_idx %arg5[%get3A_25], %broadcast_in_dim3A_4 {add = true} : memref<10112xf32, #tpu.memory_space<vmem>>[vector<16xi32>], vector<16xf32>,
      %mul3A_26 = arith.constant 4 : i32
      %mul3A_27 = arith.muli %scan3A_18, %mul3A_26 : i32
      %add3A_28 = arith.constant 1 : i32
      %add3A_29 = arith.addi %mul3A_27, %add3A_28 : i32
      %mul3A_30 = arith.constant 16 : i32
      %mul3A_31 = arith.muli %add3A_29, %mul3A_30 : i32
      %get3A_32 = arith.index_cast %mul3A_31 : i32 to index
      %get3A_33 = tpu.vector_load %arg4[%get3A_32] {strides = array<i32>} : memref<20480xi32, #tpu.memory_space<vmem>>, vector<16xi32>,
      tpu.vector_store_idx %arg5[%get3A_33], %broadcast_in_dim3A_4 {add = true} : memref<10112xf32, #tpu.memory_space<vmem>>[vector<16xi32>], vector<16xf32>,
      %mul3A_34 = arith.constant 4 : i32
      %mul3A_35 = arith.muli %scan3A_18, %mul3A_34 : i32
      %add3A_36 = arith.constant 2 : i32
      %add3A_37 = arith.addi %mul3A_35, %add3A_36 : i32
      %mul3A_38 = arith.constant 16 : i32
      %mul3A_39 = arith.muli %add3A_37, %mul3A_38 : i32
      %get3A_40 = arith.index_cast %mul3A_39 : i32 to index
      %get3A_41 = tpu.vector_load %arg4[%get3A_40] {strides = array<i32>} : memref<20480xi32, #tpu.memory_space<vmem>>, vector<16xi32>,
      tpu.vector_store_idx %arg5[%get3A_41], %broadcast_in_dim3A_4 {add = true} : memref<10112xf32, #tpu.memory_space<vmem>>[vector<16xi32>], vector<16xf32>,
      %mul3A_42 = arith.constant 4 : i32
      %mul3A_43 = arith.muli %scan3A_18, %mul3A_42 : i32
      %add3A_44 = arith.constant 3 : i32
      %add3A_45 = arith.addi %mul3A_43, %add3A_44 : i32
      %mul3A_46 = arith.constant 16 : i32
      %mul3A_47 = arith.muli %add3A_45, %mul3A_46 : i32
      %get3A_48 = arith.index_cast %mul3A_47 : i32 to index
      %get3A_49 = tpu.vector_load %arg4[%get3A_48] {strides = array<i32>} : memref<20480xi32, #tpu.memory_space<vmem>>, vector<16xi32>,
      tpu.vector_store_idx %arg5[%get3A_49], %broadcast_in_dim3A_4 {add = true} : memref<10112xf32, #tpu.memory_space<vmem>>[vector<16xi32>], vector<16xf32>,
      %scan3A_50 = arith.constant 0 : i32
      scf.yield %scan3A_50 : i32
    }
    %scan3A_17 = arith.constant 320 : i32
    "tpu.region"() ({
      %run_scoped3A = tpu.sem_alloc : memref<!tpu.dma_semaphore, #tpu.memory_space<semaphore_mem>>
      %dma_start3A = arith.constant 0 : i32
      %dma_start3A_18 = tpu.memref_slice %arg3[%arg0, %arg1, %dma_start3A] : memref<2x16x10112xf32, #tpu.memory_space<hbm>> -> memref<1x1x10112xf32, #tpu.memory_space<hbm>>
      %dma_start3A_19 = tpu.memref_squeeze %dma_start3A_18 : memref<1x1x10112xf32, #tpu.memory_space<hbm>> -> memref<10112xf32, #tpu.memory_space<hbm>>
      %dma_start3A_20 = arith.constant 0 : i32
      %dma_start3A_21 = tpu.memref_slice %arg3[%arg0, %arg1, %dma_start3A_20] : memref<2x16x10112xf32, #tpu.memory_space<hbm>> -> memref<1x1x10112xf32, #tpu.memory_space<hbm>>
      %dma_start3A_22 = tpu.memref_squeeze %dma_start3A_21 : memref<1x1x10112xf32, #tpu.memory_space<hbm>> -> memref<10112xf32, #tpu.memory_space<hbm>>
      tpu.enqueue_dma source(%arg5 : memref<10112xf32, #tpu.memory_space<vmem>>) target(%dma_start3A_22 : memref<10112xf32, #tpu.memory_space<hbm>>) target_semaphore(%run_scoped3A : memref<!tpu.dma_semaphore, #tpu.memory_space<semaphore_mem>>)
      %dma_wait3A = arith.constant 0 : i32
      %dma_wait3A_23 = tpu.memref_slice %arg3[%arg0, %arg1, %dma_wait3A] : memref<2x16x10112xf32, #tpu.memory_space<hbm>> -> memref<1x1x10112xf32, #tpu.memory_space<hbm>>
      %dma_wait3A_24 = tpu.memref_squeeze %dma_wait3A_23 : memref<1x1x10112xf32, #tpu.memory_space<hbm>> -> memref<10112xf32, #tpu.memory_space<hbm>>
      %dma_wait3A_25 = arith.constant 0 : i32
      %dma_wait3A_26 = tpu.memref_slice %arg3[%arg0, %arg1, %dma_wait3A_25] : memref<2x16x10112xf32, #tpu.memory_space<hbm>> -> memref<1x1x10112xf32, #tpu.memory_space<hbm>>
      %dma_wait3A_27 = tpu.memref_squeeze %dma_wait3A_26 : memref<1x1x10112xf32, #tpu.memory_space<hbm>> -> memref<10112xf32, #tpu.memory_space<hbm>>
      tpu.wait_dma2 semaphore(%run_scoped3A : memref<!tpu.dma_semaphore, #tpu.memory_space<semaphore_mem>>) src(%arg5 : memref<10112xf32, #tpu.memory_space<vmem>>) dst(%dma_wait3A_27 : memref<10112xf32, #tpu.memory_space<hbm>>)
      tpu.yield
    }) : () -> ()
    return
  }
}

module attributes {stable_mosaic.version = 14 : i64} {
  func.func @_z_body(%arg0: memref<10112x128xf32, #tpu.memory_space<vmem>>, %arg1: memref<128x128xf32, #tpu.memory_space<vmem>>, %arg2: memref<16x10112xf32, #tpu.memory_space<vmem>>, %arg3: memref<10112x128xf32, #tpu.memory_space<vmem>>) attributes {dimension_semantics = [], scalar_prefetch = 0 : i64, scratch_operands = 0 : i64, tpu.core_type = #tpu.core_type<tc>} {
    %get3A = arith.constant 0 : index
    %get3A_0 = arith.constant 0 : index
    %get3A_1 = vector.load %arg2[%get3A, %get3A_0] : memref<16x10112xf32, #tpu.memory_space<vmem>>, vector<16x10112xf32>
    %reduce_sum3A = arith.constant dense<0.000000e+00> : vector<10112xf32>
    %reduce_sum3A_2 = vector.multi_reduction <add>, %get3A_1, %reduce_sum3A [0] : vector<16x10112xf32> to vector<10112xf32>
    %add3A = arith.constant 1.000000e+00 : f32
    %add3A_3 = vector.broadcast %add3A : f32 to vector<10112xf32>
    %add3A_4 = arith.addf %reduce_sum3A_2, %add3A_3 : vector<10112xf32>
    %rsqrt3A = math.rsqrt %add3A_4 : vector<10112xf32>
    %get3A_5 = arith.constant 0 : index
    %get3A_6 = arith.constant 0 : index
    %get3A_7 = vector.load %arg0[%get3A_5, %get3A_6] : memref<10112x128xf32, #tpu.memory_space<vmem>>, vector<10112x128xf32>
    %get3A_8 = arith.constant 0 : index
    %get3A_9 = arith.constant 0 : index
    %get3A_10 = vector.load %arg1[%get3A_8, %get3A_9] : memref<128x128xf32, #tpu.memory_space<vmem>>, vector<128x128xf32>
    %dot_general3A = arith.constant dense<0.000000e+00> : vector<10112x128xf32>
    %dot_general3A_11 = tpu.matmul %get3A_7, %get3A_10, %dot_general3A {dimension_numbers = #tpu.dot_dimension_numbers<[1], [0], [0], [1], [0, 0, 1, 1], [], []>, transpose_lhs_hint = false} : vector<10112x128xf32>, vector<128x128xf32>, vector<10112x128xf32> -> vector<10112x128xf32>
    %broadcast_in_dim3A = vector.shape_cast %rsqrt3A : vector<10112xf32> to vector<10112x1xf32>
    %mul3A = vector.broadcast %broadcast_in_dim3A : vector<10112x1xf32> to vector<10112x128xf32>
    %mul3A_12 = arith.mulf %dot_general3A_11, %mul3A : vector<10112x128xf32>
    %swap3A = arith.constant 0 : index
    %swap3A_13 = arith.constant 0 : index
    %swap3A_14 = vector.load %arg3[%swap3A, %swap3A_13] : memref<10112x128xf32, #tpu.memory_space<vmem>>, vector<10112x128xf32>
    tpu.vector_store %arg3[%swap3A, %swap3A_13], %mul3A_12 {strides = array<i32>} : memref<10112x128xf32, #tpu.memory_space<vmem>>, vector<10112x128xf32>,
    return
  }
}

module attributes {stable_mosaic.version = 14 : i64} {
  func.func @_final_body(%arg0: memref<10112x128xf32, #tpu.memory_space<vmem>>, %arg1: memref<10112x128xf32, #tpu.memory_space<vmem>>, %arg2: memref<10112x128xf32, #tpu.memory_space<vmem>>, %arg3: memref<10112x128xf32, #tpu.memory_space<vmem>>, %arg4: memref<16x10112xf32, #tpu.memory_space<vmem>>, %arg5: memref<16x10112xf32, #tpu.memory_space<vmem>>, %arg6: memref<128x128xf32, #tpu.memory_space<vmem>>, %arg7: memref<1x128xf32, #tpu.memory_space<vmem>>, %arg8: memref<1x128xf32, #tpu.memory_space<vmem>>, %arg9: memref<10112x128xf32, #tpu.memory_space<vmem>>) attributes {dimension_semantics = [], scalar_prefetch = 0 : i64, scratch_operands = 0 : i64, tpu.core_type = #tpu.core_type<tc>} {
    %get3A = arith.constant 0 : index
    %get3A_0 = arith.constant 0 : index
    %get3A_1 = vector.load %arg4[%get3A, %get3A_0] : memref<16x10112xf32, #tpu.memory_space<vmem>>, vector<16x10112xf32>
    %reduce_sum3A = arith.constant dense<0.000000e+00> : vector<10112xf32>
    %reduce_sum3A_2 = vector.multi_reduction <add>, %get3A_1, %reduce_sum3A [0] : vector<16x10112xf32> to vector<10112xf32>
    %get3A_3 = arith.constant 0 : index
    %get3A_4 = arith.constant 0 : index
    %get3A_5 = vector.load %arg5[%get3A_3, %get3A_4] : memref<16x10112xf32, #tpu.memory_space<vmem>>, vector<16x10112xf32>
    %reduce_sum3A_6 = arith.constant dense<0.000000e+00> : vector<10112xf32>
    %reduce_sum3A_7 = vector.multi_reduction <add>, %get3A_5, %reduce_sum3A_6 [0] : vector<16x10112xf32> to vector<10112xf32>
    %add3A = arith.constant 1.000000e+00 : f32
    %add3A_8 = vector.broadcast %add3A : f32 to vector<10112xf32>
    %add3A_9 = arith.addf %reduce_sum3A_2, %add3A_8 : vector<10112xf32>
    %rsqrt3A = math.rsqrt %add3A_9 : vector<10112xf32>
    %broadcast_in_dim3A = vector.shape_cast %rsqrt3A : vector<10112xf32> to vector<10112x1xf32>
    %get3A_10 = arith.constant 0 : index
    %get3A_11 = arith.constant 0 : index
    %get3A_12 = vector.load %arg2[%get3A_10, %get3A_11] : memref<10112x128xf32, #tpu.memory_space<vmem>>, vector<10112x128xf32>
    %get3A_13 = arith.constant 0 : index
    %get3A_14 = arith.constant 0 : index
    %get3A_15 = vector.load %arg3[%get3A_13, %get3A_14] : memref<10112x128xf32, #tpu.memory_space<vmem>>, vector<10112x128xf32>
    %add3A_16 = arith.addf %get3A_12, %get3A_15 : vector<10112x128xf32>
    %mul3A = vector.broadcast %broadcast_in_dim3A : vector<10112x1xf32> to vector<10112x128xf32>
    %mul3A_17 = arith.mulf %mul3A, %add3A_16 : vector<10112x128xf32>
    %get3A_18 = arith.constant 0 : index
    %get3A_19 = arith.constant 0 : index
    %get3A_20 = vector.load %arg7[%get3A_18, %get3A_19] : memref<1x128xf32, #tpu.memory_space<vmem>>, vector<1x128xf32>
    %add3A_21 = vector.broadcast %get3A_20 : vector<1x128xf32> to vector<10112x128xf32>
    %add3A_22 = arith.addf %mul3A_17, %add3A_21 : vector<10112x128xf32>
    %max3A = arith.constant 0.000000e+00 : f32
    %max3A_23 = vector.broadcast %max3A : f32 to vector<10112x128xf32>
    %max3A_24 = arith.maximumf %add3A_22, %max3A_23 : vector<10112x128xf32>
    %get3A_25 = arith.constant 0 : index
    %get3A_26 = arith.constant 0 : index
    %get3A_27 = vector.load %arg0[%get3A_25, %get3A_26] : memref<10112x128xf32, #tpu.memory_space<vmem>>, vector<10112x128xf32>
    %get3A_28 = arith.constant 0 : index
    %get3A_29 = arith.constant 0 : index
    %get3A_30 = vector.load %arg1[%get3A_28, %get3A_29] : memref<10112x128xf32, #tpu.memory_space<vmem>>, vector<10112x128xf32>
    %mul3A_31 = arith.mulf %get3A_27, %get3A_30 : vector<10112x128xf32>
    %get3A_32 = arith.constant 0 : index
    %get3A_33 = arith.constant 0 : index
    %get3A_34 = vector.load %arg6[%get3A_32, %get3A_33] : memref<128x128xf32, #tpu.memory_space<vmem>>, vector<128x128xf32>
    %dot_general3A = arith.constant dense<0.000000e+00> : vector<10112x128xf32>
    %dot_general3A_35 = tpu.matmul %mul3A_31, %get3A_34, %dot_general3A {dimension_numbers = #tpu.dot_dimension_numbers<[1], [0], [0], [1], [0, 0, 1, 1], [], []>, transpose_lhs_hint = false} : vector<10112x128xf32>, vector<128x128xf32>, vector<10112x128xf32> -> vector<10112x128xf32>
    %add3A_36 = arith.addf %max3A_24, %dot_general3A_35 : vector<10112x128xf32>
    %broadcast_in_dim3A_37 = vector.shape_cast %reduce_sum3A_7 : vector<10112xf32> to vector<10112x1xf32>
    %get3A_38 = arith.constant 0 : index
    %get3A_39 = arith.constant 0 : index
    %get3A_40 = vector.load %arg8[%get3A_38, %get3A_39] : memref<1x128xf32, #tpu.memory_space<vmem>>, vector<1x128xf32>
    %mul3A_41 = vector.broadcast %broadcast_in_dim3A_37 : vector<10112x1xf32> to vector<10112x128xf32>
    %mul3A_42 = vector.broadcast %get3A_40 : vector<1x128xf32> to vector<10112x128xf32>
    %mul3A_43 = arith.mulf %mul3A_41, %mul3A_42 : vector<10112x128xf32>
    %add3A_44 = arith.addf %add3A_36, %mul3A_43 : vector<10112x128xf32>
    %swap3A = arith.constant 0 : index
    %swap3A_45 = arith.constant 0 : index
    %swap3A_46 = vector.load %arg9[%swap3A, %swap3A_45] : memref<10112x128xf32, #tpu.memory_space<vmem>>, vector<10112x128xf32>
    tpu.vector_store %arg9[%swap3A, %swap3A_45], %add3A_44 {strides = array<i32>} : memref<10112x128xf32, #tpu.memory_space<vmem>>, vector<10112x128xf32>,
    return
  }
}

</mosaic_0001>

<sc_bundles>
// kernel: kernel.6.cloned.1.call-start
scs
__scs_entry_jumppad:
0x0: {  	(pc) =	sbr.rel $0x88, $3  }
0x1: {  	(tag) =	ssettag $0x0;
	lr =	simm.s32 $0x1  }
0x2: {  	[smem:$0x3F9B] =	sst lr;
	_ =	strace $0xD0000000  }
0x3: {  	_ = 	snop  }
0x4: {  	_ = 	snop  }
0x5: {  	_ = 	snop  }
0x6: {  	_ = 	snop  }
0x7: {  	_ = 	snop  }
__scs_overlays_trampoline_lowered:
0x8: {  	[smem:$0x3FAA] =	sst s0  }
0x9: {  	[smem:$0x3FAB] =	sst s1  }
0xa: {  	[smem:$0x3FAC] =	sst s2  }
0xb: {  	[smem:$0x3FAD] =	sst s3  }
0xc: {  	[smem:$0x3FAE] =	sst s4  }
0xd: {  	[smem:$0x3FAF] =	sst s5  }
0xe: {  	[smem:$0x3FB0] =	sst s6  }
0xf: {  	[smem:$0x3FB1] =	sst s7  }
0x10: {  	[smem:$0x3FB2] =	sst s8  }
0x11: {  	[smem:$0x3FB3] =	sst s9;
	s0 =	simm.s32 @!p0 $0x0  }
0x12: {  	s1 =	sld [smem:$0x3F99];
	s0 =	simm.s32 @p0 $0x1  }
0x13: {  	[smem:$0x3FB4] =	sst s0;
	s0 =	simm.s32 @!p1 $0x0  }
0x14: {  	s2 =	sld [smem:$0x3F98];
	s0 =	simm.s32 @p1 $0x1  }
0x15: {  	[smem:$0x3FB5] =	sst s0;
	s0 =	simm.s32 @!p2 $0x0  }
0x16: {  	s3 =	sld [smem:$0x3FDB];
	s0 =	simm.s32 @p2 $0x1  }
0x17: {  	s4 =	simm.s32 $0x1BF5;
	[smem:$0x3FB7] =	sst s0  }
0x18: {  	s0 =	sld [smem:$0x3F9A];
	_ =	swait.ge [sflag:s4], $0x0  }
0x19: {  	s7 =	sld [smem:$0x3F9B]  }
0x1a: {  	s8 =	sadd.s32 $0xFFFFE003, lr  }
0x1b: {  	s9 =	sadd.s32 $0xFFFFFEF7, lr;
	s5 =	simm.s32 $0xFFFFFFFF;
	p2 =	slt.u32 s8, $0xFFFFF086  }
0x1c: {  	p1 =	slt.u32 s9, $0xF7A;
	s5 =	simm.s32 @!p2 $0x0  }
0x1d: {  	s5 =	simm.s32 @p1 $0x1;
	p0 =	seq.s32 s7, s2  }
0x1e: {  	s7 =	smul.u32 @!p0 $0xF7A, s2;
	p2 =	seq.s32 @!p0 s5, $0x0  }
0x1f: {  	s9 =	smul.u32 $0xF7A, s1;
	s8 =	simm.s32 @!p0 $0x1BF5;
	p2 =	por !p2, p0  }
0x20: {  	[sflag:s8] =	ssyncset.s32 @!p0 $0xFFFFF086;
	s6 =	sadd.s32 @!p0 s3, s7;
	s7 =	simm.s32 @!p0 $0x108  }
0x21: {  	s3 =	sadd.s32 s3, s9;
	s6 =	sadd.s32 @!p0 $0x88, s6;
	s7 =	simm.s32 @p2 $0x1082  }
0x22: {  	[simem:s7], [sflag:s8] =	dma.local @!p0 [hbm:s6], $0xF7A  }
0x23: {  	s9 =	sor.u32 $0xD0000000, s2;
	s6 =	simm.s32 $0x108;
	_ =	swait.ge @!p0 [sflag:s8], $0x0  }
0x24: {  	s3 =	sadd.s32 $0x88, s3;
	s6 =	simm.s32 @!p1 $0x1082;
	[sflag:s4] =	ssyncset.s32 $0xFFFFF086  }
0x25: {  	[simem:s6], [sflag:s4] =	dma.local [hbm:s3], $0xF7A  }
0x26: {  	[smem:$0x3F9B] =	sst s1;
	(tag) =	ssettag s2;
	_ =	strace s9  }
0x27: {  	s1 =	sld [smem:$0x3FAB]  }
0x28: {  	s2 =	sld [smem:$0x3FAC]  }
0x29: {  	s4 =	sld [smem:$0x3FAE]  }
0x2a: {  	p0 =	seq.s32 s5, $0x0;
	s5 =	sld [smem:$0x3FAF]  }
0x2b: {  	s6 =	sld [smem:$0x3FB0]  }
0x2c: {  	s7 =	sld [smem:$0x3FB1]  }
0x2d: {  	s3 =	simm.s32 $0x108;
	s8 =	sld [smem:$0x3FB2]  }
0x2e: {  	s3 =	simm.s32 @!p0 $0x1082;
	s9 =	sld [smem:$0x3FB3]  }
0x2f: {  	lr =	sadd.s32 s0, s3;
	s0 =	sld [smem:$0x3FAA]  }
0x30: {  	s3 =	sld [smem:$0x3FAD]  }
0x31: {  	[smem:$0x3FB6] =	sst s10  }
0x32: {  	s10 =	sld [smem:$0x3FB4];
	_ =	sdelay $0x3  }
0x33: {  	p0 =	seq.s32 s10, $0x1;
	s10 =	sld [smem:$0x3FB6];
	_ =	sdelay $0x3  }
0x34: {  	[smem:$0x3FB6] =	sst s10  }
0x35: {  	s10 =	sld [smem:$0x3FB5];
	_ =	sdelay $0x3  }
0x36: {  	p1 =	seq.s32 s10, $0x1;
	s10 =	sld [smem:$0x3FB6];
	_ =	sdelay $0x3  }
0x37: {  	[smem:$0x3FB6] =	sst s10  }
0x38: {  	s10 =	sld [smem:$0x3FB7]  }
0x39: {  	_ = 	snop;
	(pc) =	sbr.ind lr, $3  }
0x3a: {  	_ = 	snop  }
0x3b: {  	_ = 	snop  }
0x3c: {  	p2 =	seq.s32 s10, $0x1;
	s10 =	sld [smem:$0x3FB6]  }
0x3d: {  	_ =	shalt  }
0x3e: {  	_ =	shalt  }
0x3f: {  	_ =	shalt  }
0x40: {  	_ =	shalt  }
0x41: {  	_ =	shalt  }
0x42: {  	_ =	shalt  }
0x43: {  	_ =	shalt  }
0x44: {  	_ =	shalt  }
0x45: {  	_ =	shalt  }
0x46: {  	_ =	shalt  }
0x47: {  	_ =	shalt  }
0x48: {  	_ =	shalt  }
0x49: {  	_ =	shalt  }
0x4a: {  	_ =	shalt  }
0x4b: {  	_ =	shalt  }
0x4c: {  	_ =	shalt  }
0x4d: {  	_ =	shalt  }
0x4e: {  	_ =	shalt  }
0x4f: {  	_ =	shalt  }
0x50: {  	_ =	shalt  }
0x51: {  	_ =	shalt  }
0x52: {  	_ =	shalt  }
0x53: {  	_ =	shalt  }
0x54: {  	_ =	shalt  }
0x55: {  	_ =	shalt  }
0x56: {  	_ =	shalt  }
0x57: {  	_ =	shalt  }
0x58: {  	_ =	shalt  }
0x59: {  	_ =	shalt  }
0x5a: {  	_ =	shalt  }
0x5b: {  	_ =	shalt  }
0x5c: {  	_ =	shalt  }
0x5d: {  	_ =	shalt  }
0x5e: {  	_ =	shalt  }
0x5f: {  	_ =	shalt  }
0x60: {  	_ =	shalt  }
0x61: {  	_ =	shalt  }
0x62: {  	_ =	shalt  }
0x63: {  	_ =	shalt  }
0x64: {  	_ =	shalt  }
0x65: {  	_ =	shalt  }
0x66: {  	_ =	shalt  }
0x67: {  	_ =	shalt  }
0x68: {  	_ =	shalt  }
0x69: {  	_ =	shalt  }
0x6a: {  	_ =	shalt  }
0x6b: {  	_ =	shalt  }
0x6c: {  	_ =	shalt  }
0x6d: {  	_ =	shalt  }
0x6e: {  	_ =	shalt  }
0x6f: {  	_ =	shalt  }
0x70: {  	_ =	shalt  }
0x71: {  	_ =	shalt  }
0x72: {  	_ =	shalt  }
0x73: {  	_ =	shalt  }
0x74: {  	_ =	shalt  }
0x75: {  	_ =	shalt  }
0x76: {  	_ =	shalt  }
0x77: {  	_ =	shalt  }
0x78: {  	_ =	shalt  }
0x79: {  	_ =	shalt  }
0x7a: {  	_ =	shalt  }
0x7b: {  	_ =	shalt  }
0x7c: {  	_ =	shalt  }
0x7d: {  	_ =	shalt  }
0x7e: {  	_ =	shalt  }
0x7f: {  	_ =	shalt  }
0x80: {  	_ =	shalt  }
0x81: {  	_ =	shalt  }
0x82: {  	_ =	shalt  }
0x83: {  	_ =	shalt  }
0x84: {  	_ =	shalt  }
0x85: {  	_ =	shalt  }
0x86: {  	_ =	shalt  }
0x87: {  	_ =	shalt  }
.Lfunc_end0:
.L_simem_size_0:
called_computation_lowered:
.L_overlay_start_0:
0x88: {  	s2 =	sld [smem:$0x3FD9]  }
0x89: {  	s3 =	sld [smem:$0x3FFE];
	_ =	sdelay $0x1  }
0x8a: {  	s1 =	srdreg.scid  }
0x8b: {  	s0 =	sand.u32 $0x1, s1  }
0x8c: {  	s17 =	sshll.u32 s0, $0xA;
	s2 =	sadd.s32 s3, s2  }
0x8d: {  	s2 =	sadd.s32 s2, s17  }
0x8e: {  	[smem:$0x3FC2] =	sst s2  }
0x8f: {  	_ = 	snop  }
0x90: {  	s2 =	sld [smem:$0x3FD0];
	(tm) =	ssettm $0x1  }
0x91: {  	s18 =	sld [smem:$0x3FFB];
	_ =	sdelay $0x3  }
0x92: {  	_ =	strace s18  }
0x93: {  	s3 =	sld [smem:$0x3FFC];
	_ =	sdelay $0x3  }
0x94: {  	_ =	strace s3  }
0x95: {  	s3 =	sld [smem:$0x3FFD];
	_ =	sdelay $0x3  }
0x96: {  	_ =	strace s3  }
0x97: {  	_ =	strace $0x8FFFFFFF  }
0x98: {  	s19 =	sld [smem:$0x3FDB];
	_ =	sdelay $0x1  }
0x99: {  	s4 =	simm.s32 $_scs_section_size  }
0x9a: {  	s5 =	simm.s32 $_size__tile_overlayer_lowered;
	s6 =	simm.s32 $_tile_overlayer_lowered  }
0x9b: {  	s22 =	simm.s32 $0x1BFF;
	s21 =	sshll.u32 s6, $0x1;
	s3 =	sadd.s32 s4, s19  }
0x9c: {  	s7 =	simm.s32 $0x0;
	s20 =	sshll.u32 s5, $0x1;
	s5 =	sadd.s32 s21, s3  }
0x9d: {  	[timem:s7], [sflag:s22] =	dma.local [hbm:s5], s20  }
0x9e: {  	_ =	swait.ge [sflag:s22], s20  }
0x9f: {  	s4 =	ssub.s32 $0x0, s20;
	[sflag:s22] =	ssyncset.done $0x0  }
0xa0: {  	[sflag:s22] =	ssyncadd.s32 s4;
	_ =	sdelay $0x1  }
0xa1: {  	s23 =	simm.s32 $0x1B8B  }
0xa2: {  	_ =	swait.ge [sflag:s23], $0x1  }
0xa3: {  	[sflag:s23] =	ssyncset.done $0x0  }
0xa4: {  	s25 =	simm.s32 $0x1B8E;
	s24 =	sld [smem:$0x3FFE];
	[sflag:s23] =	ssyncadd.s32 $0xFFFFFFFF  }
0xa5: {  	s26 =	simm.s32 $execute0_lowered;
	[smem:$0x3FD2] =	sst s25  }
0xa6: {  	s5 =	sshll.u32 s26, $0x1;
	_ =	strace $0x80000046;
	[dreg:$0x1] =	wrdreg $0xFFFFFFFF  }
0xa7: {  	s28 =	simm.s32 $_size_execute0_lowered;
	s3 =	sadd.s32 s3, s5;
	[dreg:$0x0] =	wrdreg $0x0  }
0xa8: {  	s5 =	sshll.u32 s28, $0x1;
	[dreg:$0x2] =	wrdreg s3  }
0xa9: {  	[dreg:$0x3] =	wrdreg s5  }
0xaa: {  	[dreg:$0x4] =	wrdreg $0xC0  }
0xab: {  	_ =	task [dreg:s7], $0x5FFFF  }
0xac: {  	[dreg:$0x1] =	wrdreg $0xFFFFFFFF  }
0xad: {  	[dreg:$0x0] =	wrdreg $0x60  }
0xae: {  	[dreg:$0x2] =	wrdreg s2  }
0xaf: {  	[dreg:$0x3] =	wrdreg s24  }
0xb0: {  	[dreg:$0x4] =	wrdreg $0x9  }
0xb1: {  	_ =	task.clear_ibuf [dreg:s7], $0x5FFFF;
	_ =	strace $0x90000046  }
0xb2: {  	s29 =	simm.s32 $0x9;
	_ =	strace $0x80000048  }
0xb3: {  	_ =	swait.ge [sflag:s29], $0x1  }
0xb4: {  	[sflag:s29] =	ssyncadd.s32 $0xFFFFFFFF  }
0xb5: {  	_ =	strace $0x90000048  }
0xb6: {  	_ =	sfence  }
0xb7: {  	s30 =	sld [smem:$0x0];
	_ =	sdelay $0x2  }
0xb8: {  	s31 =	sshll.u32 s1, $0xD;
	s1 =	sshrl.u32 s1, $0x2  }
0xb9: {  	s3 =	sand.u32 $0x4000, s31;
	s1 =	sadd.s32 s1, s30  }
0xba: {  	s0 =	sor.u32 s3, s0;
	s1 =	sshll.u32 s1, $0x11  }
0xbb: {  	s0 =	sor.u32 s1, s0  }
0xbc: {  	s0 =	sadd.s32 $0x8F2B, s0  }
0xbd: {  	[sflag:s0] =	ssyncadd.remote.s32 $0x1  }
0xbe: {  	_ =	sfence.sel $0xFFFF  }
0xbf: {  	[dreg:$0x0] =	wrdreg $0xFFFFFFFF;
	(pc) =	sbr.abs _section_cstart, $3  }
0xc0: {  	[dreg:$0x1] =	wrdreg $0xFFFFFFFF  }
0xc1: {  	_ =	task.clear_ibuf [dreg:s7], $0x2FFFF;
	_ =	strace $0x9FFFFFFF  }
0xc2: {  	(tm) =	ssettm $0x7FFFFFFF  }
0xc3: {  	_ =	shalt  }
tec
execute0_lowered:
.L_overlay_start_1:
0x0: {  	(tag) =	ssettag $0x1  }
0x1: {  	s3 =	rddreg [dreg:$0x0]  }
0x2: {  	s4 =	rddreg [dreg:$0x1];
	s2 =	srdreg.scid  }
0x3: {  	s0 =	rddreg [dreg:$0x2];
	s1 =	stileid.u32  }
0x4: {  	s10 =	simm.s32 $0x400;
	s11 =	simm.s32 $0x0;
	s5 =	sand.u32 $0x1, s2  }
0x5: {  	s2 =	simm.s32 $0x0;
	s7 =	sshrl.u32 s1, $0x3;
	s9 =	smul.u32 $0xA000, s1  }
0x6: {  	s8 =	sshll.u32 s1, $0x7;
	s6 =	smul.u32 $0x27800, s5;
	[smem:$0x7FF] =	sst s2  }
0x7: {  	s7 =	smul.u32 $0x13C00, s7;
	s26 =	sand.u32 $0x380, s8;
	s28 =	sshll.u32 s5, $0x7  }
0x8: {  	s5 =	ssub.s32 $0x2, s5;
	s8 =	simm.s32 $0x1;
	_ =	strace $0x80000047  }
0x9: {  	s29 =	ssub.s32 s9, s28;
	s30 =	sshrl.u32 s5, $0x1;
	s6 =	sadd.s32 s6, s7  }
0xa: {  	s9 =	simm.s32 $0x5000;
	s7 =	sadd.s32 $0x80, s29;
	s6 =	sor.u32 s26, s6  }
0xb: {  	s5 =	ssub.s32 s5, s30;
	s31 =	sshrl.u32 s7, $0x3;
	s6 =	sshrl.u32 s6, $0x3  }
0xc: {  	s5 =	smax.u32 s5, $0x1;
	s7 =	simm.s32 $0x100;
	s4 =	sadd.s32 s6, s4  }
0xd: {  	v0 =	vimm.f32 $0.0e+00;
	v1 =	vimm.f32 $1.000000000e+00;
	s3 =	sadd.s32 s3, s31;
	s6 =	simm.s32 $0x80;
	s4 =	sadd.s32 $0x2400, s4  }
.LBB2_1:
0xe: {  	[tilespmem:s2], [sflag:$0x1] =	stream.strided.gather [hbm4b:s3+s6], $0x5000, s7, s6, $0x38;
	[tilespmem:$0x7780] =	vst v63  }
0xf: {  	_ =	swait.ge [sflag:s8], $0x5000  }
0x10: {  	[sflag:s8] =	ssyncset.done $0x0  }
0x11: {  	s12 =	simm.s32 $0x0;
	[sflag:s8] =	ssyncadd.s32 $0xFFFFB000  }
.LBB2_2:
0x12: {  	p0 =	sne.s32 s12, $0x9DC0  }
.Ltmp0:
0x13: {  	_ = 	snop;
	(pc) =	sbr.rel @p0 .LBB2_2-.Ltmp0, $3  }
0x14: {  	_ =	sdelay $0x1  }
0x15: {  	s13 =	sshra.s32 s12, $0x2  }
0x16: {  	s12 =	sadd.s32 $0x40, s12;
	[tilespmem:s13+$0x5000] =	vst v0  }
0x17: {  	s12 =	simm.s32 $0x0  }
.LBB2_4:
0x18: {  	s13 =	sshra.s32 s12, $0x2  }
0x19: {  	v2 =	vld [tilespmem:s13+$0x0];
	_ =	sdelay $0x7  }
0x1a: {  	[tilespmem:v2+s9+$0x0] =	vst.idx.add.f32.msk $0xffff, v1  }
0x1b: {  	v2 =	vld [tilespmem:s13+$0x10];
	_ =	sdelay $0x7  }
0x1c: {  	[tilespmem:v2+s9+$0x0] =	vst.idx.add.f32.msk $0xffff, v1  }
0x1d: {  	v2 =	vld [tilespmem:s13+$0x20];
	_ =	sdelay $0x7  }
0x1e: {  	[tilespmem:v2+s9+$0x0] =	vst.idx.add.f32.msk $0xffff, v1  }
0x1f: {  	v2 =	vld [tilespmem:s13+$0x30];
	_ =	sdelay $0x2  }
0x20: {  	p0 =	sne.s32 s12, $0x13F00  }
.Ltmp1:
0x21: {  	_ = 	snop;
	(pc) =	sbr.rel @p0 .LBB2_4-.Ltmp1, $2  }
0x22: {  	_ =	sdelay $0x2  }
0x23: {  	s12 =	sadd.s32 $0x100, s12;
	[tilespmem:v2+s9+$0x0] =	vst.idx.add.f32.msk $0xffff, v1  }
0x24: {  	s11 =	sadd.s32 $0x1, s11  }
0x25: {  	p0 =	sne.s32 s11, s5  }
.Ltmp2:
0x26: {  	_ = 	snop;
	(pc) =	sbr.rel @p0 .LBB2_1-.Ltmp2, $4  }
0x27: {  	[hbm4b:s4+s6] =	stream.strided.scatter [tilespmem:s9], [sflag:$0x1], $0x2780, s10, s6, $0x38;
	[tilespmem:$0x7780] =	vst v63  }
0x28: {  	_ =	swait.ge [sflag:s8], $0x2780  }
0x29: {  	[sflag:s8] =	ssyncset.done $0x0  }
0x2a: {  	[sflag:s8] =	ssyncadd.s32 $0xFFFFD880  }
0x2b: {  	_ =	sfence.sel $0x180000  }
0x2c: {  	[bflag:$0x0] =	sbarrier.arrive $0xFFFF  }
0x2d: {  	p0 =	sne.s32 s1, $0x0;
	_ =	strace $0x90000047  }
0x2e: {  	s0 =	sadd.s32 @!p0 $0x100000, s0;
	[bflag:$0x2] =	sbarrier.arrive $0xFFFF  }
0x2f: {  	[sflag:s0] =	ssyncadd.tile.s32 @!p0 $0x1;
	_ =	shalt  }
.Lfunc_end2:
_tile_overlayer_lowered:
.L_overlay_start_2:
0x30: {  	(tag) =	ssettag $0x2  }
0x31: {  	s0 =	rddreg [dreg:$0x0];
	s2 =	stileid.u32  }
0x32: {  	s1 =	rddreg [dreg:$0x1];
	p0 =	sne.s32 s2, $0x0  }
0x33: {  	s3 =	rddreg [dreg:$0x2];
	[bflag:$0x3] =	sbarrier.arrive $0xFFFF;
	s2 =	simm.s32 @!p0 $0x1C01  }
0x34: {  	[timem:s3], [sflag:s2] =	dma.local @!p0 [hbm:s0], s1  }
0x35: {  	s0 =	simm.s32 @!p0 $0x1  }
0x36: {  	_ =	swait.ge @!p0 [sflag:s0], s1  }
0x37: {  	s1 =	ssub.s32 @!p0 $0x0, s1;
	[sflag:s0] =	ssyncset.done @!p0 $0x0  }
0x38: {  	[sflag:s0] =	ssyncadd.s32 @!p0 s1  }
0x39: {  	[bflag:$0x3] =	sbarrier.arrive $0xFFFF  }
0x3a: {  	_ =	shalt  }

// kernel: kernel.9.cloned.1.call-start
scs
__scs_entry_jumppad:
0x0: {  	(pc) =	sbr.rel $0x88, $3  }
0x1: {  	(tag) =	ssettag $0x0;
	lr =	simm.s32 $0x1  }
0x2: {  	[smem:$0x3F9B] =	sst lr;
	_ =	strace $0xD0000000  }
0x3: {  	_ = 	snop  }
0x4: {  	_ = 	snop  }
0x5: {  	_ = 	snop  }
0x6: {  	_ = 	snop  }
0x7: {  	_ = 	snop  }
__scs_overlays_trampoline_lowered:
0x8: {  	[smem:$0x3FAA] =	sst s0  }
0x9: {  	[smem:$0x3FAB] =	sst s1  }
0xa: {  	[smem:$0x3FAC] =	sst s2  }
0xb: {  	[smem:$0x3FAD] =	sst s3  }
0xc: {  	[smem:$0x3FAE] =	sst s4  }
0xd: {  	[smem:$0x3FAF] =	sst s5  }
0xe: {  	[smem:$0x3FB0] =	sst s6  }
0xf: {  	[smem:$0x3FB1] =	sst s7  }
0x10: {  	[smem:$0x3FB2] =	sst s8  }
0x11: {  	[smem:$0x3FB3] =	sst s9;
	s0 =	simm.s32 @!p0 $0x0  }
0x12: {  	s1 =	sld [smem:$0x3F99];
	s0 =	simm.s32 @p0 $0x1  }
0x13: {  	[smem:$0x3FB4] =	sst s0;
	s0 =	simm.s32 @!p1 $0x0  }
0x14: {  	s2 =	sld [smem:$0x3F98];
	s0 =	simm.s32 @p1 $0x1  }
0x15: {  	[smem:$0x3FB5] =	sst s0;
	s0 =	simm.s32 @!p2 $0x0  }
0x16: {  	s3 =	sld [smem:$0x3FDB];
	s0 =	simm.s32 @p2 $0x1  }
0x17: {  	s4 =	simm.s32 $0x1BF5;
	[smem:$0x3FB7] =	sst s0  }
0x18: {  	s0 =	sld [smem:$0x3F9A];
	_ =	swait.ge [sflag:s4], $0x0  }
0x19: {  	s7 =	sld [smem:$0x3F9B]  }
0x1a: {  	s8 =	sadd.s32 $0xFFFFE003, lr  }
0x1b: {  	s9 =	sadd.s32 $0xFFFFFEF7, lr;
	s5 =	simm.s32 $0xFFFFFFFF;
	p2 =	slt.u32 s8, $0xFFFFF086  }
0x1c: {  	p1 =	slt.u32 s9, $0xF7A;
	s5 =	simm.s32 @!p2 $0x0  }
0x1d: {  	s5 =	simm.s32 @p1 $0x1;
	p0 =	seq.s32 s7, s2  }
0x1e: {  	s7 =	smul.u32 @!p0 $0xF7A, s2;
	p2 =	seq.s32 @!p0 s5, $0x0  }
0x1f: {  	s9 =	smul.u32 $0xF7A, s1;
	s8 =	simm.s32 @!p0 $0x1BF5;
	p2 =	por !p2, p0  }
0x20: {  	[sflag:s8] =	ssyncset.s32 @!p0 $0xFFFFF086;
	s6 =	sadd.s32 @!p0 s3, s7;
	s7 =	simm.s32 @!p0 $0x108  }
0x21: {  	s3 =	sadd.s32 s3, s9;
	s6 =	sadd.s32 @!p0 $0x88, s6;
	s7 =	simm.s32 @p2 $0x1082  }
0x22: {  	[simem:s7], [sflag:s8] =	dma.local @!p0 [hbm:s6], $0xF7A  }
0x23: {  	s9 =	sor.u32 $0xD0000000, s2;
	s6 =	simm.s32 $0x108;
	_ =	swait.ge @!p0 [sflag:s8], $0x0  }
0x24: {  	s3 =	sadd.s32 $0x88, s3;
	s6 =	simm.s32 @!p1 $0x1082;
	[sflag:s4] =	ssyncset.s32 $0xFFFFF086  }
0x25: {  	[simem:s6], [sflag:s4] =	dma.local [hbm:s3], $0xF7A  }
0x26: {  	[smem:$0x3F9B] =	sst s1;
	(tag) =	ssettag s2;
	_ =	strace s9  }
0x27: {  	s1 =	sld [smem:$0x3FAB]  }
0x28: {  	s2 =	sld [smem:$0x3FAC]  }
0x29: {  	s4 =	sld [smem:$0x3FAE]  }
0x2a: {  	p0 =	seq.s32 s5, $0x0;
	s5 =	sld [smem:$0x3FAF]  }
0x2b: {  	s6 =	sld [smem:$0x3FB0]  }
0x2c: {  	s7 =	sld [smem:$0x3FB1]  }
0x2d: {  	s3 =	simm.s32 $0x108;
	s8 =	sld [smem:$0x3FB2]  }
0x2e: {  	s3 =	simm.s32 @!p0 $0x1082;
	s9 =	sld [smem:$0x3FB3]  }
0x2f: {  	lr =	sadd.s32 s0, s3;
	s0 =	sld [smem:$0x3FAA]  }
0x30: {  	s3 =	sld [smem:$0x3FAD]  }
0x31: {  	[smem:$0x3FB6] =	sst s10  }
0x32: {  	s10 =	sld [smem:$0x3FB4];
	_ =	sdelay $0x3  }
0x33: {  	p0 =	seq.s32 s10, $0x1;
	s10 =	sld [smem:$0x3FB6];
	_ =	sdelay $0x3  }
0x34: {  	[smem:$0x3FB6] =	sst s10  }
0x35: {  	s10 =	sld [smem:$0x3FB5];
	_ =	sdelay $0x3  }
0x36: {  	p1 =	seq.s32 s10, $0x1;
	s10 =	sld [smem:$0x3FB6];
	_ =	sdelay $0x3  }
0x37: {  	[smem:$0x3FB6] =	sst s10  }
0x38: {  	s10 =	sld [smem:$0x3FB7]  }
0x39: {  	_ = 	snop;
	(pc) =	sbr.ind lr, $3  }
0x3a: {  	_ = 	snop  }
0x3b: {  	_ = 	snop  }
0x3c: {  	p2 =	seq.s32 s10, $0x1;
	s10 =	sld [smem:$0x3FB6]  }
0x3d: {  	_ =	shalt  }
0x3e: {  	_ =	shalt  }
0x3f: {  	_ =	shalt  }
0x40: {  	_ =	shalt  }
0x41: {  	_ =	shalt  }
0x42: {  	_ =	shalt  }
0x43: {  	_ =	shalt  }
0x44: {  	_ =	shalt  }
0x45: {  	_ =	shalt  }
0x46: {  	_ =	shalt  }
0x47: {  	_ =	shalt  }
0x48: {  	_ =	shalt  }
0x49: {  	_ =	shalt  }
0x4a: {  	_ =	shalt  }
0x4b: {  	_ =	shalt  }
0x4c: {  	_ =	shalt  }
0x4d: {  	_ =	shalt  }
0x4e: {  	_ =	shalt  }
0x4f: {  	_ =	shalt  }
0x50: {  	_ =	shalt  }
0x51: {  	_ =	shalt  }
0x52: {  	_ =	shalt  }
0x53: {  	_ =	shalt  }
0x54: {  	_ =	shalt  }
0x55: {  	_ =	shalt  }
0x56: {  	_ =	shalt  }
0x57: {  	_ =	shalt  }
0x58: {  	_ =	shalt  }
0x59: {  	_ =	shalt  }
0x5a: {  	_ =	shalt  }
0x5b: {  	_ =	shalt  }
0x5c: {  	_ =	shalt  }
0x5d: {  	_ =	shalt  }
0x5e: {  	_ =	shalt  }
0x5f: {  	_ =	shalt  }
0x60: {  	_ =	shalt  }
0x61: {  	_ =	shalt  }
0x62: {  	_ =	shalt  }
0x63: {  	_ =	shalt  }
0x64: {  	_ =	shalt  }
0x65: {  	_ =	shalt  }
0x66: {  	_ =	shalt  }
0x67: {  	_ =	shalt  }
0x68: {  	_ =	shalt  }
0x69: {  	_ =	shalt  }
0x6a: {  	_ =	shalt  }
0x6b: {  	_ =	shalt  }
0x6c: {  	_ =	shalt  }
0x6d: {  	_ =	shalt  }
0x6e: {  	_ =	shalt  }
0x6f: {  	_ =	shalt  }
0x70: {  	_ =	shalt  }
0x71: {  	_ =	shalt  }
0x72: {  	_ =	shalt  }
0x73: {  	_ =	shalt  }
0x74: {  	_ =	shalt  }
0x75: {  	_ =	shalt  }
0x76: {  	_ =	shalt  }
0x77: {  	_ =	shalt  }
0x78: {  	_ =	shalt  }
0x79: {  	_ =	shalt  }
0x7a: {  	_ =	shalt  }
0x7b: {  	_ =	shalt  }
0x7c: {  	_ =	shalt  }
0x7d: {  	_ =	shalt  }
0x7e: {  	_ =	shalt  }
0x7f: {  	_ =	shalt  }
0x80: {  	_ =	shalt  }
0x81: {  	_ =	shalt  }
0x82: {  	_ =	shalt  }
0x83: {  	_ =	shalt  }
0x84: {  	_ =	shalt  }
0x85: {  	_ =	shalt  }
0x86: {  	_ =	shalt  }
0x87: {  	_ =	shalt  }
.Lfunc_end0:
.L_simem_size_0:
called_computation.1_lowered:
.L_overlay_start_0:
0x88: {  	s2 =	sld [smem:$0x3FD9]  }
0x89: {  	s3 =	sld [smem:$0x3FFE];
	_ =	sdelay $0x1  }
0x8a: {  	s1 =	srdreg.scid  }
0x8b: {  	s0 =	sand.u32 $0x1, s1  }
0x8c: {  	s16 =	sshll.u32 s0, $0xA;
	s2 =	sadd.s32 s3, s2  }
0x8d: {  	s2 =	sadd.s32 s2, s16  }
0x8e: {  	[smem:$0x3FC2] =	sst s2  }
0x8f: {  	_ = 	snop  }
0x90: {  	(tm) =	ssettm $0x1  }
0x91: {  	s17 =	sld [smem:$0x3FFB];
	_ =	sdelay $0x3  }
0x92: {  	_ =	strace s17  }
0x93: {  	s2 =	sld [smem:$0x3FFC];
	_ =	sdelay $0x3  }
0x94: {  	_ =	strace s2  }
0x95: {  	s2 =	sld [smem:$0x3FFD];
	_ =	sdelay $0x3  }
0x96: {  	_ =	strace s2  }
0x97: {  	_ =	strace $0x8FFFFFFF  }
0x98: {  	s18 =	sld [smem:$0x3FDB];
	_ =	sdelay $0x1  }
0x99: {  	s19 =	simm.s32 $_scs_section_size  }
0x9a: {  	s4 =	simm.s32 $_size__tile_overlayer_lowered;
	s5 =	simm.s32 $_tile_overlayer_lowered  }
0x9b: {  	s22 =	simm.s32 $0x1BFF;
	s21 =	sshll.u32 s5, $0x1;
	s2 =	sadd.s32 s19, s18  }
0x9c: {  	s6 =	simm.s32 $0x0;
	s20 =	sshll.u32 s4, $0x1;
	s4 =	sadd.s32 s21, s2  }
0x9d: {  	[timem:s6], [sflag:s22] =	dma.local [hbm:s4], s20  }
0x9e: {  	_ =	swait.ge [sflag:s22], s20  }
0x9f: {  	s3 =	ssub.s32 $0x0, s20;
	[sflag:s22] =	ssyncset.done $0x0  }
0xa0: {  	[sflag:s22] =	ssyncadd.s32 s3;
	_ =	sdelay $0x1  }
0xa1: {  	s23 =	simm.s32 $0x1B8B  }
0xa2: {  	_ =	swait.ge [sflag:s23], $0x1  }
0xa3: {  	[sflag:s23] =	ssyncset.done $0x0  }
0xa4: {  	s25 =	simm.s32 $0x1B8E;
	s24 =	sld [smem:$0x3FFE];
	[sflag:s23] =	ssyncadd.s32 $0xFFFFFFFF  }
0xa5: {  	s26 =	simm.s32 $execute0_lowered;
	[smem:$0x3FD2] =	sst s25  }
0xa6: {  	s4 =	sshll.u32 s26, $0x1;
	_ =	strace $0x80000049;
	[dreg:$0x1] =	wrdreg $0xFFFFFFFF  }
0xa7: {  	s28 =	simm.s32 $_size_execute0_lowered;
	s2 =	sadd.s32 s2, s4;
	[dreg:$0x0] =	wrdreg $0x0  }
0xa8: {  	s4 =	sshll.u32 s28, $0x1;
	[dreg:$0x2] =	wrdreg s2  }
0xa9: {  	[dreg:$0x3] =	wrdreg s4  }
0xaa: {  	[dreg:$0x4] =	wrdreg $0xC0  }
0xab: {  	_ =	task [dreg:s6], $0x5FFFF  }
0xac: {  	[dreg:$0x1] =	wrdreg $0xFFFFFFFF  }
0xad: {  	[dreg:$0x0] =	wrdreg $0x60  }
0xae: {  	[dreg:$0x2] =	wrdreg s24  }
0xaf: {  	[dreg:$0x3] =	wrdreg $0xC0000  }
0xb0: {  	[dreg:$0x4] =	wrdreg $0x9  }
0xb1: {  	_ =	task.clear_ibuf [dreg:s6], $0x5FFFF;
	_ =	strace $0x90000049  }
0xb2: {  	s29 =	simm.s32 $0x9;
	_ =	strace $0x8000004B  }
0xb3: {  	_ =	swait.ge [sflag:s29], $0x1  }
0xb4: {  	[sflag:s29] =	ssyncadd.s32 $0xFFFFFFFF  }
0xb5: {  	_ =	strace $0x9000004B  }
0xb6: {  	_ =	sfence  }
0xb7: {  	s30 =	sld [smem:$0x0];
	_ =	sdelay $0x2  }
0xb8: {  	s31 =	sshll.u32 s1, $0xD;
	s1 =	sshrl.u32 s1, $0x2  }
0xb9: {  	s3 =	sand.u32 $0x4000, s31;
	s1 =	sadd.s32 s1, s30  }
0xba: {  	s0 =	sor.u32 s3, s0;
	s1 =	sshll.u32 s1, $0x11  }
0xbb: {  	s0 =	sor.u32 s1, s0  }
0xbc: {  	s0 =	sadd.s32 $0x8F2B, s0  }
0xbd: {  	[sflag:s0] =	ssyncadd.remote.s32 $0x1  }
0xbe: {  	_ =	sfence.sel $0xFFFF  }
0xbf: {  	[dreg:$0x0] =	wrdreg $0xFFFFFFFF;
	(pc) =	sbr.abs _section_cstart, $3  }
0xc0: {  	[dreg:$0x1] =	wrdreg $0xFFFFFFFF  }
0xc1: {  	_ =	task.clear_ibuf [dreg:s6], $0x2FFFF;
	_ =	strace $0x9FFFFFFF  }
0xc2: {  	(tm) =	ssettm $0x7FFFFFFF  }
0xc3: {  	_ =	shalt  }
tec
execute0_lowered:
.L_overlay_start_1:
0x0: {  	(tag) =	ssettag $0x1  }
0x1: {  	s0 =	rddreg [dreg:$0x0]  }
0x2: {  	s2 =	rddreg [dreg:$0x1];
	s16 =	simm.s32 $0x0;
	s11 =	stileid.u32  }
0x3: {  	s3 =	srdreg.scid;
	s20 =	simm.s32 $0x13;
	s29 =	simm.s32 $0x7000  }
0x4: {  	s14 =	simm.s32 $0x8;
	s15 =	simm.s32 $0x9;
	s17 =	simm.s32 $0xC  }
0x5: {  	s18 =	simm.s32 $0xD;
	s13 =	simm.s32 $0x10;
	s1 =	smul.u32 $0x13C00, s11  }
0x6: {  	[smem:$0x7FF] =	sst s16;
	s3 =	sand.u32 $0x1, s3;
	s8 =	smul.u32 $0x4F000, s11  }
0x7: {  	s12 =	sadd.s32 $0xC200, s0;
	s5 =	sadd.s32 $0x83A00, s0;
	s10 =	smul.u32 $0x14000, s11  }
0x8: {  	s6 =	sadd.s32 $0x5C200, s0;
	s22 =	sshll.u32 s11, $0x6;
	s25 =	smul.u32 $0x2800, s11  }
0x9: {  	s11 =	simm.s32 $0x6;
	_ =	strace $0x8000004A;
	s7 =	smul.u32 $0x13C000, s3  }
0xa: {  	s21 =	ssub.s32 $0x2, s3;
	s19 =	sor.u32 $0x1C13, s22;
	[dreg:$0x4] =	wrdreg s12  }
0xb: {  	p0 =	seq.s32 s3, $0x1;
	s22 =	simm.s32 $0x9000;
	s3 =	simm.s32 $0xE  }
0xc: {  	s4 =	sshrl.u32 s1, $0x3;
	s9 =	sshrl.u32 s21, $0x1;
	s8 =	sshrl.u32 s8, $0x2  }
0xd: {  	s10 =	sshrl.u32 s10, $0x3;
	s31 =	sor.u32 $0x200, s25;
	s25 =	simm.s32 $0x8000  }
0xe: {  	[dreg:$0x6] =	wrdreg s19;
	s4 =	sadd.s32 s4, s0;
	s1 =	sadd.s32 s1, s7  }
0xf: {  	s7 =	ssub.s32 s21, s9;
	s8 =	sadd.s32 s8, s2;
	s23 =	sadd.s32 s12, s10  }
0x10: {  	[dreg:$0xe] =	wrdreg s31;
	s21 =	simm.s32 $0x4000;
	s10 =	simm.s32 $0x5  }
0x11: {  	s12 =	simm.s32 $0x7;
	s4 =	sadd.s32 $0xAB200, s4;
	[dreg:$0x7] =	wrdreg s23  }
0x12: {  	s9 =	simm.s32 $0xA;
	s24 =	sadd.s32 $0x28000, s23;
	[dreg:$0x5] =	wrdreg s4  }
0x13: {  	s1 =	sshrl.u32 s1, $0x3;
	s26 =	sadd.s32 $0x200, s23;
	[dreg:$0x8] =	wrdreg s24  }
0x14: {  	s30 =	smax.u32 s7, $0x1;
	s1 =	sadd.s32 s1, s0;
	[dreg:$0x9] =	wrdreg s26  }
.Ltmp0:
0x15: {  	s4 =	sadd.s32 $0x28200, s23;
	[dreg:$0xd] =	wrdreg s30;
	(pc) =	sbr.rel .LBB2_1-.Ltmp0, $4  }
0x16: {  	s0 =	sadd.s32 $0x34200, s0;
	s24 =	simm.s32 $0x20;
	[dreg:$0xa] =	wrdreg s4  }
0x17: {  	s23 =	simm.s32 $0x6000;
	[dreg:$0xb] =	wrdreg s0;
	s28 =	sadd.s32 $0xD2A00, s1  }
0x18: {  	s26 =	simm.s32 $0xB000;
	s1 =	sshrl.u32 s8, $0x3;
	[dreg:$0xc] =	wrdreg s28  }
0x19: {  	s8 =	simm.s32 $0xB;
	s4 =	simm.s32 $0xF;
	[dreg:$0xf] =	wrdreg s1  }
.LBB2_12:
0x1a: {  	_ =	swait.ge [sflag:s15], $0x1000  }
0x1b: {  	[sflag:s15] =	ssyncset.done $0x0  }
0x1c: {  	[sflag:s15] =	ssyncadd.s32 $0xFFFFF000  }
0x1d: {  	_ =	swait.ge [sflag:s9], $0x1000  }
0x1e: {  	[sflag:s9] =	ssyncset.done $0x0  }
0x1f: {  	[sflag:s9] =	ssyncadd.s32 $0xFFFFF000  }
0x20: {  	_ =	swait.ge [sflag:s8], $0x1000  }
0x21: {  	[sflag:s8] =	ssyncset.done $0x0  }
0x22: {  	[sflag:s8] =	ssyncadd.s32 $0xFFFFF000  }
0x23: {  	_ =	swait.ge [sflag:s17], $0x1000  }
0x24: {  	[sflag:s17] =	ssyncset.done $0x0  }
0x25: {  	[sflag:s17] =	ssyncadd.s32 $0xFFFFF000  }
0x26: {  	_ =	swait.ge [sflag:s18], $0x1000  }
0x27: {  	[sflag:s18] =	ssyncset.done $0x0  }
0x28: {  	[sflag:s18] =	ssyncadd.s32 $0xFFFFF000  }
0x29: {  	_ =	swait.ge [sflag:s3], $0x1000  }
0x2a: {  	[sflag:s3] =	ssyncset.done $0x0  }
0x2b: {  	[sflag:s3] =	ssyncadd.s32 $0xFFFFF000  }
0x2c: {  	_ =	swait.ge [sflag:s4], $0x1000  }
0x2d: {  	[sflag:s4] =	ssyncset.done $0x0  }
0x2e: {  	[sflag:s4] =	ssyncadd.s32 $0xFFFFF000  }
0x2f: {  	_ =	swait.ge [sflag:s13], $0x1000  }
0x30: {  	[sflag:s13] =	ssyncset.done $0x0  }
0x31: {  	s23 =	simm.s32 $0x6000;
	s29 =	simm.s32 $0x7000;
	[sflag:s13] =	ssyncadd.s32 $0xFFFFF000  }
.LBB2_13:
0x32: {  	[bflag:$0x0] =	sbarrier.arrive $0xFFFF  }
0x33: {  	s19 =	rddreg [dreg:$0x6]  }
0x34: {  	s0 =	rddreg [dreg:$0xc]  }
0x35: {  	s20 =	simm.s32 $0x13;
	s1 =	rddreg [dreg:$0xf]  }
0x36: {  	[hbm:s0], [sflag:s19] =	dma.local [spmem:s1], $0x2780  }
0x37: {  	_ =	swait.ge [sflag:s20], $0x2780  }
0x38: {  	s16 =	rddreg [dreg:$0x3]  }
0x39: {  	s31 =	rddreg [dreg:$0xd];
	s16 =	sadd.s32 $0x1, s16  }
0x3a: {  	p1 =	sne.s32 s16, s31  }
.Ltmp1:
0x3b: {  	_ = 	snop;
	(pc) =	sbr.rel @!p1 .LBB2_14-.Ltmp1, $3  }
0x3c: {  	_ =	sdelay $0x1  }
0x3d: {  	s25 =	simm.s32 $0x8000;
	[sflag:s20] =	ssyncset.done $0x0  }
0x3e: {  	s22 =	simm.s32 $0x9000;
	s26 =	simm.s32 $0xB000;
	[sflag:s20] =	ssyncadd.s32 $0xFFFFD880  }
.LBB2_1:
0x3f: {  	[dreg:$0x3] =	wrdreg s16  }
0x40: {  	s0 =	rddreg [dreg:$0x5]  }
0x41: {  	[spmem:s1], [sflag:s19] =	dma.local [hbm:s0], $0x2780  }
.Ltmp2:
0x42: {  	_ =	swait.ge [sflag:s20], $0x2780;
	(pc) =	sbr.rel @!p0 .LBB2_2-.Ltmp2, $4  }
0x43: {  	[sflag:s20] =	ssyncset.done $0x0  }
0x44: {  	[sflag:s20] =	ssyncadd.s32 $0xFFFFD880  }
0x45: {  	[bflag:$0x0] =	sbarrier.arrive $0xFFFF  }
0x46: {  	s30 =	simm.s32 $0x0  }
0x47: {  	s0 =	rddreg [dreg:$0x8]  }
0x48: {  	[tilespmem:s30], [sflag:$0x11] =	stream.linear.gather [hbm4b:s0+s30], $0x1000, $0x38;
	[tilespmem:$0x1FC00] =	vst v63  }
0x49: {  	s20 =	rddreg [dreg:$0x7];
	s1 =	simm.s32 $0x2000;
	s7 =	simm.s32 $0x11  }
0x4a: {  	[tilespmem:s1], [sflag:$0x12] =	stream.linear.gather [hbm4b:s20+s30], $0x1000, $0x38;
	[tilespmem:$0x1FC00] =	vst v63  }
0x4b: {  	_ =	swait.ge [sflag:s7], $0x1000  }
0x4c: {  	[sflag:s7] =	ssyncset.done $0x0  }
0x4d: {  	s16 =	simm.s32 $0x12;
	[sflag:s7] =	ssyncadd.s32 $0xFFFFF000  }
0x4e: {  	_ =	swait.ge [sflag:s16], $0x1000  }
0x4f: {  	[sflag:s16] =	ssyncset.done $0x0  }
0x50: {  	s20 =	simm.s32 $0x1000;
	s19 =	rddreg [dreg:$0xa];
	[sflag:s16] =	ssyncadd.s32 $0xFFFFF000  }
0x51: {  	[tilespmem:s20], [sflag:$0x11] =	stream.linear.gather [hbm4b:s19+s30], $0x1000, $0x38;
	[tilespmem:$0x1FC00] =	vst v63  }
0x52: {  	s7 =	rddreg [dreg:$0x9];
	s16 =	simm.s32 $0x3000  }
0x53: {  	[tilespmem:s16], [sflag:$0x12] =	stream.linear.gather [hbm4b:s7+s30], $0x1000, $0x38;
	[tilespmem:$0x1FC00] =	vst v63  }
0x54: {  	_ = 	snop  }
0x55: {  	[tilespmem:s21], [sflag:$0x1] =	stream.indirect.gather [hbm4b:s6+s24], $0x80, s30, s24, $0xb8;
	[tilespmem:$0x1FC00] =	vst v63  }
0x56: {  	s19 =	simm.s32 $0x80;
	s20 =	simm.s32 $0x5000  }
0x57: {  	[tilespmem:s20], [sflag:$0x2] =	stream.indirect.gather [hbm4b:s6+s24], $0x80, s19, s24, $0xb8;
	[tilespmem:$0x1FC00] =	vst v63  }
0x58: {  	s1 =	simm.s32 $0x100  }
0x59: {  	[tilespmem:s23], [sflag:$0x3] =	stream.indirect.gather [hbm4b:s6+s24], $0x80, s1, s24, $0xb8;
	[tilespmem:$0x1FC00] =	vst v63  }
0x5a: {  	s7 =	simm.s32 $0x180  }
0x5b: {  	[tilespmem:s29], [sflag:$0x4] =	stream.indirect.gather [hbm4b:s6+s24], $0x80, s7, s24, $0xb8;
	[tilespmem:$0x1FC00] =	vst v63  }
0x5c: {  	s16 =	simm.s32 $0x200  }
0x5d: {  	[tilespmem:s25], [sflag:$0x5] =	stream.indirect.gather [hbm4b:s6+s24], $0x80, s16, s24, $0xb8;
	[tilespmem:$0x1FC00] =	vst v63  }
0x5e: {  	s31 =	simm.s32 $0xB000;
	s19 =	simm.s32 $0x280  }
0x5f: {  	[tilespmem:s22], [sflag:$0x6] =	stream.indirect.gather [hbm4b:s6+s24], $0x80, s19, s24, $0xb8;
	[tilespmem:$0x1FC00] =	vst v63  }
.Ltmp3:
0x60: {  	s22 =	simm.s32 $0x300;
	s19 =	simm.s32 $0xA000;
	(pc) =	sbr.rel .LBB2_8-.Ltmp3, $4  }
0x61: {  	[tilespmem:s19], [sflag:$0x7] =	stream.indirect.gather [hbm4b:s6+s24], $0x80, s22, s24, $0xb8;
	[tilespmem:$0x1FC00] =	vst v63  }
0x62: {  	s28 =	simm.s32 $0x0;
	s25 =	simm.s32 $0x380;
	s16 =	simm.s32 $0x8  }
0x63: {  	[tilespmem:s26], [sflag:$0x8] =	stream.indirect.gather [hbm4b:s6+s24], $0x80, s25, s24, $0xb8;
	[tilespmem:$0x1FC00] =	vst v63  }
0x64: {  	s22 =	simm.s32 $0x8000;
	s26 =	simm.s32 $0x9000;
	s25 =	simm.s32 $0x0  }
.LBB2_9:
0x65: {  	s1 =	simm.s32 $0x11  }
0x66: {  	_ =	swait.ge [sflag:s1], $0x1000  }
0x67: {  	[sflag:s1] =	ssyncset.done $0x0  }
0x68: {  	s20 =	simm.s32 $0x12;
	[sflag:s1] =	ssyncadd.s32 $0xFFFFF000  }
0x69: {  	_ =	swait.ge [sflag:s20], $0x1000  }
0x6a: {  	p1 =	sgt.u32 s30, $0x4A;
	[sflag:s20] =	ssyncset.done $0x0  }
0x6b: {  	s1 =	sshll.u32 @!p1 s29, $0x9;
	[sflag:s20] =	ssyncadd.s32 $0xFFFFF000;
	s20 =	rddreg [dreg:$0xe]  }
0x6c: {  	s29 =	rddreg [dreg:$0xb];
	s1 =	sadd.s32 @!p1 s20, s1;
	s20 =	sshll.u32 @!p1 s23, $0xC  }
0x6d: {  	s30 =	simm.s32 @!p1 $0x0;
	s21 =	sxor.u32 @!p1 $0x1000, s20;
	s29 =	sadd.s32 @!p1 s29, s1  }
0x6e: {  	[tilespmem:s21], [sflag:$0x11] =	stream.linear.gather @!p1 [hbm4b:s29+s30], $0x1000, $0x38;
	[tilespmem:$0x1FC00] =	vst v63  }
0x6f: {  	s21 =	rddreg [dreg:$0x4]  }
0x70: {  	s20 =	sxor.u32 @!p1 $0x3000, s20;
	s1 =	sadd.s32 @!p1 s21, s1  }
0x71: {  	[tilespmem:s20], [sflag:$0x12] =	stream.linear.gather @!p1 [hbm4b:s1+s30], $0x1000, $0x38;
	[tilespmem:$0x1FC00] =	vst v63  }
0x72: {  	s21 =	simm.s32 $0x4000;
	s20 =	simm.s32 $0x5000  }
.LBB2_11:
0x73: {  	_ =	swait.ge [sflag:s15], $0x1000  }
0x74: {  	s1 =	sshll.u32 s23, $0xC;
	s19 =	sshll.u32 s19, $0x7;
	[sflag:s15] =	ssyncset.done $0x0  }
0x75: {  	s1 =	sor.u32 s19, s1;
	[sflag:s15] =	ssyncadd.s32 $0xFFFFF000  }
0x76: {  	[tilespmem:s21], [sflag:$0x1] =	stream.indirect.gather [hbm4b:s6+s24], $0x80, s1, s24, $0xb8;
	[tilespmem:$0x1FC00] =	vst v63  }
0x77: {  	_ =	swait.ge [sflag:s9], $0x1000  }
0x78: {  	[sflag:s9] =	ssyncset.done $0x0  }
0x79: {  	s19 =	sadd.s32 $0x80, s1;
	[sflag:s9] =	ssyncadd.s32 $0xFFFFF000  }
0x7a: {  	[tilespmem:s20], [sflag:$0x2] =	stream.indirect.gather [hbm4b:s6+s24], $0x80, s19, s24, $0xb8;
	[tilespmem:$0x1FC00] =	vst v63  }
0x7b: {  	_ =	swait.ge [sflag:s8], $0x1000  }
0x7c: {  	[sflag:s8] =	ssyncset.done $0x0  }
0x7d: {  	s23 =	simm.s32 $0x6000;
	s7 =	sadd.s32 $0x100, s1;
	[sflag:s8] =	ssyncadd.s32 $0xFFFFF000  }
0x7e: {  	[tilespmem:s23], [sflag:$0x3] =	stream.indirect.gather [hbm4b:s6+s24], $0x80, s7, s24, $0xb8;
	[tilespmem:$0x1FC00] =	vst v63  }
0x7f: {  	_ =	swait.ge [sflag:s17], $0x1000  }
0x80: {  	[sflag:s17] =	ssyncset.done $0x0  }
0x81: {  	s29 =	simm.s32 $0x7000;
	s22 =	sadd.s32 $0x180, s1;
	[sflag:s17] =	ssyncadd.s32 $0xFFFFF000  }
0x82: {  	[tilespmem:s29], [sflag:$0x4] =	stream.indirect.gather [hbm4b:s6+s24], $0x80, s22, s24, $0xb8;
	[tilespmem:$0x1FC00] =	vst v63  }
0x83: {  	_ =	swait.ge [sflag:s18], $0x1000  }
0x84: {  	[sflag:s18] =	ssyncset.done $0x0  }
0x85: {  	s26 =	sadd.s32 $0x200, s1;
	s22 =	simm.s32 $0x8000;
	[sflag:s18] =	ssyncadd.s32 $0xFFFFF000  }
0x86: {  	[tilespmem:s22], [sflag:$0x5] =	stream.indirect.gather [hbm4b:s6+s24], $0x80, s26, s24, $0xb8;
	[tilespmem:$0x1FC00] =	vst v63  }
0x87: {  	_ =	swait.ge [sflag:s3], $0x1000  }
0x88: {  	[sflag:s3] =	ssyncset.done $0x0  }
0x89: {  	s7 =	sadd.s32 $0x280, s1;
	s26 =	simm.s32 $0x9000;
	[sflag:s3] =	ssyncadd.s32 $0xFFFFF000  }
0x8a: {  	[tilespmem:s26], [sflag:$0x6] =	stream.indirect.gather [hbm4b:s6+s24], $0x80, s7, s24, $0xb8;
	[tilespmem:$0x1FC00] =	vst v63  }
0x8b: {  	_ =	swait.ge [sflag:s4], $0x1000  }
0x8c: {  	s30 =	simm.s32 $0xA000;
	[sflag:s4] =	ssyncset.done $0x0  }
0x8d: {  	p1 =	seq.s32 s0, $0x50;
	s7 =	sadd.s32 $0x300, s1;
	[sflag:s4] =	ssyncadd.s32 $0xFFFFF000  }
0x8e: {  	[tilespmem:s30], [sflag:$0x7] =	stream.indirect.gather [hbm4b:s6+s24], $0x80, s7, s24, $0xb8;
	[tilespmem:$0x1FC00] =	vst v63  }
.Ltmp4:
0x8f: {  	s31 =	simm.s32 $0xB000;
	(pc) =	sbr.rel @p1 .LBB2_13-.Ltmp4, $4  }
0x90: {  	s16 =	sadd.s32 $0x8, s16;
	s28 =	sadd.s32 $0x1000, s28;
	_ =	swait.ge [sflag:s13], $0x1000  }
0x91: {  	s25 =	sadd.s32 $0x400, s25;
	s19 =	simm.s32 $0xA000;
	[sflag:s13] =	ssyncset.done $0x0  }
0x92: {  	s1 =	sadd.s32 $0x380, s1;
	s30 =	smov.u32 s0;
	[sflag:s13] =	ssyncadd.s32 $0xFFFFF000  }
0x93: {  	[tilespmem:s31], [sflag:$0x8] =	stream.indirect.gather [hbm4b:s6+s24], $0x80, s1, s24, $0xb8;
	[tilespmem:$0x1FC00] =	vst v63  }
.LBB2_8:
0x94: {  	s0 =	sand.u32 $0x3000, s28;
	s7 =	simm.s32 $0x1  }
0x95: {  	s1 =	sand.u32 $0x1000, s25;
	_ =	swait.ge [sflag:s7], $0x1000;
	s0 =	sshrl.u32 s0, $0x2  }
0x96: {  	[sflag:s7] =	ssyncset.done $0x0;
	s0 =	sor.u32 s0, s1  }
0x97: {  	[sflag:s7] =	ssyncadd.s32 $0xFFFFF000;
	s1 =	sor.u32 $0x2000, s0;
	s7 =	simm.s32 $0x2  }
0x98: {  	[spmem:s2] =	stream.indirect.scatter.add.f32 [tilespmem:s21], [sflag:$0x9], $0x80, s1, s24, $0xb8;
	[tilespmem:$0x1FC00] =	vst v63  }
0x99: {  	_ =	swait.ge [sflag:s7], $0x1000  }
0x9a: {  	[sflag:s7] =	ssyncset.done $0x0  }
0x9b: {  	[sflag:s7] =	ssyncadd.s32 $0xFFFFF000;
	s7 =	sor.u32 $0x2080, s0  }
0x9c: {  	[spmem:s2] =	stream.indirect.scatter.add.f32 [tilespmem:s20], [sflag:$0xA], $0x80, s7, s24, $0xb8;
	[tilespmem:$0x1FC00] =	vst v63  }
0x9d: {  	s7 =	simm.s32 $0x3  }
0x9e: {  	_ =	swait.ge [sflag:s7], $0x1000  }
0x9f: {  	[sflag:s7] =	ssyncset.done $0x0  }
0xa0: {  	[sflag:s7] =	ssyncadd.s32 $0xFFFFF000;
	s7 =	sor.u32 $0x2100, s0  }
0xa1: {  	[spmem:s2] =	stream.indirect.scatter.add.f32 [tilespmem:s23], [sflag:$0xB], $0x80, s7, s24, $0xb8;
	[tilespmem:$0x1FC00] =	vst v63  }
0xa2: {  	s7 =	simm.s32 $0x4  }
0xa3: {  	_ =	swait.ge [sflag:s7], $0x1000  }
0xa4: {  	[sflag:s7] =	ssyncset.done $0x0  }
0xa5: {  	s23 =	sor.u32 $0x2180, s0;
	[sflag:s7] =	ssyncadd.s32 $0xFFFFF000  }
0xa6: {  	[spmem:s2] =	stream.indirect.scatter.add.f32 [tilespmem:s29], [sflag:$0xC], $0x80, s23, s24, $0xb8;
	[tilespmem:$0x1FC00] =	vst v63  }
0xa7: {  	_ =	swait.ge [sflag:s10], $0x1000  }
0xa8: {  	[sflag:s10] =	ssyncset.done $0x0  }
0xa9: {  	s7 =	sor.u32 $0x2200, s0;
	[sflag:s10] =	ssyncadd.s32 $0xFFFFF000  }
0xaa: {  	[spmem:s2] =	stream.indirect.scatter.add.f32 [tilespmem:s22], [sflag:$0xD], $0x80, s7, s24, $0xb8;
	[tilespmem:$0x1FC00] =	vst v63  }
0xab: {  	_ =	swait.ge [sflag:s11], $0x1000  }
0xac: {  	[sflag:s11] =	ssyncset.done $0x0  }
0xad: {  	s23 =	sor.u32 $0x2280, s0;
	[sflag:s11] =	ssyncadd.s32 $0xFFFFF000  }
0xae: {  	[spmem:s2] =	stream.indirect.scatter.add.f32 [tilespmem:s26], [sflag:$0xE], $0x80, s23, s24, $0xb8;
	[tilespmem:$0x1FC00] =	vst v63  }
0xaf: {  	_ =	swait.ge [sflag:s12], $0x1000  }
0xb0: {  	[sflag:s12] =	ssyncset.done $0x0  }
0xb1: {  	s26 =	sor.u32 $0x2300, s0;
	[sflag:s12] =	ssyncadd.s32 $0xFFFFF000  }
0xb2: {  	[spmem:s2] =	stream.indirect.scatter.add.f32 [tilespmem:s19], [sflag:$0xF], $0x80, s26, s24, $0xb8;
	[tilespmem:$0x1FC00] =	vst v63  }
0xb3: {  	p1 =	seq.s32 s30, $0x4F;
	s19 =	sand.u32 $0x18, s16  }
0xb4: {  	_ =	swait.ge [sflag:s14], $0x1000;
	p2 =	sne.s32 @!p1 s19, $0x0  }
0xb5: {  	[sflag:s14] =	ssyncset.done $0x0;
	p2 =	por p1, p2  }
.Ltmp5:
0xb6: {  	s0 =	sor.u32 $0x2380, s0;
	[sflag:s14] =	ssyncadd.s32 $0xFFFFF000;
	(pc) =	sbr.rel @!p2 .LBB2_9-.Ltmp5, $4  }
0xb7: {  	[spmem:s2] =	stream.indirect.scatter.add.f32 [tilespmem:s31], [sflag:$0x10], $0x80, s0, s24, $0xb8;
	[tilespmem:$0x1FC00] =	vst v63  }
0xb8: {  	s0 =	sadd.s32 $0x1, s30  }
0xb9: {  	s29 =	sshrl.u32 s0, $0x2  }
0xba: {  	s23 =	sand.u32 $0x1, s29  }
.Ltmp6:
0xbb: {  	(pc) =	sbr.rel @!p1 .LBB2_11-.Ltmp6, $4  }
.Ltmp7:
0xbc: {  	(pc) =	sbr.rel @p1 .LBB2_12-.Ltmp7, $4  }
0xbd: {  	_ = 	snop  }
0xbe: {  	_ = 	snop  }
0xbf: {  	_ = 	snop  }
0xc0: {  	_ = 	snop  }
.LBB2_2:
0xc1: {  	s0 =	rddreg [dreg:$0x7]  }
0xc2: {  	[tilespmem:s30], [sflag:$0x11] =	stream.linear.gather [hbm4b:s0+s30], $0x1000, $0x38;
	[tilespmem:$0x1FC00] =	vst v63  }
0xc3: {  	s20 =	rddreg [dreg:$0x8];
	s1 =	simm.s32 $0x2000;
	s7 =	simm.s32 $0x11  }
0xc4: {  	[tilespmem:s1], [sflag:$0x12] =	stream.linear.gather [hbm4b:s20+s30], $0x1000, $0x38;
	[tilespmem:$0x1FC00] =	vst v63  }
0xc5: {  	_ =	swait.ge [sflag:s7], $0x1000  }
0xc6: {  	[sflag:s7] =	ssyncset.done $0x0  }
0xc7: {  	s16 =	simm.s32 $0x12;
	[sflag:s7] =	ssyncadd.s32 $0xFFFFF000  }
0xc8: {  	_ =	swait.ge [sflag:s16], $0x1000  }
0xc9: {  	[sflag:s16] =	ssyncset.done $0x0  }
0xca: {  	s20 =	simm.s32 $0x1000;
	s19 =	rddreg [dreg:$0x9];
	[sflag:s16] =	ssyncadd.s32 $0xFFFFF000  }
0xcb: {  	[tilespmem:s20], [sflag:$0x11] =	stream.linear.gather [hbm4b:s19+s30], $0x1000, $0x38;
	[tilespmem:$0x1FC00] =	vst v63  }
0xcc: {  	s7 =	simm.s32 $0x3000;
	s1 =	rddreg [dreg:$0xa]  }
0xcd: {  	[tilespmem:s7], [sflag:$0x12] =	stream.linear.gather [hbm4b:s1+s30], $0x1000, $0x38;
	[tilespmem:$0x1FC00] =	vst v63  }
0xce: {  	_ = 	snop  }
0xcf: {  	[tilespmem:s21], [sflag:$0x1] =	stream.indirect.gather [hbm4b:s5+s24], $0x80, s30, s24, $0xb8;
	[tilespmem:$0x1FC00] =	vst v63  }
0xd0: {  	s16 =	simm.s32 $0x80;
	s20 =	simm.s32 $0x5000  }
0xd1: {  	[tilespmem:s20], [sflag:$0x2] =	stream.indirect.gather [hbm4b:s5+s24], $0x80, s16, s24, $0xb8;
	[tilespmem:$0x1FC00] =	vst v63  }
0xd2: {  	s19 =	simm.s32 $0x100  }
0xd3: {  	[tilespmem:s23], [sflag:$0x3] =	stream.indirect.gather [hbm4b:s5+s24], $0x80, s19, s24, $0xb8;
	[tilespmem:$0x1FC00] =	vst v63  }
0xd4: {  	s1 =	simm.s32 $0x180  }
0xd5: {  	[tilespmem:s29], [sflag:$0x4] =	stream.indirect.gather [hbm4b:s5+s24], $0x80, s1, s24, $0xb8;
	[tilespmem:$0x1FC00] =	vst v63  }
0xd6: {  	s7 =	simm.s32 $0x200  }
0xd7: {  	[tilespmem:s25], [sflag:$0x5] =	stream.indirect.gather [hbm4b:s5+s24], $0x80, s7, s24, $0xb8;
	[tilespmem:$0x1FC00] =	vst v63  }
0xd8: {  	s31 =	simm.s32 $0xB000;
	s16 =	simm.s32 $0x280  }
0xd9: {  	[tilespmem:s22], [sflag:$0x6] =	stream.indirect.gather [hbm4b:s5+s24], $0x80, s16, s24, $0xb8;
	[tilespmem:$0x1FC00] =	vst v63  }
.Ltmp8:
0xda: {  	s19 =	simm.s32 $0x300;
	s22 =	simm.s32 $0xA000;
	(pc) =	sbr.rel .LBB2_3-.Ltmp8, $4  }
0xdb: {  	[tilespmem:s22], [sflag:$0x7] =	stream.indirect.gather [hbm4b:s5+s24], $0x80, s19, s24, $0xb8;
	[tilespmem:$0x1FC00] =	vst v63  }
0xdc: {  	s28 =	simm.s32 $0x0;
	s25 =	simm.s32 $0x380;
	s16 =	simm.s32 $0x8  }
0xdd: {  	[tilespmem:s26], [sflag:$0x8] =	stream.indirect.gather [hbm4b:s5+s24], $0x80, s25, s24, $0xb8;
	[tilespmem:$0x1FC00] =	vst v63  }
0xde: {  	s22 =	simm.s32 $0x8000;
	s26 =	simm.s32 $0x9000;
	s25 =	simm.s32 $0x0  }
.LBB2_4:
0xdf: {  	s1 =	simm.s32 $0x11  }
0xe0: {  	_ =	swait.ge [sflag:s1], $0x1000  }
0xe1: {  	[sflag:s1] =	ssyncset.done $0x0  }
0xe2: {  	s31 =	simm.s32 $0x12;
	p1 =	sgt.u32 s30, $0x4A;
	[sflag:s1] =	ssyncadd.s32 $0xFFFFF000  }
0xe3: {  	s30 =	sshll.u32 @!p1 s23, $0xC;
	_ =	swait.ge [sflag:s31], $0x1000  }
0xe4: {  	s29 =	sshll.u32 @!p1 s29, $0x9;
	s20 =	sxor.u32 @!p1 $0x1000, s30;
	s1 =	rddreg [dreg:$0xe]  }
0xe5: {  	[sflag:s31] =	ssyncset.done $0x0;
	s29 =	sadd.s32 @!p1 s1, s29;
	s1 =	rddreg [dreg:$0x4]  }
0xe6: {  	[sflag:s31] =	ssyncadd.s32 $0xFFFFF000;
	s21 =	sadd.s32 @!p1 s1, s29;
	s1 =	simm.s32 @!p1 $0x0  }
0xe7: {  	[tilespmem:s20], [sflag:$0x11] =	stream.linear.gather @!p1 [hbm4b:s21+s1], $0x1000, $0x38;
	[tilespmem:$0x1FC00] =	vst v63  }
0xe8: {  	s21 =	rddreg [dreg:$0xb]  }
0xe9: {  	s20 =	sxor.u32 @!p1 $0x3000, s30;
	s21 =	sadd.s32 @!p1 s29, s21  }
0xea: {  	[tilespmem:s20], [sflag:$0x12] =	stream.linear.gather @!p1 [hbm4b:s21+s1], $0x1000, $0x38;
	[tilespmem:$0x1FC00] =	vst v63  }
0xeb: {  	s20 =	simm.s32 $0x5000;
	s21 =	simm.s32 $0x4000  }
.LBB2_6:
0xec: {  	_ =	swait.ge [sflag:s15], $0x1000  }
0xed: {  	s1 =	sshll.u32 s23, $0xC;
	s19 =	sshll.u32 s19, $0x7;
	[sflag:s15] =	ssyncset.done $0x0  }
0xee: {  	s1 =	sor.u32 s19, s1;
	[sflag:s15] =	ssyncadd.s32 $0xFFFFF000  }
0xef: {  	[tilespmem:s21], [sflag:$0x1] =	stream.indirect.gather [hbm4b:s5+s24], $0x80, s1, s24, $0xb8;
	[tilespmem:$0x1FC00] =	vst v63  }
0xf0: {  	_ =	swait.ge [sflag:s9], $0x1000  }
0xf1: {  	[sflag:s9] =	ssyncset.done $0x0  }
0xf2: {  	s19 =	sadd.s32 $0x80, s1;
	[sflag:s9] =	ssyncadd.s32 $0xFFFFF000  }
0xf3: {  	[tilespmem:s20], [sflag:$0x2] =	stream.indirect.gather [hbm4b:s5+s24], $0x80, s19, s24, $0xb8;
	[tilespmem:$0x1FC00] =	vst v63  }
0xf4: {  	_ =	swait.ge [sflag:s8], $0x1000  }
0xf5: {  	[sflag:s8] =	ssyncset.done $0x0  }
0xf6: {  	s23 =	simm.s32 $0x6000;
	s7 =	sadd.s32 $0x100, s1;
	[sflag:s8] =	ssyncadd.s32 $0xFFFFF000  }
0xf7: {  	[tilespmem:s23], [sflag:$0x3] =	stream.indirect.gather [hbm4b:s5+s24], $0x80, s7, s24, $0xb8;
	[tilespmem:$0x1FC00] =	vst v63  }
0xf8: {  	_ =	swait.ge [sflag:s17], $0x1000  }
0xf9: {  	[sflag:s17] =	ssyncset.done $0x0  }
0xfa: {  	s29 =	simm.s32 $0x7000;
	s22 =	sadd.s32 $0x180, s1;
	[sflag:s17] =	ssyncadd.s32 $0xFFFFF000  }
0xfb: {  	[tilespmem:s29], [sflag:$0x4] =	stream.indirect.gather [hbm4b:s5+s24], $0x80, s22, s24, $0xb8;
	[tilespmem:$0x1FC00] =	vst v63  }
0xfc: {  	_ =	swait.ge [sflag:s18], $0x1000  }
0xfd: {  	[sflag:s18] =	ssyncset.done $0x0  }
0xfe: {  	s26 =	sadd.s32 $0x200, s1;
	s22 =	simm.s32 $0x8000;
	[sflag:s18] =	ssyncadd.s32 $0xFFFFF000  }
0xff: {  	[tilespmem:s22], [sflag:$0x5] =	stream.indirect.gather [hbm4b:s5+s24], $0x80, s26, s24, $0xb8;
	[tilespmem:$0x1FC00] =	vst v63  }
0x100: {  	_ =	swait.ge [sflag:s3], $0x1000  }
0x101: {  	[sflag:s3] =	ssyncset.done $0x0  }
0x102: {  	s7 =	sadd.s32 $0x280, s1;
	s26 =	simm.s32 $0x9000;
	[sflag:s3] =	ssyncadd.s32 $0xFFFFF000  }
0x103: {  	[tilespmem:s26], [sflag:$0x6] =	stream.indirect.gather [hbm4b:s5+s24], $0x80, s7, s24, $0xb8;
	[tilespmem:$0x1FC00] =	vst v63  }
0x104: {  	_ =	swait.ge [sflag:s4], $0x1000  }
0x105: {  	s30 =	simm.s32 $0xA000;
	[sflag:s4] =	ssyncset.done $0x0  }
0x106: {  	p1 =	seq.s32 s0, $0x50;
	s7 =	sadd.s32 $0x300, s1;
	[sflag:s4] =	ssyncadd.s32 $0xFFFFF000  }
0x107: {  	[tilespmem:s30], [sflag:$0x7] =	stream.indirect.gather [hbm4b:s5+s24], $0x80, s7, s24, $0xb8;
	[tilespmem:$0x1FC00] =	vst v63  }
.Ltmp9:
0x108: {  	_ = 	snop;
	(pc) =	sbr.rel @p1 .LBB2_13-.Ltmp9, $4  }
0x109: {  	s31 =	simm.s32 $0xB000;
	s16 =	sadd.s32 $0x8, s16;
	_ =	swait.ge [sflag:s13], $0x1000  }
0x10a: {  	s28 =	sadd.s32 $0x1000, s28;
	s25 =	sadd.s32 $0x400, s25;
	[sflag:s13] =	ssyncset.done $0x0  }
0x10b: {  	s1 =	sadd.s32 $0x380, s1;
	s30 =	smov.u32 s0;
	[sflag:s13] =	ssyncadd.s32 $0xFFFFF000  }
0x10c: {  	[tilespmem:s31], [sflag:$0x8] =	stream.indirect.gather [hbm4b:s5+s24], $0x80, s1, s24, $0xb8;
	[tilespmem:$0x1FC00] =	vst v63  }
.LBB2_3:
0x10d: {  	s0 =	sand.u32 $0x3000, s28;
	s7 =	simm.s32 $0x1  }
0x10e: {  	s19 =	sand.u32 $0x1000, s25;
	_ =	swait.ge [sflag:s7], $0x1000;
	s0 =	sshrl.u32 s0, $0x2  }
0x10f: {  	[sflag:s7] =	ssyncset.done $0x0;
	s0 =	sor.u32 s0, s19  }
0x110: {  	[sflag:s7] =	ssyncadd.s32 $0xFFFFF000;
	s19 =	sor.u32 $0x2000, s0  }
0x111: {  	[spmem:s2] =	stream.indirect.scatter.add.f32 [tilespmem:s21], [sflag:$0x9], $0x80, s19, s24, $0xb8;
	[tilespmem:$0x1FC00] =	vst v63  }
0x112: {  	s19 =	simm.s32 $0x2  }
0x113: {  	_ =	swait.ge [sflag:s19], $0x1000  }
0x114: {  	[sflag:s19] =	ssyncset.done $0x0  }
0x115: {  	s7 =	sor.u32 $0x2080, s0;
	[sflag:s19] =	ssyncadd.s32 $0xFFFFF000;
	s19 =	simm.s32 $0x3  }
0x116: {  	[spmem:s2] =	stream.indirect.scatter.add.f32 [tilespmem:s20], [sflag:$0xA], $0x80, s7, s24, $0xb8;
	[tilespmem:$0x1FC00] =	vst v63  }
0x117: {  	_ =	swait.ge [sflag:s19], $0x1000  }
0x118: {  	[sflag:s19] =	ssyncset.done $0x0  }
0x119: {  	s7 =	sor.u32 $0x2100, s0;
	[sflag:s19] =	ssyncadd.s32 $0xFFFFF000;
	s19 =	simm.s32 $0x4  }
0x11a: {  	[spmem:s2] =	stream.indirect.scatter.add.f32 [tilespmem:s23], [sflag:$0xB], $0x80, s7, s24, $0xb8;
	[tilespmem:$0x1FC00] =	vst v63  }
0x11b: {  	_ =	swait.ge [sflag:s19], $0x1000  }
0x11c: {  	[sflag:s19] =	ssyncset.done $0x0  }
0x11d: {  	s23 =	sor.u32 $0x2180, s0;
	[sflag:s19] =	ssyncadd.s32 $0xFFFFF000  }
0x11e: {  	[spmem:s2] =	stream.indirect.scatter.add.f32 [tilespmem:s29], [sflag:$0xC], $0x80, s23, s24, $0xb8;
	[tilespmem:$0x1FC00] =	vst v63  }
0x11f: {  	_ =	swait.ge [sflag:s10], $0x1000  }
0x120: {  	[sflag:s10] =	ssyncset.done $0x0  }
0x121: {  	s7 =	sor.u32 $0x2200, s0;
	[sflag:s10] =	ssyncadd.s32 $0xFFFFF000  }
0x122: {  	[spmem:s2] =	stream.indirect.scatter.add.f32 [tilespmem:s22], [sflag:$0xD], $0x80, s7, s24, $0xb8;
	[tilespmem:$0x1FC00] =	vst v63  }
0x123: {  	_ =	swait.ge [sflag:s11], $0x1000  }
0x124: {  	[sflag:s11] =	ssyncset.done $0x0  }
0x125: {  	s23 =	sor.u32 $0x2280, s0;
	[sflag:s11] =	ssyncadd.s32 $0xFFFFF000  }
0x126: {  	[spmem:s2] =	stream.indirect.scatter.add.f32 [tilespmem:s26], [sflag:$0xE], $0x80, s23, s24, $0xb8;
	[tilespmem:$0x1FC00] =	vst v63  }
0x127: {  	_ =	swait.ge [sflag:s12], $0x1000  }
0x128: {  	s1 =	simm.s32 $0xA000;
	p1 =	seq.s32 s30, $0x4F;
	[sflag:s12] =	ssyncset.done $0x0  }
0x129: {  	s19 =	sand.u32 $0x18, s16;
	s26 =	sor.u32 $0x2300, s0;
	[sflag:s12] =	ssyncadd.s32 $0xFFFFF000  }
0x12a: {  	[spmem:s2] =	stream.indirect.scatter.add.f32 [tilespmem:s1], [sflag:$0xF], $0x80, s26, s24, $0xb8;
	[tilespmem:$0x1FC00] =	vst v63  }
0x12b: {  	p2 =	sne.s32 @!p1 s19, $0x0;
	_ =	swait.ge [sflag:s14], $0x1000  }
0x12c: {  	p2 =	por p1, p2;
	[sflag:s14] =	ssyncset.done $0x0  }
.Ltmp10:
0x12d: {  	s0 =	sor.u32 $0x2380, s0;
	[sflag:s14] =	ssyncadd.s32 $0xFFFFF000;
	(pc) =	sbr.rel @!p2 .LBB2_4-.Ltmp10, $4  }
0x12e: {  	[spmem:s2] =	stream.indirect.scatter.add.f32 [tilespmem:s31], [sflag:$0x10], $0x80, s0, s24, $0xb8;
	[tilespmem:$0x1FC00] =	vst v63  }
0x12f: {  	s0 =	sadd.s32 $0x1, s30  }
0x130: {  	s29 =	sshrl.u32 s0, $0x2  }
0x131: {  	s23 =	sand.u32 $0x1, s29  }
.Ltmp11:
0x132: {  	(pc) =	sbr.rel @!p1 .LBB2_6-.Ltmp11, $4  }
.Ltmp12:
0x133: {  	(pc) =	sbr.rel @p1 .LBB2_12-.Ltmp12, $4  }
0x134: {  	_ = 	snop  }
0x135: {  	_ = 	snop  }
0x136: {  	_ = 	snop  }
0x137: {  	_ = 	snop  }
.LBB2_14:
0x138: {  	_ =	sfence.sel $0x180000  }
0x139: {  	[bflag:$0x0] =	sbarrier.arrive $0xFFFF  }
0x13a: {  	_ =	strace $0x9000004A  }
0x13b: {  	s0 =	stileid.u32;
	[bflag:$0x2] =	sbarrier.arrive $0xFFFF  }
0x13c: {  	p0 =	sne.s32 s0, $0x0;
	s0 =	rddreg [dreg:$0x2]  }
0x13d: {  	s0 =	sadd.s32 @!p0 $0x100000, s0  }
0x13e: {  	[sflag:s0] =	ssyncadd.tile.s32 @!p0 $0x1;
	_ =	shalt  }
.Lfunc_end2:
_tile_overlayer_lowered:
.L_overlay_start_2:
0x13f: {  	(tag) =	ssettag $0x2  }
0x140: {  	s0 =	rddreg [dreg:$0x0];
	s2 =	stileid.u32  }
0x141: {  	s1 =	rddreg [dreg:$0x1];
	p0 =	sne.s32 s2, $0x0  }
0x142: {  	s3 =	rddreg [dreg:$0x2];
	[bflag:$0x3] =	sbarrier.arrive $0xFFFF;
	s2 =	simm.s32 @!p0 $0x1C13  }
0x143: {  	[timem:s3], [sflag:s2] =	dma.local @!p0 [hbm:s0], s1  }
0x144: {  	s0 =	simm.s32 @!p0 $0x13  }
0x145: {  	_ =	swait.ge @!p0 [sflag:s0], s1  }
0x146: {  	s1 =	ssub.s32 @!p0 $0x0, s1;
	[sflag:s0] =	ssyncset.done @!p0 $0x0  }
0x147: {  	[sflag:s0] =	ssyncadd.s32 @!p0 s1  }
0x148: {  	[bflag:$0x3] =	sbarrier.arrive $0xFFFF  }
0x149: {  	_ =	shalt  }

</sc_bundles>
